<compile_context>
chip_gen: v7x
topology: tpu7x:2x2x1
jax: 0.10.2.dev20260603
libtpu: 0.0.44.dev20260713+nightly
codegen_flags: <defaults>
</compile_context>

<pallas_src>
import functools

import numpy as np
import jax
import jax.numpy as jnp
from jax import lax
from jax.experimental import pallas as pl
from jax.experimental.pallas import tpu as pltpu
from jax.experimental.pallas import tpu_sc as plsc

B = 1024
L = 50
D = 64
V = 100000
NUM_NEG = 2
S = NUM_NEG * L
SP = 104
SEQP = 56

_KS = (0, 42, 0 ^ 42 ^ 0x1BD11BDA)
_ROT = ((13, 15, 26, 6), (17, 29, 16, 24))
_MININT = -(2 ** 31)


def _rotl(x, d):
    return lax.shift_left(x, np.int32(d)) | lax.shift_right_logical(
        x, np.int32(32 - d))


def _i32(c):
    c = c & 0xFFFFFFFF
    if c >= 2 ** 31:
        c -= 2 ** 32
    return np.int32(c)


def _threefry_core(x0, x1):
    for r in range(5):
        for d in _ROT[r % 2]:
            x0 = x0 + x1
            x1 = _rotl(x1, d)
            x1 = x1 ^ x0
        inj0 = _KS[(r + 1) % 3]
        inj1 = _KS[(r + 2) % 3] + (r + 1)
        if inj0:
            x0 = x0 + _i32(inj0)
        if inj1:
            x1 = x1 + _i32(inj1)
    return x0 ^ x1


B_TC = 736


def _make_sampler(NB, VV, C, RT):
    n_chunks = -(-VV // C)
    NT = SP // RT

    base = ((np.arange(SP, dtype=np.int64)[:, None] * B
             + np.arange(NB, dtype=np.int64)[None, :]) * VV).T
    assert np.all((base & 0xFFFFFFFF) + VV <= 2 ** 32)
    base_hi2 = (base >> 32).astype(np.int32)[:, :, None]
    base_lo42 = ((base + _KS[1]) & 0xFFFFFFFF).astype(
        np.uint32).view(np.int32)[:, :, None]

    def body(seq_ref, bhi_ref, blo_ref, out_ref):
        seq = seq_ref[0]

        def chunk(j, carry):
            iota = (lax.broadcasted_iota(jnp.int32, (1, C), 1)
                    + j * np.int32(C))
            hit = jnp.any(seq == iota, axis=0, keepdims=True)
            allowed = (~hit) & (iota != 0) & (iota < np.int32(VV))
            out = []
            for t in range(NT):
                best, bidx = carry[2 * t], carry[2 * t + 1]
                blo42 = blo_ref[0, RT * t:RT * t + RT, :]
                x0 = bhi_ref[0, RT * t:RT * t + RT, :]
                x1 = blo42 + iota
                bits = _threefry_core(x0, x1)
                key = lax.shift_right_logical(bits, np.int32(9))
                key = jnp.where(allowed, key, np.int32(-1))
                cmax = jnp.max(key, axis=1, keepdims=True)
                cidx = jnp.min(
                    jnp.where(key == cmax, iota, np.int32(2 ** 30)),
                    axis=1, keepdims=True)
                upd = cmax > best
                out.append(jnp.where(upd, cmax, best))
                out.append(jnp.where(upd, cidx, bidx))
            return tuple(out)

        init = []
        for _ in range(NT):
            init.append(jnp.full((RT, 1), -1, jnp.int32))
            init.append(jnp.zeros((RT, 1), jnp.int32))
        res = lax.fori_loop(0, n_chunks, chunk, tuple(init), unroll=2)
        for t in range(NT):
            out_ref[0, RT * t:RT * t + RT, :] = res[2 * t + 1]

    call = pl.pallas_call(
        body,
        grid=(NB,),
        in_specs=[
            pl.BlockSpec((1, SEQP, 1), lambda b: (b, 0, 0)),
            pl.BlockSpec((1, SP, 1), lambda b: (b, 0, 0)),
            pl.BlockSpec((1, SP, 1), lambda b: (b, 0, 0)),
        ],
        out_specs=pl.BlockSpec((1, SP, 1), lambda b: (b, 0, 0)),
        out_shape=jax.ShapeDtypeStruct((NB, SP, 1), jnp.int32),
    )

    def run(seq3):
        return call(seq3, jnp.asarray(base_hi2), jnp.asarray(base_lo42))

    return run


_sampler = _make_sampler(B_TC, V, 1024, 104)


def _make_sc_sampler(nb_sc):
    info = plsc.get_sparse_core_info()
    nw = info.num_cores * info.num_subcores
    rows_w = nb_sc // nw
    assert nb_sc % nw == 0 and V % 16 == 0
    NV16 = V // 16
    mesh = plsc.VectorSubcoreMesh(core_axis_name="c", subcore_axis_name="s")
    X1C = _i32(_MININT + _KS[1])
    MINI = np.int32(_MININT)

    @functools.partial(
        pl.kernel, mesh=mesh,
        out_type=jax.ShapeDtypeStruct((nb_sc, SP), jnp.int32),
        compiler_params=pltpu.CompilerParams(use_tc_tiling_on_sc=False,
                                             needs_layout_passes=False),
        scratch_types=[
            pltpu.VMEM((64,), jnp.int32),
            pltpu.VMEM((V,), jnp.int32),
            pltpu.VMEM((SP,), jnp.int32),
            pltpu.SemaphoreType.DMA,
        ],
    )
    def sck(seq_hbm, neg1_hbm, out_hbm, seq_v, allow_v, out_v, sem):
        wid = lax.axis_index("s") * info.num_cores + lax.axis_index("c")
        iota16 = lax.iota(jnp.int32, 16)
        lane0 = iota16 == 0
        zeros16 = jnp.zeros((16,), jnp.int32)

        def row_step(r, tok):
            row = wid * np.int32(rows_w) + r
            bglob = np.int32(B_TC) + row
            pltpu.sync_copy(seq_hbm.at[row], seq_v)
            pltpu.sync_copy(neg1_hbm, allow_v)
            for k in range(4):
                idx16 = seq_v[pl.ds(16 * k, 16)]
                plsc.store_scatter(allow_v, [idx16], zeros16)

            def s_step(s, tok2):
                m = s * np.int32(B) + bglob
                a1 = lax.shift_right_logical(m, np.int32(16))
                a0 = m & np.int32(0xFFFF)
                low = a0 * np.int32(34464)
                mid = a1 * np.int32(34464) + a0
                ssum = mid + lax.shift_right_logical(low, np.int32(16))
                plo = (lax.shift_left(ssum, np.int32(16))
                       | (low & np.int32(0xFFFF)))
                phi = a1 + lax.shift_right_logical(ssum, np.int32(16))
                hi0v = jnp.full((16,), phi, jnp.int32)
                hi1v = hi0v + np.int32(1)
                plov = jnp.full((16,), plo ^ MINI, jnp.int32)

                def v_step(j, carry):
                    vv, sv, best, bidx = carry
                    nlo = plov + vv
                    cb = nlo < sv
                    x0 = jnp.where(cb, hi1v, hi0v)
                    x1 = nlo + X1C
                    bits = _threefry_core(x0, x1)
                    key = lax.shift_right_logical(bits, np.int32(9))
                    key = key & allow_v[pl.ds(j * 16, 16)]
                    upd = key > best
                    best = jnp.where(upd, key, best)
                    bidx = jnp.where(upd, vv, bidx)
                    return (vv + np.int32(16), sv + np.int32(16), best, bidx)

                _, _, best, bidx = lax.fori_loop(
                    0, NV16, v_step,
                    (iota16, iota16 + MINI, zeros16, zeros16), unroll=4)
                kmax = jnp.max(best)
                cand = jnp.where(best == kmax, bidx, np.int32(2 ** 30))
                vmin = jnp.min(cand)
                plsc.store_scatter(out_v, [jnp.full((16,), s, jnp.int32)],
                                   jnp.full((16,), vmin, jnp.int32),
                                   mask=lane0)
                return tok2

            lax.fori_loop(0, S, s_step, 0)
            pltpu.sync_copy(out_v, out_hbm.at[row])
            return tok

        lax.fori_loop(0, rows_w, row_step, 0)

    return sck


_sc_cache = {}


def _sc_sampler(seq_pad, neg1):
    k = _sc_cache.get("sk")
    if k is None:
        k = _make_sc_sampler(B - B_TC)
        _sc_cache["sk"] = k
    return k(seq_pad, neg1)


def _make_gather(N, Dd):
    info = plsc.get_sparse_core_info()
    nw = info.num_cores * info.num_subcores
    per_w = N // nw
    CH = 120
    n_ch = per_w // CH
    assert per_w % CH == 0 and N % nw == 0
    mesh = plsc.VectorSubcoreMesh(core_axis_name="c", subcore_axis_name="s")

    @functools.partial(
        pl.kernel, mesh=mesh,
        out_type=jax.ShapeDtypeStruct((N, Dd), jnp.float32),
        compiler_params=pltpu.CompilerParams(use_tc_tiling_on_sc=False),
        scratch_types=[
            pltpu.VMEM((CH,), jnp.int32),
            pltpu.VMEM((CH, Dd), jnp.float32),
            pltpu.SemaphoreType.DMA,
        ],
    )
    def gk(emb_hbm, idx_hbm, out_hbm, idx_v, rows_v, sem):
        wid = lax.axis_index("s") * info.num_cores + lax.axis_index("c")
        base = wid * np.int32(per_w)

        def step(c, tok):
            off = pl.multiple_of(base + c * np.int32(CH), 8)
            pltpu.sync_copy(idx_hbm.at[pl.ds(off, CH)], idx_v)
            pltpu.async_copy(emb_hbm.at[idx_v], rows_v, sem).wait()
            pltpu.sync_copy(rows_v, out_hbm.at[pl.ds(off, CH)])
            return tok

        lax.fori_loop(0, n_ch, step, 0)

    return gk


_gather_cache = {}


def _gather(emb, idx):
    gk = _gather_cache.get("gk")
    if gk is None:
        gk = _make_gather(B * L * (1 + NUM_NEG), D)
        _gather_cache["gk"] = gk
    return gk(emb, idx)


def _make_scores(N, Dd, R):

    def body(q_ref, p_ref, n_ref, t_ref, out_ref):
        q = q_ref[...]
        sp = jnp.sum(q * p_ref[...], axis=1, keepdims=True)
        n2 = n_ref[...]
        s0 = jnp.sum(q * n2[:, :Dd], axis=1, keepdims=True)
        s1 = jnp.sum(q * n2[:, Dd:], axis=1, keepdims=True)
        sp = jnp.where(t_ref[...] == 0, -jnp.inf, sp)
        out_ref[:, 0:1] = sp
        out_ref[:, 1:2] = s0
        out_ref[:, 2:3] = s1

    return pl.pallas_call(
        body,
        grid=(N // R,),
        in_specs=[
            pl.BlockSpec((R, Dd), lambda i: (i, 0)),
            pl.BlockSpec((R, Dd), lambda i: (i, 0)),
            pl.BlockSpec((R, 2 * Dd), lambda i: (i, 0)),
            pl.BlockSpec((R, 1), lambda i: (i, 0)),
        ],
        out_specs=pl.BlockSpec((R, 3), lambda i: (i, 0)),
        out_shape=jax.ShapeDtypeStruct((N, 3), jnp.float32),
    )


_scores = _make_scores(B * L, D, 512)


def kernel(query, item_emb, user_seq, target_item):
    seq3 = jnp.concatenate(
        [user_seq.astype(jnp.int32),
         jnp.zeros((B, SEQP - L), jnp.int32)], axis=1)[:, :, None]
    seq_pad = jnp.concatenate(
        [user_seq[B_TC:].astype(jnp.int32),
         jnp.zeros((B - B_TC, 64 - L), jnp.int32)], axis=1)
    neg1 = jnp.full((V,), -1, jnp.int32)
    samples_tc = _sampler(seq3[:B_TC])
    samples_sc = _sc_sampler(seq_pad, neg1)
    samples = jnp.concatenate([samples_tc[:, :, 0], samples_sc], axis=0)
    neg = samples[:, :S].reshape(B * L * NUM_NEG)
    tgt = target_item.astype(jnp.int32).reshape(B * L)
    all_idx = jnp.concatenate([tgt, neg])
    rows = _gather(item_emb, all_idx)
    out = _scores(
        query.reshape(B * L, D),
        rows[:B * L],
        rows[B * L:].reshape(B * L, 2 * D),
        tgt.reshape(B * L, 1),
    )
    return out.reshape(B, L, 1 + NUM_NEG)

# --- scband reference (transcript-rebuilt; emitter-appended) ---
"""Pipeline reference for scband-base-model-7859790152049 (READ-ONLY COPY).

The authoritative reference and input builder live on the scoring server;
editing this copy changes nothing except your own understanding.
"""

import jax, jax.numpy as jnp
import numpy as np

B = 1024
L = 50
D = 64
V = 100000
NUM_NEG = 2


def setup_inputs(seed: int = 0) -> dict:
    key = jax.random.key(seed)
    k1, k2, k3, k4 = jax.random.split(key, 4)
    query = jax.random.normal(k1, (B, L, D), dtype=jnp.float32)
    item_emb = jax.random.normal(k2, (V, D), dtype=jnp.float32) * 0.02
    user_seq = jax.random.randint(k3, (B, L), 0, V)
    target_item = jax.random.randint(k4, (B, L), 0, V)
    return {"query": query, "item_emb": item_emb, "user_seq": user_seq, "target_item": target_item}


def _neg_sampling(user_seq):
    # weight = torch.ones(B, num_items); weight[_idx, user_seq] = 0; weight[:, 0] = 0
    weight = jnp.ones((B, V), dtype=jnp.float32)
    row = jnp.arange(B)[:, None]
    weight = weight.at[row, user_seq].set(0.0)
    weight = weight.at[:, 0].set(0.0)
    # torch.multinomial(weight, NUM_NEG * L, replacement=True) == categorical over normalized weights
    logits = jnp.where(weight > 0, 0.0, -jnp.inf)
    skey = jax.random.key(42)
    samples = jax.random.categorical(skey, logits, axis=-1, shape=(NUM_NEG * L, B))
    neg_idx = samples.T.reshape(B, L, NUM_NEG)
    return neg_idx


def reference(query, item_emb, user_seq, target_item):
    # faithful port of _neg_sampling + training_step scoring
    neg_idx = _neg_sampling(user_seq)
    pos_score = jnp.sum(query * jnp.take(item_emb, target_item, axis=0), axis=-1)  # [B, L]
    neg_score = jnp.sum(query[:, :, None, :] * jnp.take(item_emb, neg_idx, axis=0), axis=-1)  # [B, L, NUM_NEG]
    pos_score = jnp.where(target_item == 0, -jnp.inf, pos_score)
    out = jnp.concatenate([pos_score[..., None], neg_score], axis=-1)  # [B, L, 1+NUM_NEG]
    return out

if __name__ == "__main__":
    import jax
    _d = setup_inputs()
    print(jax.jit(kernel)(*tuple(_d.values())))

</pallas_src>

<mosaic_0001>
#map = affine_map<(d0, d1) -> (0, 0)>
#map1 = affine_map<(d0, d1) -> (0)>
module attributes {stable_mosaic.version = 14 : i64} {
  func.func @gk(%arg0: i32, %arg1: i32, %arg2: memref<100000x64xf32, #tpu.memory_space<hbm>>, %arg3: memref<153600xi32, #tpu.memory_space<hbm>>, %arg4: memref<153600x64xf32, #tpu.memory_space<hbm>>, %arg5: memref<120xi32, #tpu.memory_space<vmem>>, %arg6: memref<120x64xf32, #tpu.memory_space<vmem>>, %arg7: memref<!tpu.dma_semaphore, #tpu.memory_space<semaphore_mem>>) attributes {dimension_semantics = [#tpu.dimension_semantics<core_parallel>, #tpu.dimension_semantics<subcore_parallel>], iteration_bounds = array<i64: 2, 16>, scalar_prefetch = 0 : i64, scratch_operands = 3 : i64, tpu.core_type = #tpu.core_type<sc_vector_subcore>, window_params = [{transform_indices = #map}, {transform_indices = #map1}, {transform_indices = #map}]} {
    %mul3A = arith.constant 2 : i32
    %mul3A_0 = arith.muli %arg1, %mul3A : i32
    %add3A = arith.addi %mul3A_0, %arg0 : i32
    %mul3A_1 = arith.constant 4800 : i32
    %mul3A_2 = arith.muli %add3A, %mul3A_1 : i32
    %scan3A = arith.constant 0 : i32
    %scan3A_3 = arith.constant 0 : i32
    %scan3A_4 = arith.constant 40 : i32
    %scan3A_5 = arith.addi %scan3A_3, %scan3A_4 : i32
    %scan3A_6 = arith.constant 1 : i32
    scf.for %scan3A_8 = %scan3A_3 to %scan3A_5 step %scan3A_6  : i32 {
      %mul3A_9 = arith.constant 120 : i32
      %mul3A_10 = arith.muli %scan3A_8, %mul3A_9 : i32
      %add3A_11 = arith.addi %mul3A_2, %mul3A_10 : i32
      %multiple_of3A = tpu.assume_multiple %add3A_11, 8 : i32
      "tpu.region"() ({
        %run_scoped3A = tpu.sem_alloc : memref<!tpu.dma_semaphore, #tpu.memory_space<semaphore_mem>>
        %dma_start3A_16 = tpu.memref_slice %arg3[%multiple_of3A] : memref<153600xi32, #tpu.memory_space<hbm>> -> memref<120xi32, #tpu.memory_space<hbm>>
        %dma_start3A_17 = tpu.memref_slice %arg3[%multiple_of3A] : memref<153600xi32, #tpu.memory_space<hbm>> -> memref<120xi32, #tpu.memory_space<hbm>>
        tpu.enqueue_dma source(%dma_start3A_17 : memref<120xi32, #tpu.memory_space<hbm>>) target(%arg5 : memref<120xi32, #tpu.memory_space<vmem>>) target_semaphore(%run_scoped3A : memref<!tpu.dma_semaphore, #tpu.memory_space<semaphore_mem>>)
        %dma_wait3A_18 = tpu.memref_slice %arg3[%multiple_of3A] : memref<153600xi32, #tpu.memory_space<hbm>> -> memref<120xi32, #tpu.memory_space<hbm>>
        %dma_wait3A_19 = tpu.memref_slice %arg3[%multiple_of3A] : memref<153600xi32, #tpu.memory_space<hbm>> -> memref<120xi32, #tpu.memory_space<hbm>>
        tpu.wait_dma2 semaphore(%run_scoped3A : memref<!tpu.dma_semaphore, #tpu.memory_space<semaphore_mem>>) src(%dma_wait3A_19 : memref<120xi32, #tpu.memory_space<hbm>>) dst(%arg5 : memref<120xi32, #tpu.memory_space<vmem>>)
        tpu.yield
      }) : () -> ()
      %dma_start3A = arith.constant 0 : i32
      %dma_start3A_12 = arith.constant 0 : i32
      %dma_start3A_13 = tpu.memref_slice %arg2[%dma_start3A, %dma_start3A_12] : memref<100000x64xf32, #tpu.memory_space<hbm>> -> memref<100000x64xf32, #tpu.memory_space<hbm>>
      tpu.enqueue_indirect_dma source(%dma_start3A_13 : memref<100000x64xf32, #tpu.memory_space<hbm>>) target(%arg6 : memref<120x64xf32, #tpu.memory_space<vmem>>) offsets(%arg5 : memref<120xi32, #tpu.memory_space<vmem>>) semaphore(%arg7 : memref<!tpu.dma_semaphore, #tpu.memory_space<semaphore_mem>>)
      %dma_wait3A = arith.constant 0 : i32
      %dma_wait3A_14 = arith.constant 0 : i32
      %dma_wait3A_15 = tpu.memref_slice %arg2[%dma_wait3A, %dma_wait3A_14] : memref<100000x64xf32, #tpu.memory_space<hbm>> -> memref<100000x64xf32, #tpu.memory_space<hbm>>
      tpu.wait_indirect_dma semaphore(%arg7 : memref<!tpu.dma_semaphore, #tpu.memory_space<semaphore_mem>>) src(%dma_wait3A_15 : memref<100000x64xf32, #tpu.memory_space<hbm>>) dst(%arg6 : memref<120x64xf32, #tpu.memory_space<vmem>>)
      "tpu.region"() ({
        %run_scoped3A = tpu.sem_alloc : memref<!tpu.dma_semaphore, #tpu.memory_space<semaphore_mem>>
        %dma_start3A_16 = arith.constant 0 : i32
        %dma_start3A_17 = tpu.memref_slice %arg4[%multiple_of3A, %dma_start3A_16] : memref<153600x64xf32, #tpu.memory_space<hbm>> -> memref<120x64xf32, #tpu.memory_space<hbm>>
        %dma_start3A_18 = arith.constant 0 : i32
        %dma_start3A_19 = tpu.memref_slice %arg4[%multiple_of3A, %dma_start3A_18] : memref<153600x64xf32, #tpu.memory_space<hbm>> -> memref<120x64xf32, #tpu.memory_space<hbm>>
        tpu.enqueue_dma source(%arg6 : memref<120x64xf32, #tpu.memory_space<vmem>>) target(%dma_start3A_19 : memref<120x64xf32, #tpu.memory_space<hbm>>) target_semaphore(%run_scoped3A : memref<!tpu.dma_semaphore, #tpu.memory_space<semaphore_mem>>)
        %dma_wait3A_20 = arith.constant 0 : i32
        %dma_wait3A_21 = tpu.memref_slice %arg4[%multiple_of3A, %dma_wait3A_20] : memref<153600x64xf32, #tpu.memory_space<hbm>> -> memref<120x64xf32, #tpu.memory_space<hbm>>
        %dma_wait3A_22 = arith.constant 0 : i32
        %dma_wait3A_23 = tpu.memref_slice %arg4[%multiple_of3A, %dma_wait3A_22] : memref<153600x64xf32, #tpu.memory_space<hbm>> -> memref<120x64xf32, #tpu.memory_space<hbm>>
        tpu.wait_dma2 semaphore(%run_scoped3A : memref<!tpu.dma_semaphore, #tpu.memory_space<semaphore_mem>>) src(%arg6 : memref<120x64xf32, #tpu.memory_space<vmem>>) dst(%dma_wait3A_23 : memref<120x64xf32, #tpu.memory_space<hbm>>)
        tpu.yield
      }) : () -> ()
    }
    %scan3A_7 = arith.constant 40 : i32
    return
  }
}

#map = affine_map<(d0, d1) -> (0, 0)>
#map1 = affine_map<(d0, d1) -> (0)>
module attributes {stable_mosaic.version = 14 : i64} {
  func.func @sck(%arg0: i32, %arg1: i32, %arg2: memref<288x64xi32, #tpu.memory_space<hbm>>, %arg3: memref<100000xi32, #tpu.memory_space<hbm>>, %arg4: memref<288x104xi32, #tpu.memory_space<hbm>>, %arg5: memref<64xi32, #tpu.memory_space<vmem>>, %arg6: memref<100000xi32, #tpu.memory_space<vmem>>, %arg7: memref<104xi32, #tpu.memory_space<vmem>>, %arg8: memref<!tpu.dma_semaphore, #tpu.memory_space<semaphore_mem>>) attributes {dimension_semantics = [#tpu.dimension_semantics<core_parallel>, #tpu.dimension_semantics<subcore_parallel>], iteration_bounds = array<i64: 2, 16>, scalar_prefetch = 0 : i64, scratch_operands = 4 : i64, tpu.core_type = #tpu.core_type<sc_vector_subcore>, window_params = [{transform_indices = #map}, {transform_indices = #map1}, {transform_indices = #map}]} {
    %mul3A = arith.constant 2 : i32
    %mul3A_0 = arith.muli %arg1, %mul3A : i32
    %add3A = arith.addi %mul3A_0, %arg0 : i32
    %iota3A = tpu.iota {dimensions = array<i32: 0>} : vector<16xi32>
    %eq3A = arith.constant 0 : i32
    %eq3A_1 = vector.broadcast %eq3A : i32 to vector<16xi32>
    %eq3A_2 = arith.cmpi eq, %iota3A, %eq3A_1 : vector<16xi32>
    %broadcast_in_dim3A = arith.constant 0 : i32
    %broadcast_in_dim3A_3 = vector.broadcast %broadcast_in_dim3A : i32 to vector<16xi32>
    %scan3A = arith.constant 0 : i32
    %scan3A_4 = arith.constant 0 : i32
    %scan3A_5 = arith.constant 9 : i32
    %scan3A_6 = arith.addi %scan3A_4, %scan3A_5 : i32
    %scan3A_7 = arith.constant 1 : i32
    scf.for %scan3A_9 = %scan3A_4 to %scan3A_6 step %scan3A_7  : i32 {
      %mul3A_10 = arith.constant 9 : i32
      %mul3A_11 = arith.muli %add3A, %mul3A_10 : i32
      %add3A_12 = arith.addi %mul3A_11, %scan3A_9 : i32
      %add3A_13 = arith.constant 736 : i32
      %add3A_14 = arith.addi %add3A_13, %add3A_12 : i32
      "tpu.region"() ({
        %run_scoped3A = tpu.sem_alloc : memref<!tpu.dma_semaphore, #tpu.memory_space<semaphore_mem>>
        %dma_start3A = arith.constant 0 : i32
        %dma_start3A_28 = tpu.memref_slice %arg2[%add3A_12, %dma_start3A] : memref<288x64xi32, #tpu.memory_space<hbm>> -> memref<1x64xi32, #tpu.memory_space<hbm>>
        %dma_start3A_29 = tpu.memref_squeeze %dma_start3A_28 : memref<1x64xi32, #tpu.memory_space<hbm>> -> memref<64xi32, #tpu.memory_space<hbm>>
        %dma_start3A_30 = arith.constant 0 : i32
        %dma_start3A_31 = tpu.memref_slice %arg2[%add3A_12, %dma_start3A_30] : memref<288x64xi32, #tpu.memory_space<hbm>> -> memref<1x64xi32, #tpu.memory_space<hbm>>
        %dma_start3A_32 = tpu.memref_squeeze %dma_start3A_31 : memref<1x64xi32, #tpu.memory_space<hbm>> -> memref<64xi32, #tpu.memory_space<hbm>>
        tpu.enqueue_dma source(%dma_start3A_32 : memref<64xi32, #tpu.memory_space<hbm>>) target(%arg5 : memref<64xi32, #tpu.memory_space<vmem>>) target_semaphore(%run_scoped3A : memref<!tpu.dma_semaphore, #tpu.memory_space<semaphore_mem>>)
        %dma_wait3A = arith.constant 0 : i32
        %dma_wait3A_33 = tpu.memref_slice %arg2[%add3A_12, %dma_wait3A] : memref<288x64xi32, #tpu.memory_space<hbm>> -> memref<1x64xi32, #tpu.memory_space<hbm>>
        %dma_wait3A_34 = tpu.memref_squeeze %dma_wait3A_33 : memref<1x64xi32, #tpu.memory_space<hbm>> -> memref<64xi32, #tpu.memory_space<hbm>>
        %dma_wait3A_35 = arith.constant 0 : i32
        %dma_wait3A_36 = tpu.memref_slice %arg2[%add3A_12, %dma_wait3A_35] : memref<288x64xi32, #tpu.memory_space<hbm>> -> memref<1x64xi32, #tpu.memory_space<hbm>>
        %dma_wait3A_37 = tpu.memref_squeeze %dma_wait3A_36 : memref<1x64xi32, #tpu.memory_space<hbm>> -> memref<64xi32, #tpu.memory_space<hbm>>
        tpu.wait_dma2 semaphore(%run_scoped3A : memref<!tpu.dma_semaphore, #tpu.memory_space<semaphore_mem>>) src(%dma_wait3A_37 : memref<64xi32, #tpu.memory_space<hbm>>) dst(%arg5 : memref<64xi32, #tpu.memory_space<vmem>>)
        tpu.yield
      }) : () -> ()
      "tpu.region"() ({
        %run_scoped3A = tpu.sem_alloc : memref<!tpu.dma_semaphore, #tpu.memory_space<semaphore_mem>>
        tpu.enqueue_dma source(%arg3 : memref<100000xi32, #tpu.memory_space<hbm>>) target(%arg6 : memref<100000xi32, #tpu.memory_space<vmem>>) target_semaphore(%run_scoped3A : memref<!tpu.dma_semaphore, #tpu.memory_space<semaphore_mem>>)
        tpu.wait_dma2 semaphore(%run_scoped3A : memref<!tpu.dma_semaphore, #tpu.memory_space<semaphore_mem>>) src(%arg3 : memref<100000xi32, #tpu.memory_space<hbm>>) dst(%arg6 : memref<100000xi32, #tpu.memory_space<vmem>>)
        tpu.yield
      }) : () -> ()
      %get3A = arith.constant 0 : index
      %get3A_15 = tpu.vector_load %arg5[%get3A] {strides = array<i32>} : memref<64xi32, #tpu.memory_space<vmem>>, vector<16xi32>,
      tpu.vector_store_idx %arg6[%get3A_15], %broadcast_in_dim3A_3 : memref<100000xi32, #tpu.memory_space<vmem>>[vector<16xi32>], vector<16xi32>,
      %get3A_16 = arith.constant 16 : index
      %get3A_17 = tpu.vector_load %arg5[%get3A_16] {strides = array<i32>} : memref<64xi32, #tpu.memory_space<vmem>>, vector<16xi32>,
      tpu.vector_store_idx %arg6[%get3A_17], %broadcast_in_dim3A_3 : memref<100000xi32, #tpu.memory_space<vmem>>[vector<16xi32>], vector<16xi32>,
      %get3A_18 = arith.constant 32 : index
      %get3A_19 = tpu.vector_load %arg5[%get3A_18] {strides = array<i32>} : memref<64xi32, #tpu.memory_space<vmem>>, vector<16xi32>,
      tpu.vector_store_idx %arg6[%get3A_19], %broadcast_in_dim3A_3 : memref<100000xi32, #tpu.memory_space<vmem>>[vector<16xi32>], vector<16xi32>,
      %get3A_20 = arith.constant 48 : index
      %get3A_21 = tpu.vector_load %arg5[%get3A_20] {strides = array<i32>} : memref<64xi32, #tpu.memory_space<vmem>>, vector<16xi32>,
      tpu.vector_store_idx %arg6[%get3A_21], %broadcast_in_dim3A_3 : memref<100000xi32, #tpu.memory_space<vmem>>[vector<16xi32>], vector<16xi32>,
      %scan3A_22 = arith.constant 0 : i32
      %scan3A_23 = arith.constant 0 : i32
      %scan3A_24 = arith.constant 100 : i32
      %scan3A_25 = arith.addi %scan3A_23, %scan3A_24 : i32
      %scan3A_26 = arith.constant 1 : i32
      scf.for %scan3A_28 = %scan3A_23 to %scan3A_25 step %scan3A_26  : i32 {
        %mul3A_29 = arith.constant 1024 : i32
        %mul3A_30 = arith.muli %scan3A_28, %mul3A_29 : i32
        %add3A_31 = arith.addi %mul3A_30, %add3A_14 : i32
        %shift_right_logical3A = arith.constant 16 : i32
        %shift_right_logical3A_32 = arith.shrui %add3A_31, %shift_right_logical3A : i32
        %and3A = arith.constant 65535 : i32
        %and3A_33 = arith.andi %add3A_31, %and3A : i32
        %mul3A_34 = arith.constant 34464 : i32
        %mul3A_35 = arith.muli %and3A_33, %mul3A_34 : i32
        %mul3A_36 = arith.constant 34464 : i32
        %mul3A_37 = arith.muli %shift_right_logical3A_32, %mul3A_36 : i32
        %add3A_38 = arith.addi %mul3A_37, %and3A_33 : i32
        %shift_right_logical3A_39 = arith.constant 16 : i32
        %shift_right_logical3A_40 = arith.shrui %mul3A_35, %shift_right_logical3A_39 : i32
        %add3A_41 = arith.addi %add3A_38, %shift_right_logical3A_40 : i32
        %shift_left3A = arith.constant 16 : i32
        %shift_left3A_42 = arith.shli %add3A_41, %shift_left3A : i32
        %and3A_43 = arith.constant 65535 : i32
        %and3A_44 = arith.andi %mul3A_35, %and3A_43 : i32
        %or3A = arith.ori %shift_left3A_42, %and3A_44 : i32
        %shift_right_logical3A_45 = arith.constant 16 : i32
        %shift_right_logical3A_46 = arith.shrui %add3A_41, %shift_right_logical3A_45 : i32
        %add3A_47 = arith.addi %shift_right_logical3A_32, %shift_right_logical3A_46 : i32
        %broadcast_in_dim3A_48 = vector.broadcast %add3A_47 : i32 to vector<16xi32>
        %add3A_49 = arith.constant 1 : i32
        %add3A_50 = vector.broadcast %add3A_49 : i32 to vector<16xi32>
        %add3A_51 = arith.addi %broadcast_in_dim3A_48, %add3A_50 : vector<16xi32>
        %xor3A = arith.constant -2147483648 : i32
        %xor3A_52 = arith.xori %or3A, %xor3A : i32
        %broadcast_in_dim3A_53 = vector.broadcast %xor3A_52 : i32 to vector<16xi32>
        %add3A_54 = arith.constant -2147483648 : i32
        %add3A_55 = vector.broadcast %add3A_54 : i32 to vector<16xi32>
        %add3A_56 = arith.addi %iota3A, %add3A_55 : vector<16xi32>
        %scan3A_57 = arith.constant 0 : i32
        %scan3A_58 = arith.constant 6248 : i32
        %scan3A_59 = arith.addi %scan3A_57, %scan3A_58 : i32
        %scan3A_60 = arith.constant 4 : i32
        %scan3A_61:4 = scf.for %scan3A_546 = %scan3A_57 to %scan3A_59 step %scan3A_60 iter_args(%scan3A_547 = %iota3A, %scan3A_548 = %add3A_56, %scan3A_549 = %broadcast_in_dim3A_3, %scan3A_550 = %broadcast_in_dim3A_3) -> (vector<16xi32>, vector<16xi32>, vector<16xi32>, vector<16xi32>)  : i32 {
          %add3A_551 = arith.addi %broadcast_in_dim3A_53, %scan3A_547 : vector<16xi32>
          %lt3A_552 = arith.cmpi slt, %add3A_551, %scan3A_548 : vector<16xi32>
          %select_n3A_553 = arith.select %lt3A_552, %add3A_51, %broadcast_in_dim3A_48 : vector<16xi1>, vector<16xi32>
          %add3A_554 = arith.constant -2147483606 : i32
          %add3A_555 = vector.broadcast %add3A_554 : i32 to vector<16xi32>
          %add3A_556 = arith.addi %add3A_551, %add3A_555 : vector<16xi32>
          %add3A_557 = arith.addi %select_n3A_553, %add3A_556 : vector<16xi32>
          %shift_left3A_558 = arith.constant 13 : i32
          %shift_left3A_559 = vector.broadcast %shift_left3A_558 : i32 to vector<16xi32>
          %shift_left3A_560 = arith.shli %add3A_556, %shift_left3A_559 : vector<16xi32>
          %shift_right_logical3A_561 = arith.constant 19 : i32
          %shift_right_logical3A_562 = vector.broadcast %shift_right_logical3A_561 : i32 to vector<16xi32>
          %shift_right_logical3A_563 = arith.shrui %add3A_556, %shift_right_logical3A_562 : vector<16xi32>
          %or3A_564 = arith.ori %shift_left3A_560, %shift_right_logical3A_563 : vector<16xi32>
          %xor3A_565 = arith.xori %or3A_564, %add3A_557 : vector<16xi32>
          %add3A_566 = arith.addi %add3A_557, %xor3A_565 : vector<16xi32>
          %shift_left3A_567 = arith.constant 15 : i32
          %shift_left3A_568 = vector.broadcast %shift_left3A_567 : i32 to vector<16xi32>
          %shift_left3A_569 = arith.shli %xor3A_565, %shift_left3A_568 : vector<16xi32>
          %shift_right_logical3A_570 = arith.constant 17 : i32
          %shift_right_logical3A_571 = vector.broadcast %shift_right_logical3A_570 : i32 to vector<16xi32>
          %shift_right_logical3A_572 = arith.shrui %xor3A_565, %shift_right_logical3A_571 : vector<16xi32>
          %or3A_573 = arith.ori %shift_left3A_569, %shift_right_logical3A_572 : vector<16xi32>
          %xor3A_574 = arith.xori %or3A_573, %add3A_566 : vector<16xi32>
          %add3A_575 = arith.addi %add3A_566, %xor3A_574 : vector<16xi32>
          %shift_left3A_576 = arith.constant 26 : i32
          %shift_left3A_577 = vector.broadcast %shift_left3A_576 : i32 to vector<16xi32>
          %shift_left3A_578 = arith.shli %xor3A_574, %shift_left3A_577 : vector<16xi32>
          %shift_right_logical3A_579 = arith.constant 6 : i32
          %shift_right_logical3A_580 = vector.broadcast %shift_right_logical3A_579 : i32 to vector<16xi32>
          %shift_right_logical3A_581 = arith.shrui %xor3A_574, %shift_right_logical3A_580 : vector<16xi32>
          %or3A_582 = arith.ori %shift_left3A_578, %shift_right_logical3A_581 : vector<16xi32>
          %xor3A_583 = arith.xori %or3A_582, %add3A_575 : vector<16xi32>
          %add3A_584 = arith.addi %add3A_575, %xor3A_583 : vector<16xi32>
          %shift_left3A_585 = arith.constant 6 : i32
          %shift_left3A_586 = vector.broadcast %shift_left3A_585 : i32 to vector<16xi32>
          %shift_left3A_587 = arith.shli %xor3A_583, %shift_left3A_586 : vector<16xi32>
          %shift_right_logical3A_588 = arith.constant 26 : i32
          %shift_right_logical3A_589 = vector.broadcast %shift_right_logical3A_588 : i32 to vector<16xi32>
          %shift_right_logical3A_590 = arith.shrui %xor3A_583, %shift_right_logical3A_589 : vector<16xi32>
          %or3A_591 = arith.ori %shift_left3A_587, %shift_right_logical3A_590 : vector<16xi32>
          %xor3A_592 = arith.xori %or3A_591, %add3A_584 : vector<16xi32>
          %add3A_593 = arith.constant 42 : i32
          %add3A_594 = vector.broadcast %add3A_593 : i32 to vector<16xi32>
          %add3A_595 = arith.addi %add3A_584, %add3A_594 : vector<16xi32>
          %add3A_596 = arith.constant 466689009 : i32
          %add3A_597 = vector.broadcast %add3A_596 : i32 to vector<16xi32>
          %add3A_598 = arith.addi %xor3A_592, %add3A_597 : vector<16xi32>
          %add3A_599 = arith.addi %add3A_595, %add3A_598 : vector<16xi32>
          %shift_left3A_600 = arith.constant 17 : i32
          %shift_left3A_601 = vector.broadcast %shift_left3A_600 : i32 to vector<16xi32>
          %shift_left3A_602 = arith.shli %add3A_598, %shift_left3A_601 : vector<16xi32>
          %shift_right_logical3A_603 = arith.constant 15 : i32
          %shift_right_logical3A_604 = vector.broadcast %shift_right_logical3A_603 : i32 to vector<16xi32>
          %shift_right_logical3A_605 = arith.shrui %add3A_598, %shift_right_logical3A_604 : vector<16xi32>
          %or3A_606 = arith.ori %shift_left3A_602, %shift_right_logical3A_605 : vector<16xi32>
          %xor3A_607 = arith.xori %or3A_606, %add3A_599 : vector<16xi32>
          %add3A_608 = arith.addi %add3A_599, %xor3A_607 : vector<16xi32>
          %shift_left3A_609 = arith.constant 29 : i32
          %shift_left3A_610 = vector.broadcast %shift_left3A_609 : i32 to vector<16xi32>
          %shift_left3A_611 = arith.shli %xor3A_607, %shift_left3A_610 : vector<16xi32>
          %shift_right_logical3A_612 = arith.constant 3 : i32
          %shift_right_logical3A_613 = vector.broadcast %shift_right_logical3A_612 : i32 to vector<16xi32>
          %shift_right_logical3A_614 = arith.shrui %xor3A_607, %shift_right_logical3A_613 : vector<16xi32>
          %or3A_615 = arith.ori %shift_left3A_611, %shift_right_logical3A_614 : vector<16xi32>
          %xor3A_616 = arith.xori %or3A_615, %add3A_608 : vector<16xi32>
          %add3A_617 = arith.addi %add3A_608, %xor3A_616 : vector<16xi32>
          %shift_left3A_618 = arith.constant 16 : i32
          %shift_left3A_619 = vector.broadcast %shift_left3A_618 : i32 to vector<16xi32>
          %shift_left3A_620 = arith.shli %xor3A_616, %shift_left3A_619 : vector<16xi32>
          %shift_right_logical3A_621 = arith.constant 16 : i32
          %shift_right_logical3A_622 = vector.broadcast %shift_right_logical3A_621 : i32 to vector<16xi32>
          %shift_right_logical3A_623 = arith.shrui %xor3A_616, %shift_right_logical3A_622 : vector<16xi32>
          %or3A_624 = arith.ori %shift_left3A_620, %shift_right_logical3A_623 : vector<16xi32>
          %xor3A_625 = arith.xori %or3A_624, %add3A_617 : vector<16xi32>
          %add3A_626 = arith.addi %add3A_617, %xor3A_625 : vector<16xi32>
          %shift_left3A_627 = arith.constant 24 : i32
          %shift_left3A_628 = vector.broadcast %shift_left3A_627 : i32 to vector<16xi32>
          %shift_left3A_629 = arith.shli %xor3A_625, %shift_left3A_628 : vector<16xi32>
          %shift_right_logical3A_630 = arith.constant 8 : i32
          %shift_right_logical3A_631 = vector.broadcast %shift_right_logical3A_630 : i32 to vector<16xi32>
          %shift_right_logical3A_632 = arith.shrui %xor3A_625, %shift_right_logical3A_631 : vector<16xi32>
          %or3A_633 = arith.ori %shift_left3A_629, %shift_right_logical3A_632 : vector<16xi32>
          %xor3A_634 = arith.xori %or3A_633, %add3A_626 : vector<16xi32>
          %add3A_635 = arith.constant 466689008 : i32
          %add3A_636 = vector.broadcast %add3A_635 : i32 to vector<16xi32>
          %add3A_637 = arith.addi %add3A_626, %add3A_636 : vector<16xi32>
          %add3A_638 = arith.constant 2 : i32
          %add3A_639 = vector.broadcast %add3A_638 : i32 to vector<16xi32>
          %add3A_640 = arith.addi %xor3A_634, %add3A_639 : vector<16xi32>
          %add3A_641 = arith.addi %add3A_637, %add3A_640 : vector<16xi32>
          %shift_left3A_642 = arith.constant 13 : i32
          %shift_left3A_643 = vector.broadcast %shift_left3A_642 : i32 to vector<16xi32>
          %shift_left3A_644 = arith.shli %add3A_640, %shift_left3A_643 : vector<16xi32>
          %shift_right_logical3A_645 = arith.constant 19 : i32
          %shift_right_logical3A_646 = vector.broadcast %shift_right_logical3A_645 : i32 to vector<16xi32>
          %shift_right_logical3A_647 = arith.shrui %add3A_640, %shift_right_logical3A_646 : vector<16xi32>
          %or3A_648 = arith.ori %shift_left3A_644, %shift_right_logical3A_647 : vector<16xi32>
          %xor3A_649 = arith.xori %or3A_648, %add3A_641 : vector<16xi32>
          %add3A_650 = arith.addi %add3A_641, %xor3A_649 : vector<16xi32>
          %shift_left3A_651 = arith.constant 15 : i32
          %shift_left3A_652 = vector.broadcast %shift_left3A_651 : i32 to vector<16xi32>
          %shift_left3A_653 = arith.shli %xor3A_649, %shift_left3A_652 : vector<16xi32>
          %shift_right_logical3A_654 = arith.constant 17 : i32
          %shift_right_logical3A_655 = vector.broadcast %shift_right_logical3A_654 : i32 to vector<16xi32>
          %shift_right_logical3A_656 = arith.shrui %xor3A_649, %shift_right_logical3A_655 : vector<16xi32>
          %or3A_657 = arith.ori %shift_left3A_653, %shift_right_logical3A_656 : vector<16xi32>
          %xor3A_658 = arith.xori %or3A_657, %add3A_650 : vector<16xi32>
          %add3A_659 = arith.addi %add3A_650, %xor3A_658 : vector<16xi32>
          %shift_left3A_660 = arith.constant 26 : i32
          %shift_left3A_661 = vector.broadcast %shift_left3A_660 : i32 to vector<16xi32>
          %shift_left3A_662 = arith.shli %xor3A_658, %shift_left3A_661 : vector<16xi32>
          %shift_right_logical3A_663 = arith.constant 6 : i32
          %shift_right_logical3A_664 = vector.broadcast %shift_right_logical3A_663 : i32 to vector<16xi32>
          %shift_right_logical3A_665 = arith.shrui %xor3A_658, %shift_right_logical3A_664 : vector<16xi32>
          %or3A_666 = arith.ori %shift_left3A_662, %shift_right_logical3A_665 : vector<16xi32>
          %xor3A_667 = arith.xori %or3A_666, %add3A_659 : vector<16xi32>
          %add3A_668 = arith.addi %add3A_659, %xor3A_667 : vector<16xi32>
          %shift_left3A_669 = arith.constant 6 : i32
          %shift_left3A_670 = vector.broadcast %shift_left3A_669 : i32 to vector<16xi32>
          %shift_left3A_671 = arith.shli %xor3A_667, %shift_left3A_670 : vector<16xi32>
          %shift_right_logical3A_672 = arith.constant 26 : i32
          %shift_right_logical3A_673 = vector.broadcast %shift_right_logical3A_672 : i32 to vector<16xi32>
          %shift_right_logical3A_674 = arith.shrui %xor3A_667, %shift_right_logical3A_673 : vector<16xi32>
          %or3A_675 = arith.ori %shift_left3A_671, %shift_right_logical3A_674 : vector<16xi32>
          %xor3A_676 = arith.xori %or3A_675, %add3A_668 : vector<16xi32>
          %add3A_677 = arith.constant 45 : i32
          %add3A_678 = vector.broadcast %add3A_677 : i32 to vector<16xi32>
          %add3A_679 = arith.addi %xor3A_676, %add3A_678 : vector<16xi32>
          %add3A_680 = arith.addi %add3A_668, %add3A_679 : vector<16xi32>
          %shift_left3A_681 = arith.constant 17 : i32
          %shift_left3A_682 = vector.broadcast %shift_left3A_681 : i32 to vector<16xi32>
          %shift_left3A_683 = arith.shli %add3A_679, %shift_left3A_682 : vector<16xi32>
          %shift_right_logical3A_684 = arith.constant 15 : i32
          %shift_right_logical3A_685 = vector.broadcast %shift_right_logical3A_684 : i32 to vector<16xi32>
          %shift_right_logical3A_686 = arith.shrui %add3A_679, %shift_right_logical3A_685 : vector<16xi32>
          %or3A_687 = arith.ori %shift_left3A_683, %shift_right_logical3A_686 : vector<16xi32>
          %xor3A_688 = arith.xori %or3A_687, %add3A_680 : vector<16xi32>
          %add3A_689 = arith.addi %add3A_680, %xor3A_688 : vector<16xi32>
          %shift_left3A_690 = arith.constant 29 : i32
          %shift_left3A_691 = vector.broadcast %shift_left3A_690 : i32 to vector<16xi32>
          %shift_left3A_692 = arith.shli %xor3A_688, %shift_left3A_691 : vector<16xi32>
          %shift_right_logical3A_693 = arith.constant 3 : i32
          %shift_right_logical3A_694 = vector.broadcast %shift_right_logical3A_693 : i32 to vector<16xi32>
          %shift_right_logical3A_695 = arith.shrui %xor3A_688, %shift_right_logical3A_694 : vector<16xi32>
          %or3A_696 = arith.ori %shift_left3A_692, %shift_right_logical3A_695 : vector<16xi32>
          %xor3A_697 = arith.xori %or3A_696, %add3A_689 : vector<16xi32>
          %add3A_698 = arith.addi %add3A_689, %xor3A_697 : vector<16xi32>
          %shift_left3A_699 = arith.constant 16 : i32
          %shift_left3A_700 = vector.broadcast %shift_left3A_699 : i32 to vector<16xi32>
          %shift_left3A_701 = arith.shli %xor3A_697, %shift_left3A_700 : vector<16xi32>
          %shift_right_logical3A_702 = arith.constant 16 : i32
          %shift_right_logical3A_703 = vector.broadcast %shift_right_logical3A_702 : i32 to vector<16xi32>
          %shift_right_logical3A_704 = arith.shrui %xor3A_697, %shift_right_logical3A_703 : vector<16xi32>
          %or3A_705 = arith.ori %shift_left3A_701, %shift_right_logical3A_704 : vector<16xi32>
          %xor3A_706 = arith.xori %or3A_705, %add3A_698 : vector<16xi32>
          %add3A_707 = arith.addi %add3A_698, %xor3A_706 : vector<16xi32>
          %shift_left3A_708 = arith.constant 24 : i32
          %shift_left3A_709 = vector.broadcast %shift_left3A_708 : i32 to vector<16xi32>
          %shift_left3A_710 = arith.shli %xor3A_706, %shift_left3A_709 : vector<16xi32>
          %shift_right_logical3A_711 = arith.constant 8 : i32
          %shift_right_logical3A_712 = vector.broadcast %shift_right_logical3A_711 : i32 to vector<16xi32>
          %shift_right_logical3A_713 = arith.shrui %xor3A_706, %shift_right_logical3A_712 : vector<16xi32>
          %or3A_714 = arith.ori %shift_left3A_710, %shift_right_logical3A_713 : vector<16xi32>
          %xor3A_715 = arith.xori %or3A_714, %add3A_707 : vector<16xi32>
          %add3A_716 = arith.constant 42 : i32
          %add3A_717 = vector.broadcast %add3A_716 : i32 to vector<16xi32>
          %add3A_718 = arith.addi %add3A_707, %add3A_717 : vector<16xi32>
          %add3A_719 = arith.constant 466689012 : i32
          %add3A_720 = vector.broadcast %add3A_719 : i32 to vector<16xi32>
          %add3A_721 = arith.addi %xor3A_715, %add3A_720 : vector<16xi32>
          %add3A_722 = arith.addi %add3A_718, %add3A_721 : vector<16xi32>
          %shift_left3A_723 = arith.constant 13 : i32
          %shift_left3A_724 = vector.broadcast %shift_left3A_723 : i32 to vector<16xi32>
          %shift_left3A_725 = arith.shli %add3A_721, %shift_left3A_724 : vector<16xi32>
          %shift_right_logical3A_726 = arith.constant 19 : i32
          %shift_right_logical3A_727 = vector.broadcast %shift_right_logical3A_726 : i32 to vector<16xi32>
          %shift_right_logical3A_728 = arith.shrui %add3A_721, %shift_right_logical3A_727 : vector<16xi32>
          %or3A_729 = arith.ori %shift_left3A_725, %shift_right_logical3A_728 : vector<16xi32>
          %xor3A_730 = arith.xori %or3A_729, %add3A_722 : vector<16xi32>
          %add3A_731 = arith.addi %add3A_722, %xor3A_730 : vector<16xi32>
          %shift_left3A_732 = arith.constant 15 : i32
          %shift_left3A_733 = vector.broadcast %shift_left3A_732 : i32 to vector<16xi32>
          %shift_left3A_734 = arith.shli %xor3A_730, %shift_left3A_733 : vector<16xi32>
          %shift_right_logical3A_735 = arith.constant 17 : i32
          %shift_right_logical3A_736 = vector.broadcast %shift_right_logical3A_735 : i32 to vector<16xi32>
          %shift_right_logical3A_737 = arith.shrui %xor3A_730, %shift_right_logical3A_736 : vector<16xi32>
          %or3A_738 = arith.ori %shift_left3A_734, %shift_right_logical3A_737 : vector<16xi32>
          %xor3A_739 = arith.xori %or3A_738, %add3A_731 : vector<16xi32>
          %add3A_740 = arith.addi %add3A_731, %xor3A_739 : vector<16xi32>
          %shift_left3A_741 = arith.constant 26 : i32
          %shift_left3A_742 = vector.broadcast %shift_left3A_741 : i32 to vector<16xi32>
          %shift_left3A_743 = arith.shli %xor3A_739, %shift_left3A_742 : vector<16xi32>
          %shift_right_logical3A_744 = arith.constant 6 : i32
          %shift_right_logical3A_745 = vector.broadcast %shift_right_logical3A_744 : i32 to vector<16xi32>
          %shift_right_logical3A_746 = arith.shrui %xor3A_739, %shift_right_logical3A_745 : vector<16xi32>
          %or3A_747 = arith.ori %shift_left3A_743, %shift_right_logical3A_746 : vector<16xi32>
          %xor3A_748 = arith.xori %or3A_747, %add3A_740 : vector<16xi32>
          %add3A_749 = arith.addi %add3A_740, %xor3A_748 : vector<16xi32>
          %shift_left3A_750 = arith.constant 6 : i32
          %shift_left3A_751 = vector.broadcast %shift_left3A_750 : i32 to vector<16xi32>
          %shift_left3A_752 = arith.shli %xor3A_748, %shift_left3A_751 : vector<16xi32>
          %shift_right_logical3A_753 = arith.constant 26 : i32
          %shift_right_logical3A_754 = vector.broadcast %shift_right_logical3A_753 : i32 to vector<16xi32>
          %shift_right_logical3A_755 = arith.shrui %xor3A_748, %shift_right_logical3A_754 : vector<16xi32>
          %or3A_756 = arith.ori %shift_left3A_752, %shift_right_logical3A_755 : vector<16xi32>
          %xor3A_757 = arith.xori %or3A_756, %add3A_749 : vector<16xi32>
          %add3A_758 = arith.constant 466689008 : i32
          %add3A_759 = vector.broadcast %add3A_758 : i32 to vector<16xi32>
          %add3A_760 = arith.addi %add3A_749, %add3A_759 : vector<16xi32>
          %add3A_761 = arith.constant 5 : i32
          %add3A_762 = vector.broadcast %add3A_761 : i32 to vector<16xi32>
          %add3A_763 = arith.addi %xor3A_757, %add3A_762 : vector<16xi32>
          %xor3A_764 = arith.xori %add3A_760, %add3A_763 : vector<16xi32>
          %shift_right_logical3A_765 = arith.constant 9 : i32
          %shift_right_logical3A_766 = vector.broadcast %shift_right_logical3A_765 : i32 to vector<16xi32>
          %shift_right_logical3A_767 = arith.shrui %xor3A_764, %shift_right_logical3A_766 : vector<16xi32>
          %mul3A_768 = arith.constant 16 : i32
          %mul3A_769 = arith.muli %scan3A_546, %mul3A_768 : i32
          %get3A_770 = arith.index_cast %mul3A_769 : i32 to index
          %get3A_771 = tpu.vector_load %arg6[%get3A_770] {strides = array<i32>} : memref<100000xi32, #tpu.memory_space<vmem>>, vector<16xi32>,
          %and3A_772 = arith.andi %shift_right_logical3A_767, %get3A_771 : vector<16xi32>
          %gt3A_773 = arith.cmpi sgt, %and3A_772, %scan3A_549 : vector<16xi32>
          %select_n3A_774 = arith.select %gt3A_773, %and3A_772, %scan3A_549 : vector<16xi1>, vector<16xi32>
          %select_n3A_775 = arith.select %gt3A_773, %scan3A_547, %scan3A_550 : vector<16xi1>, vector<16xi32>
          %add3A_776 = arith.constant 16 : i32
          %add3A_777 = vector.broadcast %add3A_776 : i32 to vector<16xi32>
          %add3A_778 = arith.addi %scan3A_547, %add3A_777 : vector<16xi32>
          %add3A_779 = arith.constant 16 : i32
          %add3A_780 = vector.broadcast %add3A_779 : i32 to vector<16xi32>
          %add3A_781 = arith.addi %scan3A_548, %add3A_780 : vector<16xi32>
          %scan3A_782 = arith.constant 1 : i32
          %scan3A_783 = arith.addi %scan3A_546, %scan3A_782 : i32
          %add3A_784 = arith.addi %broadcast_in_dim3A_53, %add3A_778 : vector<16xi32>
          %lt3A_785 = arith.cmpi slt, %add3A_784, %add3A_781 : vector<16xi32>
          %select_n3A_786 = arith.select %lt3A_785, %add3A_51, %broadcast_in_dim3A_48 : vector<16xi1>, vector<16xi32>
          %add3A_787 = arith.constant -2147483606 : i32
          %add3A_788 = vector.broadcast %add3A_787 : i32 to vector<16xi32>
          %add3A_789 = arith.addi %add3A_784, %add3A_788 : vector<16xi32>
          %add3A_790 = arith.addi %select_n3A_786, %add3A_789 : vector<16xi32>
          %shift_left3A_791 = arith.constant 13 : i32
          %shift_left3A_792 = vector.broadcast %shift_left3A_791 : i32 to vector<16xi32>
          %shift_left3A_793 = arith.shli %add3A_789, %shift_left3A_792 : vector<16xi32>
          %shift_right_logical3A_794 = arith.constant 19 : i32
          %shift_right_logical3A_795 = vector.broadcast %shift_right_logical3A_794 : i32 to vector<16xi32>
          %shift_right_logical3A_796 = arith.shrui %add3A_789, %shift_right_logical3A_795 : vector<16xi32>
          %or3A_797 = arith.ori %shift_left3A_793, %shift_right_logical3A_796 : vector<16xi32>
          %xor3A_798 = arith.xori %or3A_797, %add3A_790 : vector<16xi32>
          %add3A_799 = arith.addi %add3A_790, %xor3A_798 : vector<16xi32>
          %shift_left3A_800 = arith.constant 15 : i32
          %shift_left3A_801 = vector.broadcast %shift_left3A_800 : i32 to vector<16xi32>
          %shift_left3A_802 = arith.shli %xor3A_798, %shift_left3A_801 : vector<16xi32>
          %shift_right_logical3A_803 = arith.constant 17 : i32
          %shift_right_logical3A_804 = vector.broadcast %shift_right_logical3A_803 : i32 to vector<16xi32>
          %shift_right_logical3A_805 = arith.shrui %xor3A_798, %shift_right_logical3A_804 : vector<16xi32>
          %or3A_806 = arith.ori %shift_left3A_802, %shift_right_logical3A_805 : vector<16xi32>
          %xor3A_807 = arith.xori %or3A_806, %add3A_799 : vector<16xi32>
          %add3A_808 = arith.addi %add3A_799, %xor3A_807 : vector<16xi32>
          %shift_left3A_809 = arith.constant 26 : i32
          %shift_left3A_810 = vector.broadcast %shift_left3A_809 : i32 to vector<16xi32>
          %shift_left3A_811 = arith.shli %xor3A_807, %shift_left3A_810 : vector<16xi32>
          %shift_right_logical3A_812 = arith.constant 6 : i32
          %shift_right_logical3A_813 = vector.broadcast %shift_right_logical3A_812 : i32 to vector<16xi32>
          %shift_right_logical3A_814 = arith.shrui %xor3A_807, %shift_right_logical3A_813 : vector<16xi32>
          %or3A_815 = arith.ori %shift_left3A_811, %shift_right_logical3A_814 : vector<16xi32>
          %xor3A_816 = arith.xori %or3A_815, %add3A_808 : vector<16xi32>
          %add3A_817 = arith.addi %add3A_808, %xor3A_816 : vector<16xi32>
          %shift_left3A_818 = arith.constant 6 : i32
          %shift_left3A_819 = vector.broadcast %shift_left3A_818 : i32 to vector<16xi32>
          %shift_left3A_820 = arith.shli %xor3A_816, %shift_left3A_819 : vector<16xi32>
          %shift_right_logical3A_821 = arith.constant 26 : i32
          %shift_right_logical3A_822 = vector.broadcast %shift_right_logical3A_821 : i32 to vector<16xi32>
          %shift_right_logical3A_823 = arith.shrui %xor3A_816, %shift_right_logical3A_822 : vector<16xi32>
          %or3A_824 = arith.ori %shift_left3A_820, %shift_right_logical3A_823 : vector<16xi32>
          %xor3A_825 = arith.xori %or3A_824, %add3A_817 : vector<16xi32>
          %add3A_826 = arith.constant 42 : i32
          %add3A_827 = vector.broadcast %add3A_826 : i32 to vector<16xi32>
          %add3A_828 = arith.addi %add3A_817, %add3A_827 : vector<16xi32>
          %add3A_829 = arith.constant 466689009 : i32
          %add3A_830 = vector.broadcast %add3A_829 : i32 to vector<16xi32>
          %add3A_831 = arith.addi %xor3A_825, %add3A_830 : vector<16xi32>
          %add3A_832 = arith.addi %add3A_828, %add3A_831 : vector<16xi32>
          %shift_left3A_833 = arith.constant 17 : i32
          %shift_left3A_834 = vector.broadcast %shift_left3A_833 : i32 to vector<16xi32>
          %shift_left3A_835 = arith.shli %add3A_831, %shift_left3A_834 : vector<16xi32>
          %shift_right_logical3A_836 = arith.constant 15 : i32
          %shift_right_logical3A_837 = vector.broadcast %shift_right_logical3A_836 : i32 to vector<16xi32>
          %shift_right_logical3A_838 = arith.shrui %add3A_831, %shift_right_logical3A_837 : vector<16xi32>
          %or3A_839 = arith.ori %shift_left3A_835, %shift_right_logical3A_838 : vector<16xi32>
          %xor3A_840 = arith.xori %or3A_839, %add3A_832 : vector<16xi32>
          %add3A_841 = arith.addi %add3A_832, %xor3A_840 : vector<16xi32>
          %shift_left3A_842 = arith.constant 29 : i32
          %shift_left3A_843 = vector.broadcast %shift_left3A_842 : i32 to vector<16xi32>
          %shift_left3A_844 = arith.shli %xor3A_840, %shift_left3A_843 : vector<16xi32>
          %shift_right_logical3A_845 = arith.constant 3 : i32
          %shift_right_logical3A_846 = vector.broadcast %shift_right_logical3A_845 : i32 to vector<16xi32>
          %shift_right_logical3A_847 = arith.shrui %xor3A_840, %shift_right_logical3A_846 : vector<16xi32>
          %or3A_848 = arith.ori %shift_left3A_844, %shift_right_logical3A_847 : vector<16xi32>
          %xor3A_849 = arith.xori %or3A_848, %add3A_841 : vector<16xi32>
          %add3A_850 = arith.addi %add3A_841, %xor3A_849 : vector<16xi32>
          %shift_left3A_851 = arith.constant 16 : i32
          %shift_left3A_852 = vector.broadcast %shift_left3A_851 : i32 to vector<16xi32>
          %shift_left3A_853 = arith.shli %xor3A_849, %shift_left3A_852 : vector<16xi32>
          %shift_right_logical3A_854 = arith.constant 16 : i32
          %shift_right_logical3A_855 = vector.broadcast %shift_right_logical3A_854 : i32 to vector<16xi32>
          %shift_right_logical3A_856 = arith.shrui %xor3A_849, %shift_right_logical3A_855 : vector<16xi32>
          %or3A_857 = arith.ori %shift_left3A_853, %shift_right_logical3A_856 : vector<16xi32>
          %xor3A_858 = arith.xori %or3A_857, %add3A_850 : vector<16xi32>
          %add3A_859 = arith.addi %add3A_850, %xor3A_858 : vector<16xi32>
          %shift_left3A_860 = arith.constant 24 : i32
          %shift_left3A_861 = vector.broadcast %shift_left3A_860 : i32 to vector<16xi32>
          %shift_left3A_862 = arith.shli %xor3A_858, %shift_left3A_861 : vector<16xi32>
          %shift_right_logical3A_863 = arith.constant 8 : i32
          %shift_right_logical3A_864 = vector.broadcast %shift_right_logical3A_863 : i32 to vector<16xi32>
          %shift_right_logical3A_865 = arith.shrui %xor3A_858, %shift_right_logical3A_864 : vector<16xi32>
          %or3A_866 = arith.ori %shift_left3A_862, %shift_right_logical3A_865 : vector<16xi32>
          %xor3A_867 = arith.xori %or3A_866, %add3A_859 : vector<16xi32>
          %add3A_868 = arith.constant 466689008 : i32
          %add3A_869 = vector.broadcast %add3A_868 : i32 to vector<16xi32>
          %add3A_870 = arith.addi %add3A_859, %add3A_869 : vector<16xi32>
          %add3A_871 = arith.constant 2 : i32
          %add3A_872 = vector.broadcast %add3A_871 : i32 to vector<16xi32>
          %add3A_873 = arith.addi %xor3A_867, %add3A_872 : vector<16xi32>
          %add3A_874 = arith.addi %add3A_870, %add3A_873 : vector<16xi32>
          %shift_left3A_875 = arith.constant 13 : i32
          %shift_left3A_876 = vector.broadcast %shift_left3A_875 : i32 to vector<16xi32>
          %shift_left3A_877 = arith.shli %add3A_873, %shift_left3A_876 : vector<16xi32>
          %shift_right_logical3A_878 = arith.constant 19 : i32
          %shift_right_logical3A_879 = vector.broadcast %shift_right_logical3A_878 : i32 to vector<16xi32>
          %shift_right_logical3A_880 = arith.shrui %add3A_873, %shift_right_logical3A_879 : vector<16xi32>
          %or3A_881 = arith.ori %shift_left3A_877, %shift_right_logical3A_880 : vector<16xi32>
          %xor3A_882 = arith.xori %or3A_881, %add3A_874 : vector<16xi32>
          %add3A_883 = arith.addi %add3A_874, %xor3A_882 : vector<16xi32>
          %shift_left3A_884 = arith.constant 15 : i32
          %shift_left3A_885 = vector.broadcast %shift_left3A_884 : i32 to vector<16xi32>
          %shift_left3A_886 = arith.shli %xor3A_882, %shift_left3A_885 : vector<16xi32>
          %shift_right_logical3A_887 = arith.constant 17 : i32
          %shift_right_logical3A_888 = vector.broadcast %shift_right_logical3A_887 : i32 to vector<16xi32>
          %shift_right_logical3A_889 = arith.shrui %xor3A_882, %shift_right_logical3A_888 : vector<16xi32>
          %or3A_890 = arith.ori %shift_left3A_886, %shift_right_logical3A_889 : vector<16xi32>
          %xor3A_891 = arith.xori %or3A_890, %add3A_883 : vector<16xi32>
          %add3A_892 = arith.addi %add3A_883, %xor3A_891 : vector<16xi32>
          %shift_left3A_893 = arith.constant 26 : i32
          %shift_left3A_894 = vector.broadcast %shift_left3A_893 : i32 to vector<16xi32>
          %shift_left3A_895 = arith.shli %xor3A_891, %shift_left3A_894 : vector<16xi32>
          %shift_right_logical3A_896 = arith.constant 6 : i32
          %shift_right_logical3A_897 = vector.broadcast %shift_right_logical3A_896 : i32 to vector<16xi32>
          %shift_right_logical3A_898 = arith.shrui %xor3A_891, %shift_right_logical3A_897 : vector<16xi32>
          %or3A_899 = arith.ori %shift_left3A_895, %shift_right_logical3A_898 : vector<16xi32>
          %xor3A_900 = arith.xori %or3A_899, %add3A_892 : vector<16xi32>
          %add3A_901 = arith.addi %add3A_892, %xor3A_900 : vector<16xi32>
          %shift_left3A_902 = arith.constant 6 : i32
          %shift_left3A_903 = vector.broadcast %shift_left3A_902 : i32 to vector<16xi32>
          %shift_left3A_904 = arith.shli %xor3A_900, %shift_left3A_903 : vector<16xi32>
          %shift_right_logical3A_905 = arith.constant 26 : i32
          %shift_right_logical3A_906 = vector.broadcast %shift_right_logical3A_905 : i32 to vector<16xi32>
          %shift_right_logical3A_907 = arith.shrui %xor3A_900, %shift_right_logical3A_906 : vector<16xi32>
          %or3A_908 = arith.ori %shift_left3A_904, %shift_right_logical3A_907 : vector<16xi32>
          %xor3A_909 = arith.xori %or3A_908, %add3A_901 : vector<16xi32>
          %add3A_910 = arith.constant 45 : i32
          %add3A_911 = vector.broadcast %add3A_910 : i32 to vector<16xi32>
          %add3A_912 = arith.addi %xor3A_909, %add3A_911 : vector<16xi32>
          %add3A_913 = arith.addi %add3A_901, %add3A_912 : vector<16xi32>
          %shift_left3A_914 = arith.constant 17 : i32
          %shift_left3A_915 = vector.broadcast %shift_left3A_914 : i32 to vector<16xi32>
          %shift_left3A_916 = arith.shli %add3A_912, %shift_left3A_915 : vector<16xi32>
          %shift_right_logical3A_917 = arith.constant 15 : i32
          %shift_right_logical3A_918 = vector.broadcast %shift_right_logical3A_917 : i32 to vector<16xi32>
          %shift_right_logical3A_919 = arith.shrui %add3A_912, %shift_right_logical3A_918 : vector<16xi32>
          %or3A_920 = arith.ori %shift_left3A_916, %shift_right_logical3A_919 : vector<16xi32>
          %xor3A_921 = arith.xori %or3A_920, %add3A_913 : vector<16xi32>
          %add3A_922 = arith.addi %add3A_913, %xor3A_921 : vector<16xi32>
          %shift_left3A_923 = arith.constant 29 : i32
          %shift_left3A_924 = vector.broadcast %shift_left3A_923 : i32 to vector<16xi32>
          %shift_left3A_925 = arith.shli %xor3A_921, %shift_left3A_924 : vector<16xi32>
          %shift_right_logical3A_926 = arith.constant 3 : i32
          %shift_right_logical3A_927 = vector.broadcast %shift_right_logical3A_926 : i32 to vector<16xi32>
          %shift_right_logical3A_928 = arith.shrui %xor3A_921, %shift_right_logical3A_927 : vector<16xi32>
          %or3A_929 = arith.ori %shift_left3A_925, %shift_right_logical3A_928 : vector<16xi32>
          %xor3A_930 = arith.xori %or3A_929, %add3A_922 : vector<16xi32>
          %add3A_931 = arith.addi %add3A_922, %xor3A_930 : vector<16xi32>
          %shift_left3A_932 = arith.constant 16 : i32
          %shift_left3A_933 = vector.broadcast %shift_left3A_932 : i32 to vector<16xi32>
          %shift_left3A_934 = arith.shli %xor3A_930, %shift_left3A_933 : vector<16xi32>
          %shift_right_logical3A_935 = arith.constant 16 : i32
          %shift_right_logical3A_936 = vector.broadcast %shift_right_logical3A_935 : i32 to vector<16xi32>
          %shift_right_logical3A_937 = arith.shrui %xor3A_930, %shift_right_logical3A_936 : vector<16xi32>
          %or3A_938 = arith.ori %shift_left3A_934, %shift_right_logical3A_937 : vector<16xi32>
          %xor3A_939 = arith.xori %or3A_938, %add3A_931 : vector<16xi32>
          %add3A_940 = arith.addi %add3A_931, %xor3A_939 : vector<16xi32>
          %shift_left3A_941 = arith.constant 24 : i32
          %shift_left3A_942 = vector.broadcast %shift_left3A_941 : i32 to vector<16xi32>
          %shift_left3A_943 = arith.shli %xor3A_939, %shift_left3A_942 : vector<16xi32>
          %shift_right_logical3A_944 = arith.constant 8 : i32
          %shift_right_logical3A_945 = vector.broadcast %shift_right_logical3A_944 : i32 to vector<16xi32>
          %shift_right_logical3A_946 = arith.shrui %xor3A_939, %shift_right_logical3A_945 : vector<16xi32>
          %or3A_947 = arith.ori %shift_left3A_943, %shift_right_logical3A_946 : vector<16xi32>
          %xor3A_948 = arith.xori %or3A_947, %add3A_940 : vector<16xi32>
          %add3A_949 = arith.constant 42 : i32
          %add3A_950 = vector.broadcast %add3A_949 : i32 to vector<16xi32>
          %add3A_951 = arith.addi %add3A_940, %add3A_950 : vector<16xi32>
          %add3A_952 = arith.constant 466689012 : i32
          %add3A_953 = vector.broadcast %add3A_952 : i32 to vector<16xi32>
          %add3A_954 = arith.addi %xor3A_948, %add3A_953 : vector<16xi32>
          %add3A_955 = arith.addi %add3A_951, %add3A_954 : vector<16xi32>
          %shift_left3A_956 = arith.constant 13 : i32
          %shift_left3A_957 = vector.broadcast %shift_left3A_956 : i32 to vector<16xi32>
          %shift_left3A_958 = arith.shli %add3A_954, %shift_left3A_957 : vector<16xi32>
          %shift_right_logical3A_959 = arith.constant 19 : i32
          %shift_right_logical3A_960 = vector.broadcast %shift_right_logical3A_959 : i32 to vector<16xi32>
          %shift_right_logical3A_961 = arith.shrui %add3A_954, %shift_right_logical3A_960 : vector<16xi32>
          %or3A_962 = arith.ori %shift_left3A_958, %shift_right_logical3A_961 : vector<16xi32>
          %xor3A_963 = arith.xori %or3A_962, %add3A_955 : vector<16xi32>
          %add3A_964 = arith.addi %add3A_955, %xor3A_963 : vector<16xi32>
          %shift_left3A_965 = arith.constant 15 : i32
          %shift_left3A_966 = vector.broadcast %shift_left3A_965 : i32 to vector<16xi32>
          %shift_left3A_967 = arith.shli %xor3A_963, %shift_left3A_966 : vector<16xi32>
          %shift_right_logical3A_968 = arith.constant 17 : i32
          %shift_right_logical3A_969 = vector.broadcast %shift_right_logical3A_968 : i32 to vector<16xi32>
          %shift_right_logical3A_970 = arith.shrui %xor3A_963, %shift_right_logical3A_969 : vector<16xi32>
          %or3A_971 = arith.ori %shift_left3A_967, %shift_right_logical3A_970 : vector<16xi32>
          %xor3A_972 = arith.xori %or3A_971, %add3A_964 : vector<16xi32>
          %add3A_973 = arith.addi %add3A_964, %xor3A_972 : vector<16xi32>
          %shift_left3A_974 = arith.constant 26 : i32
          %shift_left3A_975 = vector.broadcast %shift_left3A_974 : i32 to vector<16xi32>
          %shift_left3A_976 = arith.shli %xor3A_972, %shift_left3A_975 : vector<16xi32>
          %shift_right_logical3A_977 = arith.constant 6 : i32
          %shift_right_logical3A_978 = vector.broadcast %shift_right_logical3A_977 : i32 to vector<16xi32>
          %shift_right_logical3A_979 = arith.shrui %xor3A_972, %shift_right_logical3A_978 : vector<16xi32>
          %or3A_980 = arith.ori %shift_left3A_976, %shift_right_logical3A_979 : vector<16xi32>
          %xor3A_981 = arith.xori %or3A_980, %add3A_973 : vector<16xi32>
          %add3A_982 = arith.addi %add3A_973, %xor3A_981 : vector<16xi32>
          %shift_left3A_983 = arith.constant 6 : i32
          %shift_left3A_984 = vector.broadcast %shift_left3A_983 : i32 to vector<16xi32>
          %shift_left3A_985 = arith.shli %xor3A_981, %shift_left3A_984 : vector<16xi32>
          %shift_right_logical3A_986 = arith.constant 26 : i32
          %shift_right_logical3A_987 = vector.broadcast %shift_right_logical3A_986 : i32 to vector<16xi32>
          %shift_right_logical3A_988 = arith.shrui %xor3A_981, %shift_right_logical3A_987 : vector<16xi32>
          %or3A_989 = arith.ori %shift_left3A_985, %shift_right_logical3A_988 : vector<16xi32>
          %xor3A_990 = arith.xori %or3A_989, %add3A_982 : vector<16xi32>
          %add3A_991 = arith.constant 466689008 : i32
          %add3A_992 = vector.broadcast %add3A_991 : i32 to vector<16xi32>
          %add3A_993 = arith.addi %add3A_982, %add3A_992 : vector<16xi32>
          %add3A_994 = arith.constant 5 : i32
          %add3A_995 = vector.broadcast %add3A_994 : i32 to vector<16xi32>
          %add3A_996 = arith.addi %xor3A_990, %add3A_995 : vector<16xi32>
          %xor3A_997 = arith.xori %add3A_993, %add3A_996 : vector<16xi32>
          %shift_right_logical3A_998 = arith.constant 9 : i32
          %shift_right_logical3A_999 = vector.broadcast %shift_right_logical3A_998 : i32 to vector<16xi32>
          %shift_right_logical3A_1000 = arith.shrui %xor3A_997, %shift_right_logical3A_999 : vector<16xi32>
          %mul3A_1001 = arith.constant 16 : i32
          %mul3A_1002 = arith.muli %scan3A_783, %mul3A_1001 : i32
          %get3A_1003 = arith.index_cast %mul3A_1002 : i32 to index
          %get3A_1004 = tpu.vector_load %arg6[%get3A_1003] {strides = array<i32>} : memref<100000xi32, #tpu.memory_space<vmem>>, vector<16xi32>,
          %and3A_1005 = arith.andi %shift_right_logical3A_1000, %get3A_1004 : vector<16xi32>
          %gt3A_1006 = arith.cmpi sgt, %and3A_1005, %select_n3A_774 : vector<16xi32>
          %select_n3A_1007 = arith.select %gt3A_1006, %and3A_1005, %select_n3A_774 : vector<16xi1>, vector<16xi32>
          %select_n3A_1008 = arith.select %gt3A_1006, %add3A_778, %select_n3A_775 : vector<16xi1>, vector<16xi32>
          %add3A_1009 = arith.constant 16 : i32
          %add3A_1010 = vector.broadcast %add3A_1009 : i32 to vector<16xi32>
          %add3A_1011 = arith.addi %add3A_778, %add3A_1010 : vector<16xi32>
          %add3A_1012 = arith.constant 16 : i32
          %add3A_1013 = vector.broadcast %add3A_1012 : i32 to vector<16xi32>
          %add3A_1014 = arith.addi %add3A_781, %add3A_1013 : vector<16xi32>
          %scan3A_1015 = arith.constant 2 : i32
          %scan3A_1016 = arith.addi %scan3A_546, %scan3A_1015 : i32
          %add3A_1017 = arith.addi %broadcast_in_dim3A_53, %add3A_1011 : vector<16xi32>
          %lt3A_1018 = arith.cmpi slt, %add3A_1017, %add3A_1014 : vector<16xi32>
          %select_n3A_1019 = arith.select %lt3A_1018, %add3A_51, %broadcast_in_dim3A_48 : vector<16xi1>, vector<16xi32>
          %add3A_1020 = arith.constant -2147483606 : i32
          %add3A_1021 = vector.broadcast %add3A_1020 : i32 to vector<16xi32>
          %add3A_1022 = arith.addi %add3A_1017, %add3A_1021 : vector<16xi32>
          %add3A_1023 = arith.addi %select_n3A_1019, %add3A_1022 : vector<16xi32>
          %shift_left3A_1024 = arith.constant 13 : i32
          %shift_left3A_1025 = vector.broadcast %shift_left3A_1024 : i32 to vector<16xi32>
          %shift_left3A_1026 = arith.shli %add3A_1022, %shift_left3A_1025 : vector<16xi32>
          %shift_right_logical3A_1027 = arith.constant 19 : i32
          %shift_right_logical3A_1028 = vector.broadcast %shift_right_logical3A_1027 : i32 to vector<16xi32>
          %shift_right_logical3A_1029 = arith.shrui %add3A_1022, %shift_right_logical3A_1028 : vector<16xi32>
          %or3A_1030 = arith.ori %shift_left3A_1026, %shift_right_logical3A_1029 : vector<16xi32>
          %xor3A_1031 = arith.xori %or3A_1030, %add3A_1023 : vector<16xi32>
          %add3A_1032 = arith.addi %add3A_1023, %xor3A_1031 : vector<16xi32>
          %shift_left3A_1033 = arith.constant 15 : i32
          %shift_left3A_1034 = vector.broadcast %shift_left3A_1033 : i32 to vector<16xi32>
          %shift_left3A_1035 = arith.shli %xor3A_1031, %shift_left3A_1034 : vector<16xi32>
          %shift_right_logical3A_1036 = arith.constant 17 : i32
          %shift_right_logical3A_1037 = vector.broadcast %shift_right_logical3A_1036 : i32 to vector<16xi32>
          %shift_right_logical3A_1038 = arith.shrui %xor3A_1031, %shift_right_logical3A_1037 : vector<16xi32>
          %or3A_1039 = arith.ori %shift_left3A_1035, %shift_right_logical3A_1038 : vector<16xi32>
          %xor3A_1040 = arith.xori %or3A_1039, %add3A_1032 : vector<16xi32>
          %add3A_1041 = arith.addi %add3A_1032, %xor3A_1040 : vector<16xi32>
          %shift_left3A_1042 = arith.constant 26 : i32
          %shift_left3A_1043 = vector.broadcast %shift_left3A_1042 : i32 to vector<16xi32>
          %shift_left3A_1044 = arith.shli %xor3A_1040, %shift_left3A_1043 : vector<16xi32>
          %shift_right_logical3A_1045 = arith.constant 6 : i32
          %shift_right_logical3A_1046 = vector.broadcast %shift_right_logical3A_1045 : i32 to vector<16xi32>
          %shift_right_logical3A_1047 = arith.shrui %xor3A_1040, %shift_right_logical3A_1046 : vector<16xi32>
          %or3A_1048 = arith.ori %shift_left3A_1044, %shift_right_logical3A_1047 : vector<16xi32>
          %xor3A_1049 = arith.xori %or3A_1048, %add3A_1041 : vector<16xi32>
          %add3A_1050 = arith.addi %add3A_1041, %xor3A_1049 : vector<16xi32>
          %shift_left3A_1051 = arith.constant 6 : i32
          %shift_left3A_1052 = vector.broadcast %shift_left3A_1051 : i32 to vector<16xi32>
          %shift_left3A_1053 = arith.shli %xor3A_1049, %shift_left3A_1052 : vector<16xi32>
          %shift_right_logical3A_1054 = arith.constant 26 : i32
          %shift_right_logical3A_1055 = vector.broadcast %shift_right_logical3A_1054 : i32 to vector<16xi32>
          %shift_right_logical3A_1056 = arith.shrui %xor3A_1049, %shift_right_logical3A_1055 : vector<16xi32>
          %or3A_1057 = arith.ori %shift_left3A_1053, %shift_right_logical3A_1056 : vector<16xi32>
          %xor3A_1058 = arith.xori %or3A_1057, %add3A_1050 : vector<16xi32>
          %add3A_1059 = arith.constant 42 : i32
          %add3A_1060 = vector.broadcast %add3A_1059 : i32 to vector<16xi32>
          %add3A_1061 = arith.addi %add3A_1050, %add3A_1060 : vector<16xi32>
          %add3A_1062 = arith.constant 466689009 : i32
          %add3A_1063 = vector.broadcast %add3A_1062 : i32 to vector<16xi32>
          %add3A_1064 = arith.addi %xor3A_1058, %add3A_1063 : vector<16xi32>
          %add3A_1065 = arith.addi %add3A_1061, %add3A_1064 : vector<16xi32>
          %shift_left3A_1066 = arith.constant 17 : i32
          %shift_left3A_1067 = vector.broadcast %shift_left3A_1066 : i32 to vector<16xi32>
          %shift_left3A_1068 = arith.shli %add3A_1064, %shift_left3A_1067 : vector<16xi32>
          %shift_right_logical3A_1069 = arith.constant 15 : i32
          %shift_right_logical3A_1070 = vector.broadcast %shift_right_logical3A_1069 : i32 to vector<16xi32>
          %shift_right_logical3A_1071 = arith.shrui %add3A_1064, %shift_right_logical3A_1070 : vector<16xi32>
          %or3A_1072 = arith.ori %shift_left3A_1068, %shift_right_logical3A_1071 : vector<16xi32>
          %xor3A_1073 = arith.xori %or3A_1072, %add3A_1065 : vector<16xi32>
          %add3A_1074 = arith.addi %add3A_1065, %xor3A_1073 : vector<16xi32>
          %shift_left3A_1075 = arith.constant 29 : i32
          %shift_left3A_1076 = vector.broadcast %shift_left3A_1075 : i32 to vector<16xi32>
          %shift_left3A_1077 = arith.shli %xor3A_1073, %shift_left3A_1076 : vector<16xi32>
          %shift_right_logical3A_1078 = arith.constant 3 : i32
          %shift_right_logical3A_1079 = vector.broadcast %shift_right_logical3A_1078 : i32 to vector<16xi32>
          %shift_right_logical3A_1080 = arith.shrui %xor3A_1073, %shift_right_logical3A_1079 : vector<16xi32>
          %or3A_1081 = arith.ori %shift_left3A_1077, %shift_right_logical3A_1080 : vector<16xi32>
          %xor3A_1082 = arith.xori %or3A_1081, %add3A_1074 : vector<16xi32>
          %add3A_1083 = arith.addi %add3A_1074, %xor3A_1082 : vector<16xi32>
          %shift_left3A_1084 = arith.constant 16 : i32
          %shift_left3A_1085 = vector.broadcast %shift_left3A_1084 : i32 to vector<16xi32>
          %shift_left3A_1086 = arith.shli %xor3A_1082, %shift_left3A_1085 : vector<16xi32>
          %shift_right_logical3A_1087 = arith.constant 16 : i32
          %shift_right_logical3A_1088 = vector.broadcast %shift_right_logical3A_1087 : i32 to vector<16xi32>
          %shift_right_logical3A_1089 = arith.shrui %xor3A_1082, %shift_right_logical3A_1088 : vector<16xi32>
          %or3A_1090 = arith.ori %shift_left3A_1086, %shift_right_logical3A_1089 : vector<16xi32>
          %xor3A_1091 = arith.xori %or3A_1090, %add3A_1083 : vector<16xi32>
          %add3A_1092 = arith.addi %add3A_1083, %xor3A_1091 : vector<16xi32>
          %shift_left3A_1093 = arith.constant 24 : i32
          %shift_left3A_1094 = vector.broadcast %shift_left3A_1093 : i32 to vector<16xi32>
          %shift_left3A_1095 = arith.shli %xor3A_1091, %shift_left3A_1094 : vector<16xi32>
          %shift_right_logical3A_1096 = arith.constant 8 : i32
          %shift_right_logical3A_1097 = vector.broadcast %shift_right_logical3A_1096 : i32 to vector<16xi32>
          %shift_right_logical3A_1098 = arith.shrui %xor3A_1091, %shift_right_logical3A_1097 : vector<16xi32>
          %or3A_1099 = arith.ori %shift_left3A_1095, %shift_right_logical3A_1098 : vector<16xi32>
          %xor3A_1100 = arith.xori %or3A_1099, %add3A_1092 : vector<16xi32>
          %add3A_1101 = arith.constant 466689008 : i32
          %add3A_1102 = vector.broadcast %add3A_1101 : i32 to vector<16xi32>
          %add3A_1103 = arith.addi %add3A_1092, %add3A_1102 : vector<16xi32>
          %add3A_1104 = arith.constant 2 : i32
          %add3A_1105 = vector.broadcast %add3A_1104 : i32 to vector<16xi32>
          %add3A_1106 = arith.addi %xor3A_1100, %add3A_1105 : vector<16xi32>
          %add3A_1107 = arith.addi %add3A_1103, %add3A_1106 : vector<16xi32>
          %shift_left3A_1108 = arith.constant 13 : i32
          %shift_left3A_1109 = vector.broadcast %shift_left3A_1108 : i32 to vector<16xi32>
          %shift_left3A_1110 = arith.shli %add3A_1106, %shift_left3A_1109 : vector<16xi32>
          %shift_right_logical3A_1111 = arith.constant 19 : i32
          %shift_right_logical3A_1112 = vector.broadcast %shift_right_logical3A_1111 : i32 to vector<16xi32>
          %shift_right_logical3A_1113 = arith.shrui %add3A_1106, %shift_right_logical3A_1112 : vector<16xi32>
          %or3A_1114 = arith.ori %shift_left3A_1110, %shift_right_logical3A_1113 : vector<16xi32>
          %xor3A_1115 = arith.xori %or3A_1114, %add3A_1107 : vector<16xi32>
          %add3A_1116 = arith.addi %add3A_1107, %xor3A_1115 : vector<16xi32>
          %shift_left3A_1117 = arith.constant 15 : i32
          %shift_left3A_1118 = vector.broadcast %shift_left3A_1117 : i32 to vector<16xi32>
          %shift_left3A_1119 = arith.shli %xor3A_1115, %shift_left3A_1118 : vector<16xi32>
          %shift_right_logical3A_1120 = arith.constant 17 : i32
          %shift_right_logical3A_1121 = vector.broadcast %shift_right_logical3A_1120 : i32 to vector<16xi32>
          %shift_right_logical3A_1122 = arith.shrui %xor3A_1115, %shift_right_logical3A_1121 : vector<16xi32>
          %or3A_1123 = arith.ori %shift_left3A_1119, %shift_right_logical3A_1122 : vector<16xi32>
          %xor3A_1124 = arith.xori %or3A_1123, %add3A_1116 : vector<16xi32>
          %add3A_1125 = arith.addi %add3A_1116, %xor3A_1124 : vector<16xi32>
          %shift_left3A_1126 = arith.constant 26 : i32
          %shift_left3A_1127 = vector.broadcast %shift_left3A_1126 : i32 to vector<16xi32>
          %shift_left3A_1128 = arith.shli %xor3A_1124, %shift_left3A_1127 : vector<16xi32>
          %shift_right_logical3A_1129 = arith.constant 6 : i32
          %shift_right_logical3A_1130 = vector.broadcast %shift_right_logical3A_1129 : i32 to vector<16xi32>
          %shift_right_logical3A_1131 = arith.shrui %xor3A_1124, %shift_right_logical3A_1130 : vector<16xi32>
          %or3A_1132 = arith.ori %shift_left3A_1128, %shift_right_logical3A_1131 : vector<16xi32>
          %xor3A_1133 = arith.xori %or3A_1132, %add3A_1125 : vector<16xi32>
          %add3A_1134 = arith.addi %add3A_1125, %xor3A_1133 : vector<16xi32>
          %shift_left3A_1135 = arith.constant 6 : i32
          %shift_left3A_1136 = vector.broadcast %shift_left3A_1135 : i32 to vector<16xi32>
          %shift_left3A_1137 = arith.shli %xor3A_1133, %shift_left3A_1136 : vector<16xi32>
          %shift_right_logical3A_1138 = arith.constant 26 : i32
          %shift_right_logical3A_1139 = vector.broadcast %shift_right_logical3A_1138 : i32 to vector<16xi32>
          %shift_right_logical3A_1140 = arith.shrui %xor3A_1133, %shift_right_logical3A_1139 : vector<16xi32>
          %or3A_1141 = arith.ori %shift_left3A_1137, %shift_right_logical3A_1140 : vector<16xi32>
          %xor3A_1142 = arith.xori %or3A_1141, %add3A_1134 : vector<16xi32>
          %add3A_1143 = arith.constant 45 : i32
          %add3A_1144 = vector.broadcast %add3A_1143 : i32 to vector<16xi32>
          %add3A_1145 = arith.addi %xor3A_1142, %add3A_1144 : vector<16xi32>
          %add3A_1146 = arith.addi %add3A_1134, %add3A_1145 : vector<16xi32>
          %shift_left3A_1147 = arith.constant 17 : i32
          %shift_left3A_1148 = vector.broadcast %shift_left3A_1147 : i32 to vector<16xi32>
          %shift_left3A_1149 = arith.shli %add3A_1145, %shift_left3A_1148 : vector<16xi32>
          %shift_right_logical3A_1150 = arith.constant 15 : i32
          %shift_right_logical3A_1151 = vector.broadcast %shift_right_logical3A_1150 : i32 to vector<16xi32>
          %shift_right_logical3A_1152 = arith.shrui %add3A_1145, %shift_right_logical3A_1151 : vector<16xi32>
          %or3A_1153 = arith.ori %shift_left3A_1149, %shift_right_logical3A_1152 : vector<16xi32>
          %xor3A_1154 = arith.xori %or3A_1153, %add3A_1146 : vector<16xi32>
          %add3A_1155 = arith.addi %add3A_1146, %xor3A_1154 : vector<16xi32>
          %shift_left3A_1156 = arith.constant 29 : i32
          %shift_left3A_1157 = vector.broadcast %shift_left3A_1156 : i32 to vector<16xi32>
          %shift_left3A_1158 = arith.shli %xor3A_1154, %shift_left3A_1157 : vector<16xi32>
          %shift_right_logical3A_1159 = arith.constant 3 : i32
          %shift_right_logical3A_1160 = vector.broadcast %shift_right_logical3A_1159 : i32 to vector<16xi32>
          %shift_right_logical3A_1161 = arith.shrui %xor3A_1154, %shift_right_logical3A_1160 : vector<16xi32>
          %or3A_1162 = arith.ori %shift_left3A_1158, %shift_right_logical3A_1161 : vector<16xi32>
          %xor3A_1163 = arith.xori %or3A_1162, %add3A_1155 : vector<16xi32>
          %add3A_1164 = arith.addi %add3A_1155, %xor3A_1163 : vector<16xi32>
          %shift_left3A_1165 = arith.constant 16 : i32
          %shift_left3A_1166 = vector.broadcast %shift_left3A_1165 : i32 to vector<16xi32>
          %shift_left3A_1167 = arith.shli %xor3A_1163, %shift_left3A_1166 : vector<16xi32>
          %shift_right_logical3A_1168 = arith.constant 16 : i32
          %shift_right_logical3A_1169 = vector.broadcast %shift_right_logical3A_1168 : i32 to vector<16xi32>
          %shift_right_logical3A_1170 = arith.shrui %xor3A_1163, %shift_right_logical3A_1169 : vector<16xi32>
          %or3A_1171 = arith.ori %shift_left3A_1167, %shift_right_logical3A_1170 : vector<16xi32>
          %xor3A_1172 = arith.xori %or3A_1171, %add3A_1164 : vector<16xi32>
          %add3A_1173 = arith.addi %add3A_1164, %xor3A_1172 : vector<16xi32>
          %shift_left3A_1174 = arith.constant 24 : i32
          %shift_left3A_1175 = vector.broadcast %shift_left3A_1174 : i32 to vector<16xi32>
          %shift_left3A_1176 = arith.shli %xor3A_1172, %shift_left3A_1175 : vector<16xi32>
          %shift_right_logical3A_1177 = arith.constant 8 : i32
          %shift_right_logical3A_1178 = vector.broadcast %shift_right_logical3A_1177 : i32 to vector<16xi32>
          %shift_right_logical3A_1179 = arith.shrui %xor3A_1172, %shift_right_logical3A_1178 : vector<16xi32>
          %or3A_1180 = arith.ori %shift_left3A_1176, %shift_right_logical3A_1179 : vector<16xi32>
          %xor3A_1181 = arith.xori %or3A_1180, %add3A_1173 : vector<16xi32>
          %add3A_1182 = arith.constant 42 : i32
          %add3A_1183 = vector.broadcast %add3A_1182 : i32 to vector<16xi32>
          %add3A_1184 = arith.addi %add3A_1173, %add3A_1183 : vector<16xi32>
          %add3A_1185 = arith.constant 466689012 : i32
          %add3A_1186 = vector.broadcast %add3A_1185 : i32 to vector<16xi32>
          %add3A_1187 = arith.addi %xor3A_1181, %add3A_1186 : vector<16xi32>
          %add3A_1188 = arith.addi %add3A_1184, %add3A_1187 : vector<16xi32>
          %shift_left3A_1189 = arith.constant 13 : i32
          %shift_left3A_1190 = vector.broadcast %shift_left3A_1189 : i32 to vector<16xi32>
          %shift_left3A_1191 = arith.shli %add3A_1187, %shift_left3A_1190 : vector<16xi32>
          %shift_right_logical3A_1192 = arith.constant 19 : i32
          %shift_right_logical3A_1193 = vector.broadcast %shift_right_logical3A_1192 : i32 to vector<16xi32>
          %shift_right_logical3A_1194 = arith.shrui %add3A_1187, %shift_right_logical3A_1193 : vector<16xi32>
          %or3A_1195 = arith.ori %shift_left3A_1191, %shift_right_logical3A_1194 : vector<16xi32>
          %xor3A_1196 = arith.xori %or3A_1195, %add3A_1188 : vector<16xi32>
          %add3A_1197 = arith.addi %add3A_1188, %xor3A_1196 : vector<16xi32>
          %shift_left3A_1198 = arith.constant 15 : i32
          %shift_left3A_1199 = vector.broadcast %shift_left3A_1198 : i32 to vector<16xi32>
          %shift_left3A_1200 = arith.shli %xor3A_1196, %shift_left3A_1199 : vector<16xi32>
          %shift_right_logical3A_1201 = arith.constant 17 : i32
          %shift_right_logical3A_1202 = vector.broadcast %shift_right_logical3A_1201 : i32 to vector<16xi32>
          %shift_right_logical3A_1203 = arith.shrui %xor3A_1196, %shift_right_logical3A_1202 : vector<16xi32>
          %or3A_1204 = arith.ori %shift_left3A_1200, %shift_right_logical3A_1203 : vector<16xi32>
          %xor3A_1205 = arith.xori %or3A_1204, %add3A_1197 : vector<16xi32>
          %add3A_1206 = arith.addi %add3A_1197, %xor3A_1205 : vector<16xi32>
          %shift_left3A_1207 = arith.constant 26 : i32
          %shift_left3A_1208 = vector.broadcast %shift_left3A_1207 : i32 to vector<16xi32>
          %shift_left3A_1209 = arith.shli %xor3A_1205, %shift_left3A_1208 : vector<16xi32>
          %shift_right_logical3A_1210 = arith.constant 6 : i32
          %shift_right_logical3A_1211 = vector.broadcast %shift_right_logical3A_1210 : i32 to vector<16xi32>
          %shift_right_logical3A_1212 = arith.shrui %xor3A_1205, %shift_right_logical3A_1211 : vector<16xi32>
          %or3A_1213 = arith.ori %shift_left3A_1209, %shift_right_logical3A_1212 : vector<16xi32>
          %xor3A_1214 = arith.xori %or3A_1213, %add3A_1206 : vector<16xi32>
          %add3A_1215 = arith.addi %add3A_1206, %xor3A_1214 : vector<16xi32>
          %shift_left3A_1216 = arith.constant 6 : i32
          %shift_left3A_1217 = vector.broadcast %shift_left3A_1216 : i32 to vector<16xi32>
          %shift_left3A_1218 = arith.shli %xor3A_1214, %shift_left3A_1217 : vector<16xi32>
          %shift_right_logical3A_1219 = arith.constant 26 : i32
          %shift_right_logical3A_1220 = vector.broadcast %shift_right_logical3A_1219 : i32 to vector<16xi32>
          %shift_right_logical3A_1221 = arith.shrui %xor3A_1214, %shift_right_logical3A_1220 : vector<16xi32>
          %or3A_1222 = arith.ori %shift_left3A_1218, %shift_right_logical3A_1221 : vector<16xi32>
          %xor3A_1223 = arith.xori %or3A_1222, %add3A_1215 : vector<16xi32>
          %add3A_1224 = arith.constant 466689008 : i32
          %add3A_1225 = vector.broadcast %add3A_1224 : i32 to vector<16xi32>
          %add3A_1226 = arith.addi %add3A_1215, %add3A_1225 : vector<16xi32>
          %add3A_1227 = arith.constant 5 : i32
          %add3A_1228 = vector.broadcast %add3A_1227 : i32 to vector<16xi32>
          %add3A_1229 = arith.addi %xor3A_1223, %add3A_1228 : vector<16xi32>
          %xor3A_1230 = arith.xori %add3A_1226, %add3A_1229 : vector<16xi32>
          %shift_right_logical3A_1231 = arith.constant 9 : i32
          %shift_right_logical3A_1232 = vector.broadcast %shift_right_logical3A_1231 : i32 to vector<16xi32>
          %shift_right_logical3A_1233 = arith.shrui %xor3A_1230, %shift_right_logical3A_1232 : vector<16xi32>
          %mul3A_1234 = arith.constant 16 : i32
          %mul3A_1235 = arith.muli %scan3A_1016, %mul3A_1234 : i32
          %get3A_1236 = arith.index_cast %mul3A_1235 : i32 to index
          %get3A_1237 = tpu.vector_load %arg6[%get3A_1236] {strides = array<i32>} : memref<100000xi32, #tpu.memory_space<vmem>>, vector<16xi32>,
          %and3A_1238 = arith.andi %shift_right_logical3A_1233, %get3A_1237 : vector<16xi32>
          %gt3A_1239 = arith.cmpi sgt, %and3A_1238, %select_n3A_1007 : vector<16xi32>
          %select_n3A_1240 = arith.select %gt3A_1239, %and3A_1238, %select_n3A_1007 : vector<16xi1>, vector<16xi32>
          %select_n3A_1241 = arith.select %gt3A_1239, %add3A_1011, %select_n3A_1008 : vector<16xi1>, vector<16xi32>
          %add3A_1242 = arith.constant 16 : i32
          %add3A_1243 = vector.broadcast %add3A_1242 : i32 to vector<16xi32>
          %add3A_1244 = arith.addi %add3A_1011, %add3A_1243 : vector<16xi32>
          %add3A_1245 = arith.constant 16 : i32
          %add3A_1246 = vector.broadcast %add3A_1245 : i32 to vector<16xi32>
          %add3A_1247 = arith.addi %add3A_1014, %add3A_1246 : vector<16xi32>
          %scan3A_1248 = arith.constant 3 : i32
          %scan3A_1249 = arith.addi %scan3A_546, %scan3A_1248 : i32
          %add3A_1250 = arith.addi %broadcast_in_dim3A_53, %add3A_1244 : vector<16xi32>
          %lt3A_1251 = arith.cmpi slt, %add3A_1250, %add3A_1247 : vector<16xi32>
          %select_n3A_1252 = arith.select %lt3A_1251, %add3A_51, %broadcast_in_dim3A_48 : vector<16xi1>, vector<16xi32>
          %add3A_1253 = arith.constant -2147483606 : i32
          %add3A_1254 = vector.broadcast %add3A_1253 : i32 to vector<16xi32>
          %add3A_1255 = arith.addi %add3A_1250, %add3A_1254 : vector<16xi32>
          %add3A_1256 = arith.addi %select_n3A_1252, %add3A_1255 : vector<16xi32>
          %shift_left3A_1257 = arith.constant 13 : i32
          %shift_left3A_1258 = vector.broadcast %shift_left3A_1257 : i32 to vector<16xi32>
          %shift_left3A_1259 = arith.shli %add3A_1255, %shift_left3A_1258 : vector<16xi32>
          %shift_right_logical3A_1260 = arith.constant 19 : i32
          %shift_right_logical3A_1261 = vector.broadcast %shift_right_logical3A_1260 : i32 to vector<16xi32>
          %shift_right_logical3A_1262 = arith.shrui %add3A_1255, %shift_right_logical3A_1261 : vector<16xi32>
          %or3A_1263 = arith.ori %shift_left3A_1259, %shift_right_logical3A_1262 : vector<16xi32>
          %xor3A_1264 = arith.xori %or3A_1263, %add3A_1256 : vector<16xi32>
          %add3A_1265 = arith.addi %add3A_1256, %xor3A_1264 : vector<16xi32>
          %shift_left3A_1266 = arith.constant 15 : i32
          %shift_left3A_1267 = vector.broadcast %shift_left3A_1266 : i32 to vector<16xi32>
          %shift_left3A_1268 = arith.shli %xor3A_1264, %shift_left3A_1267 : vector<16xi32>
          %shift_right_logical3A_1269 = arith.constant 17 : i32
          %shift_right_logical3A_1270 = vector.broadcast %shift_right_logical3A_1269 : i32 to vector<16xi32>
          %shift_right_logical3A_1271 = arith.shrui %xor3A_1264, %shift_right_logical3A_1270 : vector<16xi32>
          %or3A_1272 = arith.ori %shift_left3A_1268, %shift_right_logical3A_1271 : vector<16xi32>
          %xor3A_1273 = arith.xori %or3A_1272, %add3A_1265 : vector<16xi32>
          %add3A_1274 = arith.addi %add3A_1265, %xor3A_1273 : vector<16xi32>
          %shift_left3A_1275 = arith.constant 26 : i32
          %shift_left3A_1276 = vector.broadcast %shift_left3A_1275 : i32 to vector<16xi32>
          %shift_left3A_1277 = arith.shli %xor3A_1273, %shift_left3A_1276 : vector<16xi32>
          %shift_right_logical3A_1278 = arith.constant 6 : i32
          %shift_right_logical3A_1279 = vector.broadcast %shift_right_logical3A_1278 : i32 to vector<16xi32>
          %shift_right_logical3A_1280 = arith.shrui %xor3A_1273, %shift_right_logical3A_1279 : vector<16xi32>
          %or3A_1281 = arith.ori %shift_left3A_1277, %shift_right_logical3A_1280 : vector<16xi32>
          %xor3A_1282 = arith.xori %or3A_1281, %add3A_1274 : vector<16xi32>
          %add3A_1283 = arith.addi %add3A_1274, %xor3A_1282 : vector<16xi32>
          %shift_left3A_1284 = arith.constant 6 : i32
          %shift_left3A_1285 = vector.broadcast %shift_left3A_1284 : i32 to vector<16xi32>
          %shift_left3A_1286 = arith.shli %xor3A_1282, %shift_left3A_1285 : vector<16xi32>
          %shift_right_logical3A_1287 = arith.constant 26 : i32
          %shift_right_logical3A_1288 = vector.broadcast %shift_right_logical3A_1287 : i32 to vector<16xi32>
          %shift_right_logical3A_1289 = arith.shrui %xor3A_1282, %shift_right_logical3A_1288 : vector<16xi32>
          %or3A_1290 = arith.ori %shift_left3A_1286, %shift_right_logical3A_1289 : vector<16xi32>
          %xor3A_1291 = arith.xori %or3A_1290, %add3A_1283 : vector<16xi32>
          %add3A_1292 = arith.constant 42 : i32
          %add3A_1293 = vector.broadcast %add3A_1292 : i32 to vector<16xi32>
          %add3A_1294 = arith.addi %add3A_1283, %add3A_1293 : vector<16xi32>
          %add3A_1295 = arith.constant 466689009 : i32
          %add3A_1296 = vector.broadcast %add3A_1295 : i32 to vector<16xi32>
          %add3A_1297 = arith.addi %xor3A_1291, %add3A_1296 : vector<16xi32>
          %add3A_1298 = arith.addi %add3A_1294, %add3A_1297 : vector<16xi32>
          %shift_left3A_1299 = arith.constant 17 : i32
          %shift_left3A_1300 = vector.broadcast %shift_left3A_1299 : i32 to vector<16xi32>
          %shift_left3A_1301 = arith.shli %add3A_1297, %shift_left3A_1300 : vector<16xi32>
          %shift_right_logical3A_1302 = arith.constant 15 : i32
          %shift_right_logical3A_1303 = vector.broadcast %shift_right_logical3A_1302 : i32 to vector<16xi32>
          %shift_right_logical3A_1304 = arith.shrui %add3A_1297, %shift_right_logical3A_1303 : vector<16xi32>
          %or3A_1305 = arith.ori %shift_left3A_1301, %shift_right_logical3A_1304 : vector<16xi32>
          %xor3A_1306 = arith.xori %or3A_1305, %add3A_1298 : vector<16xi32>
          %add3A_1307 = arith.addi %add3A_1298, %xor3A_1306 : vector<16xi32>
          %shift_left3A_1308 = arith.constant 29 : i32
          %shift_left3A_1309 = vector.broadcast %shift_left3A_1308 : i32 to vector<16xi32>
          %shift_left3A_1310 = arith.shli %xor3A_1306, %shift_left3A_1309 : vector<16xi32>
          %shift_right_logical3A_1311 = arith.constant 3 : i32
          %shift_right_logical3A_1312 = vector.broadcast %shift_right_logical3A_1311 : i32 to vector<16xi32>
          %shift_right_logical3A_1313 = arith.shrui %xor3A_1306, %shift_right_logical3A_1312 : vector<16xi32>
          %or3A_1314 = arith.ori %shift_left3A_1310, %shift_right_logical3A_1313 : vector<16xi32>
          %xor3A_1315 = arith.xori %or3A_1314, %add3A_1307 : vector<16xi32>
          %add3A_1316 = arith.addi %add3A_1307, %xor3A_1315 : vector<16xi32>
          %shift_left3A_1317 = arith.constant 16 : i32
          %shift_left3A_1318 = vector.broadcast %shift_left3A_1317 : i32 to vector<16xi32>
          %shift_left3A_1319 = arith.shli %xor3A_1315, %shift_left3A_1318 : vector<16xi32>
          %shift_right_logical3A_1320 = arith.constant 16 : i32
          %shift_right_logical3A_1321 = vector.broadcast %shift_right_logical3A_1320 : i32 to vector<16xi32>
          %shift_right_logical3A_1322 = arith.shrui %xor3A_1315, %shift_right_logical3A_1321 : vector<16xi32>
          %or3A_1323 = arith.ori %shift_left3A_1319, %shift_right_logical3A_1322 : vector<16xi32>
          %xor3A_1324 = arith.xori %or3A_1323, %add3A_1316 : vector<16xi32>
          %add3A_1325 = arith.addi %add3A_1316, %xor3A_1324 : vector<16xi32>
          %shift_left3A_1326 = arith.constant 24 : i32
          %shift_left3A_1327 = vector.broadcast %shift_left3A_1326 : i32 to vector<16xi32>
          %shift_left3A_1328 = arith.shli %xor3A_1324, %shift_left3A_1327 : vector<16xi32>
          %shift_right_logical3A_1329 = arith.constant 8 : i32
          %shift_right_logical3A_1330 = vector.broadcast %shift_right_logical3A_1329 : i32 to vector<16xi32>
          %shift_right_logical3A_1331 = arith.shrui %xor3A_1324, %shift_right_logical3A_1330 : vector<16xi32>
          %or3A_1332 = arith.ori %shift_left3A_1328, %shift_right_logical3A_1331 : vector<16xi32>
          %xor3A_1333 = arith.xori %or3A_1332, %add3A_1325 : vector<16xi32>
          %add3A_1334 = arith.constant 466689008 : i32
          %add3A_1335 = vector.broadcast %add3A_1334 : i32 to vector<16xi32>
          %add3A_1336 = arith.addi %add3A_1325, %add3A_1335 : vector<16xi32>
          %add3A_1337 = arith.constant 2 : i32
          %add3A_1338 = vector.broadcast %add3A_1337 : i32 to vector<16xi32>
          %add3A_1339 = arith.addi %xor3A_1333, %add3A_1338 : vector<16xi32>
          %add3A_1340 = arith.addi %add3A_1336, %add3A_1339 : vector<16xi32>
          %shift_left3A_1341 = arith.constant 13 : i32
          %shift_left3A_1342 = vector.broadcast %shift_left3A_1341 : i32 to vector<16xi32>
          %shift_left3A_1343 = arith.shli %add3A_1339, %shift_left3A_1342 : vector<16xi32>
          %shift_right_logical3A_1344 = arith.constant 19 : i32
          %shift_right_logical3A_1345 = vector.broadcast %shift_right_logical3A_1344 : i32 to vector<16xi32>
          %shift_right_logical3A_1346 = arith.shrui %add3A_1339, %shift_right_logical3A_1345 : vector<16xi32>
          %or3A_1347 = arith.ori %shift_left3A_1343, %shift_right_logical3A_1346 : vector<16xi32>
          %xor3A_1348 = arith.xori %or3A_1347, %add3A_1340 : vector<16xi32>
          %add3A_1349 = arith.addi %add3A_1340, %xor3A_1348 : vector<16xi32>
          %shift_left3A_1350 = arith.constant 15 : i32
          %shift_left3A_1351 = vector.broadcast %shift_left3A_1350 : i32 to vector<16xi32>
          %shift_left3A_1352 = arith.shli %xor3A_1348, %shift_left3A_1351 : vector<16xi32>
          %shift_right_logical3A_1353 = arith.constant 17 : i32
          %shift_right_logical3A_1354 = vector.broadcast %shift_right_logical3A_1353 : i32 to vector<16xi32>
          %shift_right_logical3A_1355 = arith.shrui %xor3A_1348, %shift_right_logical3A_1354 : vector<16xi32>
          %or3A_1356 = arith.ori %shift_left3A_1352, %shift_right_logical3A_1355 : vector<16xi32>
          %xor3A_1357 = arith.xori %or3A_1356, %add3A_1349 : vector<16xi32>
          %add3A_1358 = arith.addi %add3A_1349, %xor3A_1357 : vector<16xi32>
          %shift_left3A_1359 = arith.constant 26 : i32
          %shift_left3A_1360 = vector.broadcast %shift_left3A_1359 : i32 to vector<16xi32>
          %shift_left3A_1361 = arith.shli %xor3A_1357, %shift_left3A_1360 : vector<16xi32>
          %shift_right_logical3A_1362 = arith.constant 6 : i32
          %shift_right_logical3A_1363 = vector.broadcast %shift_right_logical3A_1362 : i32 to vector<16xi32>
          %shift_right_logical3A_1364 = arith.shrui %xor3A_1357, %shift_right_logical3A_1363 : vector<16xi32>
          %or3A_1365 = arith.ori %shift_left3A_1361, %shift_right_logical3A_1364 : vector<16xi32>
          %xor3A_1366 = arith.xori %or3A_1365, %add3A_1358 : vector<16xi32>
          %add3A_1367 = arith.addi %add3A_1358, %xor3A_1366 : vector<16xi32>
          %shift_left3A_1368 = arith.constant 6 : i32
          %shift_left3A_1369 = vector.broadcast %shift_left3A_1368 : i32 to vector<16xi32>
          %shift_left3A_1370 = arith.shli %xor3A_1366, %shift_left3A_1369 : vector<16xi32>
          %shift_right_logical3A_1371 = arith.constant 26 : i32
          %shift_right_logical3A_1372 = vector.broadcast %shift_right_logical3A_1371 : i32 to vector<16xi32>
          %shift_right_logical3A_1373 = arith.shrui %xor3A_1366, %shift_right_logical3A_1372 : vector<16xi32>
          %or3A_1374 = arith.ori %shift_left3A_1370, %shift_right_logical3A_1373 : vector<16xi32>
          %xor3A_1375 = arith.xori %or3A_1374, %add3A_1367 : vector<16xi32>
          %add3A_1376 = arith.constant 45 : i32
          %add3A_1377 = vector.broadcast %add3A_1376 : i32 to vector<16xi32>
          %add3A_1378 = arith.addi %xor3A_1375, %add3A_1377 : vector<16xi32>
          %add3A_1379 = arith.addi %add3A_1367, %add3A_1378 : vector<16xi32>
          %shift_left3A_1380 = arith.constant 17 : i32
          %shift_left3A_1381 = vector.broadcast %shift_left3A_1380 : i32 to vector<16xi32>
          %shift_left3A_1382 = arith.shli %add3A_1378, %shift_left3A_1381 : vector<16xi32>
          %shift_right_logical3A_1383 = arith.constant 15 : i32
          %shift_right_logical3A_1384 = vector.broadcast %shift_right_logical3A_1383 : i32 to vector<16xi32>
          %shift_right_logical3A_1385 = arith.shrui %add3A_1378, %shift_right_logical3A_1384 : vector<16xi32>
          %or3A_1386 = arith.ori %shift_left3A_1382, %shift_right_logical3A_1385 : vector<16xi32>
          %xor3A_1387 = arith.xori %or3A_1386, %add3A_1379 : vector<16xi32>
          %add3A_1388 = arith.addi %add3A_1379, %xor3A_1387 : vector<16xi32>
          %shift_left3A_1389 = arith.constant 29 : i32
          %shift_left3A_1390 = vector.broadcast %shift_left3A_1389 : i32 to vector<16xi32>
          %shift_left3A_1391 = arith.shli %xor3A_1387, %shift_left3A_1390 : vector<16xi32>
          %shift_right_logical3A_1392 = arith.constant 3 : i32
          %shift_right_logical3A_1393 = vector.broadcast %shift_right_logical3A_1392 : i32 to vector<16xi32>
          %shift_right_logical3A_1394 = arith.shrui %xor3A_1387, %shift_right_logical3A_1393 : vector<16xi32>
          %or3A_1395 = arith.ori %shift_left3A_1391, %shift_right_logical3A_1394 : vector<16xi32>
          %xor3A_1396 = arith.xori %or3A_1395, %add3A_1388 : vector<16xi32>
          %add3A_1397 = arith.addi %add3A_1388, %xor3A_1396 : vector<16xi32>
          %shift_left3A_1398 = arith.constant 16 : i32
          %shift_left3A_1399 = vector.broadcast %shift_left3A_1398 : i32 to vector<16xi32>
          %shift_left3A_1400 = arith.shli %xor3A_1396, %shift_left3A_1399 : vector<16xi32>
          %shift_right_logical3A_1401 = arith.constant 16 : i32
          %shift_right_logical3A_1402 = vector.broadcast %shift_right_logical3A_1401 : i32 to vector<16xi32>
          %shift_right_logical3A_1403 = arith.shrui %xor3A_1396, %shift_right_logical3A_1402 : vector<16xi32>
          %or3A_1404 = arith.ori %shift_left3A_1400, %shift_right_logical3A_1403 : vector<16xi32>
          %xor3A_1405 = arith.xori %or3A_1404, %add3A_1397 : vector<16xi32>
          %add3A_1406 = arith.addi %add3A_1397, %xor3A_1405 : vector<16xi32>
          %shift_left3A_1407 = arith.constant 24 : i32
          %shift_left3A_1408 = vector.broadcast %shift_left3A_1407 : i32 to vector<16xi32>
          %shift_left3A_1409 = arith.shli %xor3A_1405, %shift_left3A_1408 : vector<16xi32>
          %shift_right_logical3A_1410 = arith.constant 8 : i32
          %shift_right_logical3A_1411 = vector.broadcast %shift_right_logical3A_1410 : i32 to vector<16xi32>
          %shift_right_logical3A_1412 = arith.shrui %xor3A_1405, %shift_right_logical3A_1411 : vector<16xi32>
          %or3A_1413 = arith.ori %shift_left3A_1409, %shift_right_logical3A_1412 : vector<16xi32>
          %xor3A_1414 = arith.xori %or3A_1413, %add3A_1406 : vector<16xi32>
          %add3A_1415 = arith.constant 42 : i32
          %add3A_1416 = vector.broadcast %add3A_1415 : i32 to vector<16xi32>
          %add3A_1417 = arith.addi %add3A_1406, %add3A_1416 : vector<16xi32>
          %add3A_1418 = arith.constant 466689012 : i32
          %add3A_1419 = vector.broadcast %add3A_1418 : i32 to vector<16xi32>
          %add3A_1420 = arith.addi %xor3A_1414, %add3A_1419 : vector<16xi32>
          %add3A_1421 = arith.addi %add3A_1417, %add3A_1420 : vector<16xi32>
          %shift_left3A_1422 = arith.constant 13 : i32
          %shift_left3A_1423 = vector.broadcast %shift_left3A_1422 : i32 to vector<16xi32>
          %shift_left3A_1424 = arith.shli %add3A_1420, %shift_left3A_1423 : vector<16xi32>
          %shift_right_logical3A_1425 = arith.constant 19 : i32
          %shift_right_logical3A_1426 = vector.broadcast %shift_right_logical3A_1425 : i32 to vector<16xi32>
          %shift_right_logical3A_1427 = arith.shrui %add3A_1420, %shift_right_logical3A_1426 : vector<16xi32>
          %or3A_1428 = arith.ori %shift_left3A_1424, %shift_right_logical3A_1427 : vector<16xi32>
          %xor3A_1429 = arith.xori %or3A_1428, %add3A_1421 : vector<16xi32>
          %add3A_1430 = arith.addi %add3A_1421, %xor3A_1429 : vector<16xi32>
          %shift_left3A_1431 = arith.constant 15 : i32
          %shift_left3A_1432 = vector.broadcast %shift_left3A_1431 : i32 to vector<16xi32>
          %shift_left3A_1433 = arith.shli %xor3A_1429, %shift_left3A_1432 : vector<16xi32>
          %shift_right_logical3A_1434 = arith.constant 17 : i32
          %shift_right_logical3A_1435 = vector.broadcast %shift_right_logical3A_1434 : i32 to vector<16xi32>
          %shift_right_logical3A_1436 = arith.shrui %xor3A_1429, %shift_right_logical3A_1435 : vector<16xi32>
          %or3A_1437 = arith.ori %shift_left3A_1433, %shift_right_logical3A_1436 : vector<16xi32>
          %xor3A_1438 = arith.xori %or3A_1437, %add3A_1430 : vector<16xi32>
          %add3A_1439 = arith.addi %add3A_1430, %xor3A_1438 : vector<16xi32>
          %shift_left3A_1440 = arith.constant 26 : i32
          %shift_left3A_1441 = vector.broadcast %shift_left3A_1440 : i32 to vector<16xi32>
          %shift_left3A_1442 = arith.shli %xor3A_1438, %shift_left3A_1441 : vector<16xi32>
          %shift_right_logical3A_1443 = arith.constant 6 : i32
          %shift_right_logical3A_1444 = vector.broadcast %shift_right_logical3A_1443 : i32 to vector<16xi32>
          %shift_right_logical3A_1445 = arith.shrui %xor3A_1438, %shift_right_logical3A_1444 : vector<16xi32>
          %or3A_1446 = arith.ori %shift_left3A_1442, %shift_right_logical3A_1445 : vector<16xi32>
          %xor3A_1447 = arith.xori %or3A_1446, %add3A_1439 : vector<16xi32>
          %add3A_1448 = arith.addi %add3A_1439, %xor3A_1447 : vector<16xi32>
          %shift_left3A_1449 = arith.constant 6 : i32
          %shift_left3A_1450 = vector.broadcast %shift_left3A_1449 : i32 to vector<16xi32>
          %shift_left3A_1451 = arith.shli %xor3A_1447, %shift_left3A_1450 : vector<16xi32>
          %shift_right_logical3A_1452 = arith.constant 26 : i32
          %shift_right_logical3A_1453 = vector.broadcast %shift_right_logical3A_1452 : i32 to vector<16xi32>
          %shift_right_logical3A_1454 = arith.shrui %xor3A_1447, %shift_right_logical3A_1453 : vector<16xi32>
          %or3A_1455 = arith.ori %shift_left3A_1451, %shift_right_logical3A_1454 : vector<16xi32>
          %xor3A_1456 = arith.xori %or3A_1455, %add3A_1448 : vector<16xi32>
          %add3A_1457 = arith.constant 466689008 : i32
          %add3A_1458 = vector.broadcast %add3A_1457 : i32 to vector<16xi32>
          %add3A_1459 = arith.addi %add3A_1448, %add3A_1458 : vector<16xi32>
          %add3A_1460 = arith.constant 5 : i32
          %add3A_1461 = vector.broadcast %add3A_1460 : i32 to vector<16xi32>
          %add3A_1462 = arith.addi %xor3A_1456, %add3A_1461 : vector<16xi32>
          %xor3A_1463 = arith.xori %add3A_1459, %add3A_1462 : vector<16xi32>
          %shift_right_logical3A_1464 = arith.constant 9 : i32
          %shift_right_logical3A_1465 = vector.broadcast %shift_right_logical3A_1464 : i32 to vector<16xi32>
          %shift_right_logical3A_1466 = arith.shrui %xor3A_1463, %shift_right_logical3A_1465 : vector<16xi32>
          %mul3A_1467 = arith.constant 16 : i32
          %mul3A_1468 = arith.muli %scan3A_1249, %mul3A_1467 : i32
          %get3A_1469 = arith.index_cast %mul3A_1468 : i32 to index
          %get3A_1470 = tpu.vector_load %arg6[%get3A_1469] {strides = array<i32>} : memref<100000xi32, #tpu.memory_space<vmem>>, vector<16xi32>,
          %and3A_1471 = arith.andi %shift_right_logical3A_1466, %get3A_1470 : vector<16xi32>
          %gt3A_1472 = arith.cmpi sgt, %and3A_1471, %select_n3A_1240 : vector<16xi32>
          %select_n3A_1473 = arith.select %gt3A_1472, %and3A_1471, %select_n3A_1240 : vector<16xi1>, vector<16xi32>
          %select_n3A_1474 = arith.select %gt3A_1472, %add3A_1244, %select_n3A_1241 : vector<16xi1>, vector<16xi32>
          %add3A_1475 = arith.constant 16 : i32
          %add3A_1476 = vector.broadcast %add3A_1475 : i32 to vector<16xi32>
          %add3A_1477 = arith.addi %add3A_1244, %add3A_1476 : vector<16xi32>
          %add3A_1478 = arith.constant 16 : i32
          %add3A_1479 = vector.broadcast %add3A_1478 : i32 to vector<16xi32>
          %add3A_1480 = arith.addi %add3A_1247, %add3A_1479 : vector<16xi32>
          scf.yield %add3A_1477, %add3A_1480, %select_n3A_1473, %select_n3A_1474 : vector<16xi32>, vector<16xi32>, vector<16xi32>, vector<16xi32>
        }
        %scan3A_62 = arith.constant 6248 : i32
        %scan3A_63 = arith.addi %scan3A_57, %scan3A_62 : i32
        %add3A_64 = arith.addi %broadcast_in_dim3A_53, %scan3A_61#0 : vector<16xi32>
        %lt3A = arith.cmpi slt, %add3A_64, %scan3A_61#1 : vector<16xi32>
        %select_n3A = arith.select %lt3A, %add3A_51, %broadcast_in_dim3A_48 : vector<16xi1>, vector<16xi32>
        %add3A_65 = arith.constant -2147483606 : i32
        %add3A_66 = vector.broadcast %add3A_65 : i32 to vector<16xi32>
        %add3A_67 = arith.addi %add3A_64, %add3A_66 : vector<16xi32>
        %add3A_68 = arith.addi %select_n3A, %add3A_67 : vector<16xi32>
        %shift_left3A_69 = arith.constant 13 : i32
        %shift_left3A_70 = vector.broadcast %shift_left3A_69 : i32 to vector<16xi32>
        %shift_left3A_71 = arith.shli %add3A_67, %shift_left3A_70 : vector<16xi32>
        %shift_right_logical3A_72 = arith.constant 19 : i32
        %shift_right_logical3A_73 = vector.broadcast %shift_right_logical3A_72 : i32 to vector<16xi32>
        %shift_right_logical3A_74 = arith.shrui %add3A_67, %shift_right_logical3A_73 : vector<16xi32>
        %or3A_75 = arith.ori %shift_left3A_71, %shift_right_logical3A_74 : vector<16xi32>
        %xor3A_76 = arith.xori %or3A_75, %add3A_68 : vector<16xi32>
        %add3A_77 = arith.addi %add3A_68, %xor3A_76 : vector<16xi32>
        %shift_left3A_78 = arith.constant 15 : i32
        %shift_left3A_79 = vector.broadcast %shift_left3A_78 : i32 to vector<16xi32>
        %shift_left3A_80 = arith.shli %xor3A_76, %shift_left3A_79 : vector<16xi32>
        %shift_right_logical3A_81 = arith.constant 17 : i32
        %shift_right_logical3A_82 = vector.broadcast %shift_right_logical3A_81 : i32 to vector<16xi32>
        %shift_right_logical3A_83 = arith.shrui %xor3A_76, %shift_right_logical3A_82 : vector<16xi32>
        %or3A_84 = arith.ori %shift_left3A_80, %shift_right_logical3A_83 : vector<16xi32>
        %xor3A_85 = arith.xori %or3A_84, %add3A_77 : vector<16xi32>
        %add3A_86 = arith.addi %add3A_77, %xor3A_85 : vector<16xi32>
        %shift_left3A_87 = arith.constant 26 : i32
        %shift_left3A_88 = vector.broadcast %shift_left3A_87 : i32 to vector<16xi32>
        %shift_left3A_89 = arith.shli %xor3A_85, %shift_left3A_88 : vector<16xi32>
        %shift_right_logical3A_90 = arith.constant 6 : i32
        %shift_right_logical3A_91 = vector.broadcast %shift_right_logical3A_90 : i32 to vector<16xi32>
        %shift_right_logical3A_92 = arith.shrui %xor3A_85, %shift_right_logical3A_91 : vector<16xi32>
        %or3A_93 = arith.ori %shift_left3A_89, %shift_right_logical3A_92 : vector<16xi32>
        %xor3A_94 = arith.xori %or3A_93, %add3A_86 : vector<16xi32>
        %add3A_95 = arith.addi %add3A_86, %xor3A_94 : vector<16xi32>
        %shift_left3A_96 = arith.constant 6 : i32
        %shift_left3A_97 = vector.broadcast %shift_left3A_96 : i32 to vector<16xi32>
        %shift_left3A_98 = arith.shli %xor3A_94, %shift_left3A_97 : vector<16xi32>
        %shift_right_logical3A_99 = arith.constant 26 : i32
        %shift_right_logical3A_100 = vector.broadcast %shift_right_logical3A_99 : i32 to vector<16xi32>
        %shift_right_logical3A_101 = arith.shrui %xor3A_94, %shift_right_logical3A_100 : vector<16xi32>
        %or3A_102 = arith.ori %shift_left3A_98, %shift_right_logical3A_101 : vector<16xi32>
        %xor3A_103 = arith.xori %or3A_102, %add3A_95 : vector<16xi32>
        %add3A_104 = arith.constant 42 : i32
        %add3A_105 = vector.broadcast %add3A_104 : i32 to vector<16xi32>
        %add3A_106 = arith.addi %add3A_95, %add3A_105 : vector<16xi32>
        %add3A_107 = arith.constant 466689009 : i32
        %add3A_108 = vector.broadcast %add3A_107 : i32 to vector<16xi32>
        %add3A_109 = arith.addi %xor3A_103, %add3A_108 : vector<16xi32>
        %add3A_110 = arith.addi %add3A_106, %add3A_109 : vector<16xi32>
        %shift_left3A_111 = arith.constant 17 : i32
        %shift_left3A_112 = vector.broadcast %shift_left3A_111 : i32 to vector<16xi32>
        %shift_left3A_113 = arith.shli %add3A_109, %shift_left3A_112 : vector<16xi32>
        %shift_right_logical3A_114 = arith.constant 15 : i32
        %shift_right_logical3A_115 = vector.broadcast %shift_right_logical3A_114 : i32 to vector<16xi32>
        %shift_right_logical3A_116 = arith.shrui %add3A_109, %shift_right_logical3A_115 : vector<16xi32>
        %or3A_117 = arith.ori %shift_left3A_113, %shift_right_logical3A_116 : vector<16xi32>
        %xor3A_118 = arith.xori %or3A_117, %add3A_110 : vector<16xi32>
        %add3A_119 = arith.addi %add3A_110, %xor3A_118 : vector<16xi32>
        %shift_left3A_120 = arith.constant 29 : i32
        %shift_left3A_121 = vector.broadcast %shift_left3A_120 : i32 to vector<16xi32>
        %shift_left3A_122 = arith.shli %xor3A_118, %shift_left3A_121 : vector<16xi32>
        %shift_right_logical3A_123 = arith.constant 3 : i32
        %shift_right_logical3A_124 = vector.broadcast %shift_right_logical3A_123 : i32 to vector<16xi32>
        %shift_right_logical3A_125 = arith.shrui %xor3A_118, %shift_right_logical3A_124 : vector<16xi32>
        %or3A_126 = arith.ori %shift_left3A_122, %shift_right_logical3A_125 : vector<16xi32>
        %xor3A_127 = arith.xori %or3A_126, %add3A_119 : vector<16xi32>
        %add3A_128 = arith.addi %add3A_119, %xor3A_127 : vector<16xi32>
        %shift_left3A_129 = arith.constant 16 : i32
        %shift_left3A_130 = vector.broadcast %shift_left3A_129 : i32 to vector<16xi32>
        %shift_left3A_131 = arith.shli %xor3A_127, %shift_left3A_130 : vector<16xi32>
        %shift_right_logical3A_132 = arith.constant 16 : i32
        %shift_right_logical3A_133 = vector.broadcast %shift_right_logical3A_132 : i32 to vector<16xi32>
        %shift_right_logical3A_134 = arith.shrui %xor3A_127, %shift_right_logical3A_133 : vector<16xi32>
        %or3A_135 = arith.ori %shift_left3A_131, %shift_right_logical3A_134 : vector<16xi32>
        %xor3A_136 = arith.xori %or3A_135, %add3A_128 : vector<16xi32>
        %add3A_137 = arith.addi %add3A_128, %xor3A_136 : vector<16xi32>
        %shift_left3A_138 = arith.constant 24 : i32
        %shift_left3A_139 = vector.broadcast %shift_left3A_138 : i32 to vector<16xi32>
        %shift_left3A_140 = arith.shli %xor3A_136, %shift_left3A_139 : vector<16xi32>
        %shift_right_logical3A_141 = arith.constant 8 : i32
        %shift_right_logical3A_142 = vector.broadcast %shift_right_logical3A_141 : i32 to vector<16xi32>
        %shift_right_logical3A_143 = arith.shrui %xor3A_136, %shift_right_logical3A_142 : vector<16xi32>
        %or3A_144 = arith.ori %shift_left3A_140, %shift_right_logical3A_143 : vector<16xi32>
        %xor3A_145 = arith.xori %or3A_144, %add3A_137 : vector<16xi32>
        %add3A_146 = arith.constant 466689008 : i32
        %add3A_147 = vector.broadcast %add3A_146 : i32 to vector<16xi32>
        %add3A_148 = arith.addi %add3A_137, %add3A_147 : vector<16xi32>
        %add3A_149 = arith.constant 2 : i32
        %add3A_150 = vector.broadcast %add3A_149 : i32 to vector<16xi32>
        %add3A_151 = arith.addi %xor3A_145, %add3A_150 : vector<16xi32>
        %add3A_152 = arith.addi %add3A_148, %add3A_151 : vector<16xi32>
        %shift_left3A_153 = arith.constant 13 : i32
        %shift_left3A_154 = vector.broadcast %shift_left3A_153 : i32 to vector<16xi32>
        %shift_left3A_155 = arith.shli %add3A_151, %shift_left3A_154 : vector<16xi32>
        %shift_right_logical3A_156 = arith.constant 19 : i32
        %shift_right_logical3A_157 = vector.broadcast %shift_right_logical3A_156 : i32 to vector<16xi32>
        %shift_right_logical3A_158 = arith.shrui %add3A_151, %shift_right_logical3A_157 : vector<16xi32>
        %or3A_159 = arith.ori %shift_left3A_155, %shift_right_logical3A_158 : vector<16xi32>
        %xor3A_160 = arith.xori %or3A_159, %add3A_152 : vector<16xi32>
        %add3A_161 = arith.addi %add3A_152, %xor3A_160 : vector<16xi32>
        %shift_left3A_162 = arith.constant 15 : i32
        %shift_left3A_163 = vector.broadcast %shift_left3A_162 : i32 to vector<16xi32>
        %shift_left3A_164 = arith.shli %xor3A_160, %shift_left3A_163 : vector<16xi32>
        %shift_right_logical3A_165 = arith.constant 17 : i32
        %shift_right_logical3A_166 = vector.broadcast %shift_right_logical3A_165 : i32 to vector<16xi32>
        %shift_right_logical3A_167 = arith.shrui %xor3A_160, %shift_right_logical3A_166 : vector<16xi32>
        %or3A_168 = arith.ori %shift_left3A_164, %shift_right_logical3A_167 : vector<16xi32>
        %xor3A_169 = arith.xori %or3A_168, %add3A_161 : vector<16xi32>
        %add3A_170 = arith.addi %add3A_161, %xor3A_169 : vector<16xi32>
        %shift_left3A_171 = arith.constant 26 : i32
        %shift_left3A_172 = vector.broadcast %shift_left3A_171 : i32 to vector<16xi32>
        %shift_left3A_173 = arith.shli %xor3A_169, %shift_left3A_172 : vector<16xi32>
        %shift_right_logical3A_174 = arith.constant 6 : i32
        %shift_right_logical3A_175 = vector.broadcast %shift_right_logical3A_174 : i32 to vector<16xi32>
        %shift_right_logical3A_176 = arith.shrui %xor3A_169, %shift_right_logical3A_175 : vector<16xi32>
        %or3A_177 = arith.ori %shift_left3A_173, %shift_right_logical3A_176 : vector<16xi32>
        %xor3A_178 = arith.xori %or3A_177, %add3A_170 : vector<16xi32>
        %add3A_179 = arith.addi %add3A_170, %xor3A_178 : vector<16xi32>
        %shift_left3A_180 = arith.constant 6 : i32
        %shift_left3A_181 = vector.broadcast %shift_left3A_180 : i32 to vector<16xi32>
        %shift_left3A_182 = arith.shli %xor3A_178, %shift_left3A_181 : vector<16xi32>
        %shift_right_logical3A_183 = arith.constant 26 : i32
        %shift_right_logical3A_184 = vector.broadcast %shift_right_logical3A_183 : i32 to vector<16xi32>
        %shift_right_logical3A_185 = arith.shrui %xor3A_178, %shift_right_logical3A_184 : vector<16xi32>
        %or3A_186 = arith.ori %shift_left3A_182, %shift_right_logical3A_185 : vector<16xi32>
        %xor3A_187 = arith.xori %or3A_186, %add3A_179 : vector<16xi32>
        %add3A_188 = arith.constant 45 : i32
        %add3A_189 = vector.broadcast %add3A_188 : i32 to vector<16xi32>
        %add3A_190 = arith.addi %xor3A_187, %add3A_189 : vector<16xi32>
        %add3A_191 = arith.addi %add3A_179, %add3A_190 : vector<16xi32>
        %shift_left3A_192 = arith.constant 17 : i32
        %shift_left3A_193 = vector.broadcast %shift_left3A_192 : i32 to vector<16xi32>
        %shift_left3A_194 = arith.shli %add3A_190, %shift_left3A_193 : vector<16xi32>
        %shift_right_logical3A_195 = arith.constant 15 : i32
        %shift_right_logical3A_196 = vector.broadcast %shift_right_logical3A_195 : i32 to vector<16xi32>
        %shift_right_logical3A_197 = arith.shrui %add3A_190, %shift_right_logical3A_196 : vector<16xi32>
        %or3A_198 = arith.ori %shift_left3A_194, %shift_right_logical3A_197 : vector<16xi32>
        %xor3A_199 = arith.xori %or3A_198, %add3A_191 : vector<16xi32>
        %add3A_200 = arith.addi %add3A_191, %xor3A_199 : vector<16xi32>
        %shift_left3A_201 = arith.constant 29 : i32
        %shift_left3A_202 = vector.broadcast %shift_left3A_201 : i32 to vector<16xi32>
        %shift_left3A_203 = arith.shli %xor3A_199, %shift_left3A_202 : vector<16xi32>
        %shift_right_logical3A_204 = arith.constant 3 : i32
        %shift_right_logical3A_205 = vector.broadcast %shift_right_logical3A_204 : i32 to vector<16xi32>
        %shift_right_logical3A_206 = arith.shrui %xor3A_199, %shift_right_logical3A_205 : vector<16xi32>
        %or3A_207 = arith.ori %shift_left3A_203, %shift_right_logical3A_206 : vector<16xi32>
        %xor3A_208 = arith.xori %or3A_207, %add3A_200 : vector<16xi32>
        %add3A_209 = arith.addi %add3A_200, %xor3A_208 : vector<16xi32>
        %shift_left3A_210 = arith.constant 16 : i32
        %shift_left3A_211 = vector.broadcast %shift_left3A_210 : i32 to vector<16xi32>
        %shift_left3A_212 = arith.shli %xor3A_208, %shift_left3A_211 : vector<16xi32>
        %shift_right_logical3A_213 = arith.constant 16 : i32
        %shift_right_logical3A_214 = vector.broadcast %shift_right_logical3A_213 : i32 to vector<16xi32>
        %shift_right_logical3A_215 = arith.shrui %xor3A_208, %shift_right_logical3A_214 : vector<16xi32>
        %or3A_216 = arith.ori %shift_left3A_212, %shift_right_logical3A_215 : vector<16xi32>
        %xor3A_217 = arith.xori %or3A_216, %add3A_209 : vector<16xi32>
        %add3A_218 = arith.addi %add3A_209, %xor3A_217 : vector<16xi32>
        %shift_left3A_219 = arith.constant 24 : i32
        %shift_left3A_220 = vector.broadcast %shift_left3A_219 : i32 to vector<16xi32>
        %shift_left3A_221 = arith.shli %xor3A_217, %shift_left3A_220 : vector<16xi32>
        %shift_right_logical3A_222 = arith.constant 8 : i32
        %shift_right_logical3A_223 = vector.broadcast %shift_right_logical3A_222 : i32 to vector<16xi32>
        %shift_right_logical3A_224 = arith.shrui %xor3A_217, %shift_right_logical3A_223 : vector<16xi32>
        %or3A_225 = arith.ori %shift_left3A_221, %shift_right_logical3A_224 : vector<16xi32>
        %xor3A_226 = arith.xori %or3A_225, %add3A_218 : vector<16xi32>
        %add3A_227 = arith.constant 42 : i32
        %add3A_228 = vector.broadcast %add3A_227 : i32 to vector<16xi32>
        %add3A_229 = arith.addi %add3A_218, %add3A_228 : vector<16xi32>
        %add3A_230 = arith.constant 466689012 : i32
        %add3A_231 = vector.broadcast %add3A_230 : i32 to vector<16xi32>
        %add3A_232 = arith.addi %xor3A_226, %add3A_231 : vector<16xi32>
        %add3A_233 = arith.addi %add3A_229, %add3A_232 : vector<16xi32>
        %shift_left3A_234 = arith.constant 13 : i32
        %shift_left3A_235 = vector.broadcast %shift_left3A_234 : i32 to vector<16xi32>
        %shift_left3A_236 = arith.shli %add3A_232, %shift_left3A_235 : vector<16xi32>
        %shift_right_logical3A_237 = arith.constant 19 : i32
        %shift_right_logical3A_238 = vector.broadcast %shift_right_logical3A_237 : i32 to vector<16xi32>
        %shift_right_logical3A_239 = arith.shrui %add3A_232, %shift_right_logical3A_238 : vector<16xi32>
        %or3A_240 = arith.ori %shift_left3A_236, %shift_right_logical3A_239 : vector<16xi32>
        %xor3A_241 = arith.xori %or3A_240, %add3A_233 : vector<16xi32>
        %add3A_242 = arith.addi %add3A_233, %xor3A_241 : vector<16xi32>
        %shift_left3A_243 = arith.constant 15 : i32
        %shift_left3A_244 = vector.broadcast %shift_left3A_243 : i32 to vector<16xi32>
        %shift_left3A_245 = arith.shli %xor3A_241, %shift_left3A_244 : vector<16xi32>
        %shift_right_logical3A_246 = arith.constant 17 : i32
        %shift_right_logical3A_247 = vector.broadcast %shift_right_logical3A_246 : i32 to vector<16xi32>
        %shift_right_logical3A_248 = arith.shrui %xor3A_241, %shift_right_logical3A_247 : vector<16xi32>
        %or3A_249 = arith.ori %shift_left3A_245, %shift_right_logical3A_248 : vector<16xi32>
        %xor3A_250 = arith.xori %or3A_249, %add3A_242 : vector<16xi32>
        %add3A_251 = arith.addi %add3A_242, %xor3A_250 : vector<16xi32>
        %shift_left3A_252 = arith.constant 26 : i32
        %shift_left3A_253 = vector.broadcast %shift_left3A_252 : i32 to vector<16xi32>
        %shift_left3A_254 = arith.shli %xor3A_250, %shift_left3A_253 : vector<16xi32>
        %shift_right_logical3A_255 = arith.constant 6 : i32
        %shift_right_logical3A_256 = vector.broadcast %shift_right_logical3A_255 : i32 to vector<16xi32>
        %shift_right_logical3A_257 = arith.shrui %xor3A_250, %shift_right_logical3A_256 : vector<16xi32>
        %or3A_258 = arith.ori %shift_left3A_254, %shift_right_logical3A_257 : vector<16xi32>
        %xor3A_259 = arith.xori %or3A_258, %add3A_251 : vector<16xi32>
        %add3A_260 = arith.addi %add3A_251, %xor3A_259 : vector<16xi32>
        %shift_left3A_261 = arith.constant 6 : i32
        %shift_left3A_262 = vector.broadcast %shift_left3A_261 : i32 to vector<16xi32>
        %shift_left3A_263 = arith.shli %xor3A_259, %shift_left3A_262 : vector<16xi32>
        %shift_right_logical3A_264 = arith.constant 26 : i32
        %shift_right_logical3A_265 = vector.broadcast %shift_right_logical3A_264 : i32 to vector<16xi32>
        %shift_right_logical3A_266 = arith.shrui %xor3A_259, %shift_right_logical3A_265 : vector<16xi32>
        %or3A_267 = arith.ori %shift_left3A_263, %shift_right_logical3A_266 : vector<16xi32>
        %xor3A_268 = arith.xori %or3A_267, %add3A_260 : vector<16xi32>
        %add3A_269 = arith.constant 466689008 : i32
        %add3A_270 = vector.broadcast %add3A_269 : i32 to vector<16xi32>
        %add3A_271 = arith.addi %add3A_260, %add3A_270 : vector<16xi32>
        %add3A_272 = arith.constant 5 : i32
        %add3A_273 = vector.broadcast %add3A_272 : i32 to vector<16xi32>
        %add3A_274 = arith.addi %xor3A_268, %add3A_273 : vector<16xi32>
        %xor3A_275 = arith.xori %add3A_271, %add3A_274 : vector<16xi32>
        %shift_right_logical3A_276 = arith.constant 9 : i32
        %shift_right_logical3A_277 = vector.broadcast %shift_right_logical3A_276 : i32 to vector<16xi32>
        %shift_right_logical3A_278 = arith.shrui %xor3A_275, %shift_right_logical3A_277 : vector<16xi32>
        %mul3A_279 = arith.constant 16 : i32
        %mul3A_280 = arith.muli %scan3A_63, %mul3A_279 : i32
        %get3A_281 = arith.index_cast %mul3A_280 : i32 to index
        %get3A_282 = tpu.vector_load %arg6[%get3A_281] {strides = array<i32>} : memref<100000xi32, #tpu.memory_space<vmem>>, vector<16xi32>,
        %and3A_283 = arith.andi %shift_right_logical3A_278, %get3A_282 : vector<16xi32>
        %gt3A = arith.cmpi sgt, %and3A_283, %scan3A_61#2 : vector<16xi32>
        %select_n3A_284 = arith.select %gt3A, %and3A_283, %scan3A_61#2 : vector<16xi1>, vector<16xi32>
        %select_n3A_285 = arith.select %gt3A, %scan3A_61#0, %scan3A_61#3 : vector<16xi1>, vector<16xi32>
        %add3A_286 = arith.constant 16 : i32
        %add3A_287 = vector.broadcast %add3A_286 : i32 to vector<16xi32>
        %add3A_288 = arith.addi %scan3A_61#0, %add3A_287 : vector<16xi32>
        %add3A_289 = arith.constant 16 : i32
        %add3A_290 = vector.broadcast %add3A_289 : i32 to vector<16xi32>
        %add3A_291 = arith.addi %scan3A_61#1, %add3A_290 : vector<16xi32>
        %scan3A_292 = arith.constant 6249 : i32
        %scan3A_293 = arith.addi %scan3A_57, %scan3A_292 : i32
        %add3A_294 = arith.addi %broadcast_in_dim3A_53, %add3A_288 : vector<16xi32>
        %lt3A_295 = arith.cmpi slt, %add3A_294, %add3A_291 : vector<16xi32>
        %select_n3A_296 = arith.select %lt3A_295, %add3A_51, %broadcast_in_dim3A_48 : vector<16xi1>, vector<16xi32>
        %add3A_297 = arith.constant -2147483606 : i32
        %add3A_298 = vector.broadcast %add3A_297 : i32 to vector<16xi32>
        %add3A_299 = arith.addi %add3A_294, %add3A_298 : vector<16xi32>
        %add3A_300 = arith.addi %select_n3A_296, %add3A_299 : vector<16xi32>
        %shift_left3A_301 = arith.constant 13 : i32
        %shift_left3A_302 = vector.broadcast %shift_left3A_301 : i32 to vector<16xi32>
        %shift_left3A_303 = arith.shli %add3A_299, %shift_left3A_302 : vector<16xi32>
        %shift_right_logical3A_304 = arith.constant 19 : i32
        %shift_right_logical3A_305 = vector.broadcast %shift_right_logical3A_304 : i32 to vector<16xi32>
        %shift_right_logical3A_306 = arith.shrui %add3A_299, %shift_right_logical3A_305 : vector<16xi32>
        %or3A_307 = arith.ori %shift_left3A_303, %shift_right_logical3A_306 : vector<16xi32>
        %xor3A_308 = arith.xori %or3A_307, %add3A_300 : vector<16xi32>
        %add3A_309 = arith.addi %add3A_300, %xor3A_308 : vector<16xi32>
        %shift_left3A_310 = arith.constant 15 : i32
        %shift_left3A_311 = vector.broadcast %shift_left3A_310 : i32 to vector<16xi32>
        %shift_left3A_312 = arith.shli %xor3A_308, %shift_left3A_311 : vector<16xi32>
        %shift_right_logical3A_313 = arith.constant 17 : i32
        %shift_right_logical3A_314 = vector.broadcast %shift_right_logical3A_313 : i32 to vector<16xi32>
        %shift_right_logical3A_315 = arith.shrui %xor3A_308, %shift_right_logical3A_314 : vector<16xi32>
        %or3A_316 = arith.ori %shift_left3A_312, %shift_right_logical3A_315 : vector<16xi32>
        %xor3A_317 = arith.xori %or3A_316, %add3A_309 : vector<16xi32>
        %add3A_318 = arith.addi %add3A_309, %xor3A_317 : vector<16xi32>
        %shift_left3A_319 = arith.constant 26 : i32
        %shift_left3A_320 = vector.broadcast %shift_left3A_319 : i32 to vector<16xi32>
        %shift_left3A_321 = arith.shli %xor3A_317, %shift_left3A_320 : vector<16xi32>
        %shift_right_logical3A_322 = arith.constant 6 : i32
        %shift_right_logical3A_323 = vector.broadcast %shift_right_logical3A_322 : i32 to vector<16xi32>
        %shift_right_logical3A_324 = arith.shrui %xor3A_317, %shift_right_logical3A_323 : vector<16xi32>
        %or3A_325 = arith.ori %shift_left3A_321, %shift_right_logical3A_324 : vector<16xi32>
        %xor3A_326 = arith.xori %or3A_325, %add3A_318 : vector<16xi32>
        %add3A_327 = arith.addi %add3A_318, %xor3A_326 : vector<16xi32>
        %shift_left3A_328 = arith.constant 6 : i32
        %shift_left3A_329 = vector.broadcast %shift_left3A_328 : i32 to vector<16xi32>
        %shift_left3A_330 = arith.shli %xor3A_326, %shift_left3A_329 : vector<16xi32>
        %shift_right_logical3A_331 = arith.constant 26 : i32
        %shift_right_logical3A_332 = vector.broadcast %shift_right_logical3A_331 : i32 to vector<16xi32>
        %shift_right_logical3A_333 = arith.shrui %xor3A_326, %shift_right_logical3A_332 : vector<16xi32>
        %or3A_334 = arith.ori %shift_left3A_330, %shift_right_logical3A_333 : vector<16xi32>
        %xor3A_335 = arith.xori %or3A_334, %add3A_327 : vector<16xi32>
        %add3A_336 = arith.constant 42 : i32
        %add3A_337 = vector.broadcast %add3A_336 : i32 to vector<16xi32>
        %add3A_338 = arith.addi %add3A_327, %add3A_337 : vector<16xi32>
        %add3A_339 = arith.constant 466689009 : i32
        %add3A_340 = vector.broadcast %add3A_339 : i32 to vector<16xi32>
        %add3A_341 = arith.addi %xor3A_335, %add3A_340 : vector<16xi32>
        %add3A_342 = arith.addi %add3A_338, %add3A_341 : vector<16xi32>
        %shift_left3A_343 = arith.constant 17 : i32
        %shift_left3A_344 = vector.broadcast %shift_left3A_343 : i32 to vector<16xi32>
        %shift_left3A_345 = arith.shli %add3A_341, %shift_left3A_344 : vector<16xi32>
        %shift_right_logical3A_346 = arith.constant 15 : i32
        %shift_right_logical3A_347 = vector.broadcast %shift_right_logical3A_346 : i32 to vector<16xi32>
        %shift_right_logical3A_348 = arith.shrui %add3A_341, %shift_right_logical3A_347 : vector<16xi32>
        %or3A_349 = arith.ori %shift_left3A_345, %shift_right_logical3A_348 : vector<16xi32>
        %xor3A_350 = arith.xori %or3A_349, %add3A_342 : vector<16xi32>
        %add3A_351 = arith.addi %add3A_342, %xor3A_350 : vector<16xi32>
        %shift_left3A_352 = arith.constant 29 : i32
        %shift_left3A_353 = vector.broadcast %shift_left3A_352 : i32 to vector<16xi32>
        %shift_left3A_354 = arith.shli %xor3A_350, %shift_left3A_353 : vector<16xi32>
        %shift_right_logical3A_355 = arith.constant 3 : i32
        %shift_right_logical3A_356 = vector.broadcast %shift_right_logical3A_355 : i32 to vector<16xi32>
        %shift_right_logical3A_357 = arith.shrui %xor3A_350, %shift_right_logical3A_356 : vector<16xi32>
        %or3A_358 = arith.ori %shift_left3A_354, %shift_right_logical3A_357 : vector<16xi32>
        %xor3A_359 = arith.xori %or3A_358, %add3A_351 : vector<16xi32>
        %add3A_360 = arith.addi %add3A_351, %xor3A_359 : vector<16xi32>
        %shift_left3A_361 = arith.constant 16 : i32
        %shift_left3A_362 = vector.broadcast %shift_left3A_361 : i32 to vector<16xi32>
        %shift_left3A_363 = arith.shli %xor3A_359, %shift_left3A_362 : vector<16xi32>
        %shift_right_logical3A_364 = arith.constant 16 : i32
        %shift_right_logical3A_365 = vector.broadcast %shift_right_logical3A_364 : i32 to vector<16xi32>
        %shift_right_logical3A_366 = arith.shrui %xor3A_359, %shift_right_logical3A_365 : vector<16xi32>
        %or3A_367 = arith.ori %shift_left3A_363, %shift_right_logical3A_366 : vector<16xi32>
        %xor3A_368 = arith.xori %or3A_367, %add3A_360 : vector<16xi32>
        %add3A_369 = arith.addi %add3A_360, %xor3A_368 : vector<16xi32>
        %shift_left3A_370 = arith.constant 24 : i32
        %shift_left3A_371 = vector.broadcast %shift_left3A_370 : i32 to vector<16xi32>
        %shift_left3A_372 = arith.shli %xor3A_368, %shift_left3A_371 : vector<16xi32>
        %shift_right_logical3A_373 = arith.constant 8 : i32
        %shift_right_logical3A_374 = vector.broadcast %shift_right_logical3A_373 : i32 to vector<16xi32>
        %shift_right_logical3A_375 = arith.shrui %xor3A_368, %shift_right_logical3A_374 : vector<16xi32>
        %or3A_376 = arith.ori %shift_left3A_372, %shift_right_logical3A_375 : vector<16xi32>
        %xor3A_377 = arith.xori %or3A_376, %add3A_369 : vector<16xi32>
        %add3A_378 = arith.constant 466689008 : i32
        %add3A_379 = vector.broadcast %add3A_378 : i32 to vector<16xi32>
        %add3A_380 = arith.addi %add3A_369, %add3A_379 : vector<16xi32>
        %add3A_381 = arith.constant 2 : i32
        %add3A_382 = vector.broadcast %add3A_381 : i32 to vector<16xi32>
        %add3A_383 = arith.addi %xor3A_377, %add3A_382 : vector<16xi32>
        %add3A_384 = arith.addi %add3A_380, %add3A_383 : vector<16xi32>
        %shift_left3A_385 = arith.constant 13 : i32
        %shift_left3A_386 = vector.broadcast %shift_left3A_385 : i32 to vector<16xi32>
        %shift_left3A_387 = arith.shli %add3A_383, %shift_left3A_386 : vector<16xi32>
        %shift_right_logical3A_388 = arith.constant 19 : i32
        %shift_right_logical3A_389 = vector.broadcast %shift_right_logical3A_388 : i32 to vector<16xi32>
        %shift_right_logical3A_390 = arith.shrui %add3A_383, %shift_right_logical3A_389 : vector<16xi32>
        %or3A_391 = arith.ori %shift_left3A_387, %shift_right_logical3A_390 : vector<16xi32>
        %xor3A_392 = arith.xori %or3A_391, %add3A_384 : vector<16xi32>
        %add3A_393 = arith.addi %add3A_384, %xor3A_392 : vector<16xi32>
        %shift_left3A_394 = arith.constant 15 : i32
        %shift_left3A_395 = vector.broadcast %shift_left3A_394 : i32 to vector<16xi32>
        %shift_left3A_396 = arith.shli %xor3A_392, %shift_left3A_395 : vector<16xi32>
        %shift_right_logical3A_397 = arith.constant 17 : i32
        %shift_right_logical3A_398 = vector.broadcast %shift_right_logical3A_397 : i32 to vector<16xi32>
        %shift_right_logical3A_399 = arith.shrui %xor3A_392, %shift_right_logical3A_398 : vector<16xi32>
        %or3A_400 = arith.ori %shift_left3A_396, %shift_right_logical3A_399 : vector<16xi32>
        %xor3A_401 = arith.xori %or3A_400, %add3A_393 : vector<16xi32>
        %add3A_402 = arith.addi %add3A_393, %xor3A_401 : vector<16xi32>
        %shift_left3A_403 = arith.constant 26 : i32
        %shift_left3A_404 = vector.broadcast %shift_left3A_403 : i32 to vector<16xi32>
        %shift_left3A_405 = arith.shli %xor3A_401, %shift_left3A_404 : vector<16xi32>
        %shift_right_logical3A_406 = arith.constant 6 : i32
        %shift_right_logical3A_407 = vector.broadcast %shift_right_logical3A_406 : i32 to vector<16xi32>
        %shift_right_logical3A_408 = arith.shrui %xor3A_401, %shift_right_logical3A_407 : vector<16xi32>
        %or3A_409 = arith.ori %shift_left3A_405, %shift_right_logical3A_408 : vector<16xi32>
        %xor3A_410 = arith.xori %or3A_409, %add3A_402 : vector<16xi32>
        %add3A_411 = arith.addi %add3A_402, %xor3A_410 : vector<16xi32>
        %shift_left3A_412 = arith.constant 6 : i32
        %shift_left3A_413 = vector.broadcast %shift_left3A_412 : i32 to vector<16xi32>
        %shift_left3A_414 = arith.shli %xor3A_410, %shift_left3A_413 : vector<16xi32>
        %shift_right_logical3A_415 = arith.constant 26 : i32
        %shift_right_logical3A_416 = vector.broadcast %shift_right_logical3A_415 : i32 to vector<16xi32>
        %shift_right_logical3A_417 = arith.shrui %xor3A_410, %shift_right_logical3A_416 : vector<16xi32>
        %or3A_418 = arith.ori %shift_left3A_414, %shift_right_logical3A_417 : vector<16xi32>
        %xor3A_419 = arith.xori %or3A_418, %add3A_411 : vector<16xi32>
        %add3A_420 = arith.constant 45 : i32
        %add3A_421 = vector.broadcast %add3A_420 : i32 to vector<16xi32>
        %add3A_422 = arith.addi %xor3A_419, %add3A_421 : vector<16xi32>
        %add3A_423 = arith.addi %add3A_411, %add3A_422 : vector<16xi32>
        %shift_left3A_424 = arith.constant 17 : i32
        %shift_left3A_425 = vector.broadcast %shift_left3A_424 : i32 to vector<16xi32>
        %shift_left3A_426 = arith.shli %add3A_422, %shift_left3A_425 : vector<16xi32>
        %shift_right_logical3A_427 = arith.constant 15 : i32
        %shift_right_logical3A_428 = vector.broadcast %shift_right_logical3A_427 : i32 to vector<16xi32>
        %shift_right_logical3A_429 = arith.shrui %add3A_422, %shift_right_logical3A_428 : vector<16xi32>
        %or3A_430 = arith.ori %shift_left3A_426, %shift_right_logical3A_429 : vector<16xi32>
        %xor3A_431 = arith.xori %or3A_430, %add3A_423 : vector<16xi32>
        %add3A_432 = arith.addi %add3A_423, %xor3A_431 : vector<16xi32>
        %shift_left3A_433 = arith.constant 29 : i32
        %shift_left3A_434 = vector.broadcast %shift_left3A_433 : i32 to vector<16xi32>
        %shift_left3A_435 = arith.shli %xor3A_431, %shift_left3A_434 : vector<16xi32>
        %shift_right_logical3A_436 = arith.constant 3 : i32
        %shift_right_logical3A_437 = vector.broadcast %shift_right_logical3A_436 : i32 to vector<16xi32>
        %shift_right_logical3A_438 = arith.shrui %xor3A_431, %shift_right_logical3A_437 : vector<16xi32>
        %or3A_439 = arith.ori %shift_left3A_435, %shift_right_logical3A_438 : vector<16xi32>
        %xor3A_440 = arith.xori %or3A_439, %add3A_432 : vector<16xi32>
        %add3A_441 = arith.addi %add3A_432, %xor3A_440 : vector<16xi32>
        %shift_left3A_442 = arith.constant 16 : i32
        %shift_left3A_443 = vector.broadcast %shift_left3A_442 : i32 to vector<16xi32>
        %shift_left3A_444 = arith.shli %xor3A_440, %shift_left3A_443 : vector<16xi32>
        %shift_right_logical3A_445 = arith.constant 16 : i32
        %shift_right_logical3A_446 = vector.broadcast %shift_right_logical3A_445 : i32 to vector<16xi32>
        %shift_right_logical3A_447 = arith.shrui %xor3A_440, %shift_right_logical3A_446 : vector<16xi32>
        %or3A_448 = arith.ori %shift_left3A_444, %shift_right_logical3A_447 : vector<16xi32>
        %xor3A_449 = arith.xori %or3A_448, %add3A_441 : vector<16xi32>
        %add3A_450 = arith.addi %add3A_441, %xor3A_449 : vector<16xi32>
        %shift_left3A_451 = arith.constant 24 : i32
        %shift_left3A_452 = vector.broadcast %shift_left3A_451 : i32 to vector<16xi32>
        %shift_left3A_453 = arith.shli %xor3A_449, %shift_left3A_452 : vector<16xi32>
        %shift_right_logical3A_454 = arith.constant 8 : i32
        %shift_right_logical3A_455 = vector.broadcast %shift_right_logical3A_454 : i32 to vector<16xi32>
        %shift_right_logical3A_456 = arith.shrui %xor3A_449, %shift_right_logical3A_455 : vector<16xi32>
        %or3A_457 = arith.ori %shift_left3A_453, %shift_right_logical3A_456 : vector<16xi32>
        %xor3A_458 = arith.xori %or3A_457, %add3A_450 : vector<16xi32>
        %add3A_459 = arith.constant 42 : i32
        %add3A_460 = vector.broadcast %add3A_459 : i32 to vector<16xi32>
        %add3A_461 = arith.addi %add3A_450, %add3A_460 : vector<16xi32>
        %add3A_462 = arith.constant 466689012 : i32
        %add3A_463 = vector.broadcast %add3A_462 : i32 to vector<16xi32>
        %add3A_464 = arith.addi %xor3A_458, %add3A_463 : vector<16xi32>
        %add3A_465 = arith.addi %add3A_461, %add3A_464 : vector<16xi32>
        %shift_left3A_466 = arith.constant 13 : i32
        %shift_left3A_467 = vector.broadcast %shift_left3A_466 : i32 to vector<16xi32>
        %shift_left3A_468 = arith.shli %add3A_464, %shift_left3A_467 : vector<16xi32>
        %shift_right_logical3A_469 = arith.constant 19 : i32
        %shift_right_logical3A_470 = vector.broadcast %shift_right_logical3A_469 : i32 to vector<16xi32>
        %shift_right_logical3A_471 = arith.shrui %add3A_464, %shift_right_logical3A_470 : vector<16xi32>
        %or3A_472 = arith.ori %shift_left3A_468, %shift_right_logical3A_471 : vector<16xi32>
        %xor3A_473 = arith.xori %or3A_472, %add3A_465 : vector<16xi32>
        %add3A_474 = arith.addi %add3A_465, %xor3A_473 : vector<16xi32>
        %shift_left3A_475 = arith.constant 15 : i32
        %shift_left3A_476 = vector.broadcast %shift_left3A_475 : i32 to vector<16xi32>
        %shift_left3A_477 = arith.shli %xor3A_473, %shift_left3A_476 : vector<16xi32>
        %shift_right_logical3A_478 = arith.constant 17 : i32
        %shift_right_logical3A_479 = vector.broadcast %shift_right_logical3A_478 : i32 to vector<16xi32>
        %shift_right_logical3A_480 = arith.shrui %xor3A_473, %shift_right_logical3A_479 : vector<16xi32>
        %or3A_481 = arith.ori %shift_left3A_477, %shift_right_logical3A_480 : vector<16xi32>
        %xor3A_482 = arith.xori %or3A_481, %add3A_474 : vector<16xi32>
        %add3A_483 = arith.addi %add3A_474, %xor3A_482 : vector<16xi32>
        %shift_left3A_484 = arith.constant 26 : i32
        %shift_left3A_485 = vector.broadcast %shift_left3A_484 : i32 to vector<16xi32>
        %shift_left3A_486 = arith.shli %xor3A_482, %shift_left3A_485 : vector<16xi32>
        %shift_right_logical3A_487 = arith.constant 6 : i32
        %shift_right_logical3A_488 = vector.broadcast %shift_right_logical3A_487 : i32 to vector<16xi32>
        %shift_right_logical3A_489 = arith.shrui %xor3A_482, %shift_right_logical3A_488 : vector<16xi32>
        %or3A_490 = arith.ori %shift_left3A_486, %shift_right_logical3A_489 : vector<16xi32>
        %xor3A_491 = arith.xori %or3A_490, %add3A_483 : vector<16xi32>
        %add3A_492 = arith.addi %add3A_483, %xor3A_491 : vector<16xi32>
        %shift_left3A_493 = arith.constant 6 : i32
        %shift_left3A_494 = vector.broadcast %shift_left3A_493 : i32 to vector<16xi32>
        %shift_left3A_495 = arith.shli %xor3A_491, %shift_left3A_494 : vector<16xi32>
        %shift_right_logical3A_496 = arith.constant 26 : i32
        %shift_right_logical3A_497 = vector.broadcast %shift_right_logical3A_496 : i32 to vector<16xi32>
        %shift_right_logical3A_498 = arith.shrui %xor3A_491, %shift_right_logical3A_497 : vector<16xi32>
        %or3A_499 = arith.ori %shift_left3A_495, %shift_right_logical3A_498 : vector<16xi32>
        %xor3A_500 = arith.xori %or3A_499, %add3A_492 : vector<16xi32>
        %add3A_501 = arith.constant 466689008 : i32
        %add3A_502 = vector.broadcast %add3A_501 : i32 to vector<16xi32>
        %add3A_503 = arith.addi %add3A_492, %add3A_502 : vector<16xi32>
        %add3A_504 = arith.constant 5 : i32
        %add3A_505 = vector.broadcast %add3A_504 : i32 to vector<16xi32>
        %add3A_506 = arith.addi %xor3A_500, %add3A_505 : vector<16xi32>
        %xor3A_507 = arith.xori %add3A_503, %add3A_506 : vector<16xi32>
        %shift_right_logical3A_508 = arith.constant 9 : i32
        %shift_right_logical3A_509 = vector.broadcast %shift_right_logical3A_508 : i32 to vector<16xi32>
        %shift_right_logical3A_510 = arith.shrui %xor3A_507, %shift_right_logical3A_509 : vector<16xi32>
        %mul3A_511 = arith.constant 16 : i32
        %mul3A_512 = arith.muli %scan3A_293, %mul3A_511 : i32
        %get3A_513 = arith.index_cast %mul3A_512 : i32 to index
        %get3A_514 = tpu.vector_load %arg6[%get3A_513] {strides = array<i32>} : memref<100000xi32, #tpu.memory_space<vmem>>, vector<16xi32>,
        %and3A_515 = arith.andi %shift_right_logical3A_510, %get3A_514 : vector<16xi32>
        %gt3A_516 = arith.cmpi sgt, %and3A_515, %select_n3A_284 : vector<16xi32>
        %select_n3A_517 = arith.select %gt3A_516, %and3A_515, %select_n3A_284 : vector<16xi1>, vector<16xi32>
        %select_n3A_518 = arith.select %gt3A_516, %add3A_288, %select_n3A_285 : vector<16xi1>, vector<16xi32>
        %add3A_519 = arith.constant 16 : i32
        %add3A_520 = vector.broadcast %add3A_519 : i32 to vector<16xi32>
        %add3A_521 = arith.addi %add3A_288, %add3A_520 : vector<16xi32>
        %add3A_522 = arith.constant 16 : i32
        %add3A_523 = vector.broadcast %add3A_522 : i32 to vector<16xi32>
        %add3A_524 = arith.addi %add3A_291, %add3A_523 : vector<16xi32>
        %scan3A_525 = arith.constant 6250 : i32
        %reduce_max3A = arith.constant true
        %reduce_max3A_526 = vector.broadcast %reduce_max3A : i1 to vector<16xi1>
        %reduce_max3A_527 = arith.constant -2147483648 : i32
        %reduce_max3A_528 = vector.broadcast %reduce_max3A_527 : i32 to vector<16xi32>
        %reduce_max3A_529 = arith.xori %select_n3A_517, %reduce_max3A_528 : vector<16xi32>
        %reduce_max3A_530 = tpu.scan <max>, %reduce_max3A_529 masked %reduce_max3A_526 : vector<16xi32>, vector<16xi1> -> vector<16xi32>
        %reduce_max3A_531 = arith.xori %reduce_max3A_530, %reduce_max3A_528 : vector<16xi32>
        %reduce_max3A_532 = vector.extract %reduce_max3A_531[15] : i32 from vector<16xi32>
        %eq3A_533 = vector.broadcast %reduce_max3A_532 : i32 to vector<16xi32>
        %eq3A_534 = arith.cmpi eq, %select_n3A_517, %eq3A_533 : vector<16xi32>
        %jit3A = arith.constant 1073741824 : i32
        %broadcast_in_dim3A_535 = vector.broadcast %jit3A : i32 to vector<16xi32>
        %select_n3A_536 = arith.select %eq3A_534, %select_n3A_518, %broadcast_in_dim3A_535 : vector<16xi1>, vector<16xi32>
        %reduce_min3A = arith.constant true
        %reduce_min3A_537 = vector.broadcast %reduce_min3A : i1 to vector<16xi1>
        %reduce_min3A_538 = arith.constant -2147483648 : i32
        %reduce_min3A_539 = vector.broadcast %reduce_min3A_538 : i32 to vector<16xi32>
        %reduce_min3A_540 = arith.xori %select_n3A_536, %reduce_min3A_539 : vector<16xi32>
        %reduce_min3A_541 = tpu.scan <min>, %reduce_min3A_540 masked %reduce_min3A_537 : vector<16xi32>, vector<16xi1> -> vector<16xi32>
        %reduce_min3A_542 = arith.xori %reduce_min3A_541, %reduce_min3A_539 : vector<16xi32>
        %reduce_min3A_543 = vector.extract %reduce_min3A_542[15] : i32 from vector<16xi32>
        %broadcast_in_dim3A_544 = vector.broadcast %scan3A_28 : i32 to vector<16xi32>
        %broadcast_in_dim3A_545 = vector.broadcast %reduce_min3A_543 : i32 to vector<16xi32>
        tpu.vector_store_idx %arg7[%broadcast_in_dim3A_544], %broadcast_in_dim3A_545 masked %eq3A_2 : memref<104xi32, #tpu.memory_space<vmem>>[vector<16xi32>], vector<16xi32>, vector<16xi1>
      }
      %scan3A_27 = arith.constant 100 : i32
      "tpu.region"() ({
        %run_scoped3A = tpu.sem_alloc : memref<!tpu.dma_semaphore, #tpu.memory_space<semaphore_mem>>
        %dma_start3A = arith.constant 0 : i32
        %dma_start3A_28 = tpu.memref_slice %arg4[%add3A_12, %dma_start3A] : memref<288x104xi32, #tpu.memory_space<hbm>> -> memref<1x104xi32, #tpu.memory_space<hbm>>
        %dma_start3A_29 = tpu.memref_squeeze %dma_start3A_28 : memref<1x104xi32, #tpu.memory_space<hbm>> -> memref<104xi32, #tpu.memory_space<hbm>>
        %dma_start3A_30 = arith.constant 0 : i32
        %dma_start3A_31 = tpu.memref_slice %arg4[%add3A_12, %dma_start3A_30] : memref<288x104xi32, #tpu.memory_space<hbm>> -> memref<1x104xi32, #tpu.memory_space<hbm>>
        %dma_start3A_32 = tpu.memref_squeeze %dma_start3A_31 : memref<1x104xi32, #tpu.memory_space<hbm>> -> memref<104xi32, #tpu.memory_space<hbm>>
        tpu.enqueue_dma source(%arg7 : memref<104xi32, #tpu.memory_space<vmem>>) target(%dma_start3A_32 : memref<104xi32, #tpu.memory_space<hbm>>) target_semaphore(%run_scoped3A : memref<!tpu.dma_semaphore, #tpu.memory_space<semaphore_mem>>)
        %dma_wait3A = arith.constant 0 : i32
        %dma_wait3A_33 = tpu.memref_slice %arg4[%add3A_12, %dma_wait3A] : memref<288x104xi32, #tpu.memory_space<hbm>> -> memref<1x104xi32, #tpu.memory_space<hbm>>
        %dma_wait3A_34 = tpu.memref_squeeze %dma_wait3A_33 : memref<1x104xi32, #tpu.memory_space<hbm>> -> memref<104xi32, #tpu.memory_space<hbm>>
        %dma_wait3A_35 = arith.constant 0 : i32
        %dma_wait3A_36 = tpu.memref_slice %arg4[%add3A_12, %dma_wait3A_35] : memref<288x104xi32, #tpu.memory_space<hbm>> -> memref<1x104xi32, #tpu.memory_space<hbm>>
        %dma_wait3A_37 = tpu.memref_squeeze %dma_wait3A_36 : memref<1x104xi32, #tpu.memory_space<hbm>> -> memref<104xi32, #tpu.memory_space<hbm>>
        tpu.wait_dma2 semaphore(%run_scoped3A : memref<!tpu.dma_semaphore, #tpu.memory_space<semaphore_mem>>) src(%arg7 : memref<104xi32, #tpu.memory_space<vmem>>) dst(%dma_wait3A_37 : memref<104xi32, #tpu.memory_space<hbm>>)
        tpu.yield
      }) : () -> ()
    }
    %scan3A_8 = arith.constant 9 : i32
    return
  }
}

module attributes {stable_mosaic.version = 14 : i64} {
  func.func @body(%arg0: i32, %arg1: memref<1x56x1xi32, #tpu.memory_space<vmem>>, %arg2: memref<1x104x1xi32, #tpu.memory_space<vmem>>, %arg3: memref<1x104x1xi32, #tpu.memory_space<vmem>>, %arg4: memref<1x104x1xi32, #tpu.memory_space<vmem>>) attributes {dimension_semantics = [#tpu.dimension_semantics<arbitrary>], iteration_bounds = array<i64: 736>, scalar_prefetch = 0 : i64, scratch_operands = 0 : i64, tpu.core_type = #tpu.core_type<tc>, window_params = [{transform_indices = @transform_0, window_bounds = array<i64: 1, 56, 1>}, {transform_indices = @transform_1, window_bounds = array<i64: 1, 104, 1>}, {transform_indices = @transform_2, window_bounds = array<i64: 1, 104, 1>}, {transform_indices = @transform_3, window_bounds = array<i64: 1, 104, 1>}]} {
    %get3A = arith.constant 0 : index
    %get3A_0 = arith.constant 0 : index
    %get3A_1 = arith.constant 0 : index
    %get3A_2 = vector.load %arg1[%get3A, %get3A_0, %get3A_1] : memref<1x56x1xi32, #tpu.memory_space<vmem>>, vector<1x56x1xi32>
    %get3A_3 = vector.shape_cast %get3A_2 : vector<1x56x1xi32> to vector<56x1xi32>
    %broadcast_in_dim3A = arith.constant -1 : i32
    %broadcast_in_dim3A_4 = vector.broadcast %broadcast_in_dim3A : i32 to vector<104x1xi32>
    %broadcast_in_dim3A_5 = arith.constant 0 : i32
    %broadcast_in_dim3A_6 = vector.broadcast %broadcast_in_dim3A_5 : i32 to vector<104x1xi32>
    %scan3A = arith.constant 0 : i32
    %scan3A_7 = arith.constant 98 : i32
    %scan3A_8 = arith.addi %scan3A, %scan3A_7 : i32
    %scan3A_9 = arith.constant 2 : i32
    %scan3A_10:2 = scf.for %scan3A_17 = %scan3A to %scan3A_8 step %scan3A_9 iter_args(%scan3A_18 = %broadcast_in_dim3A_4, %scan3A_19 = %broadcast_in_dim3A_6) -> (vector<104x1xi32>, vector<104x1xi32>)  : i32 {
      %iota3A = tpu.iota {dimensions = array<i32: 1>} : vector<1x1024xi32>
      %mul3A = arith.constant 1024 : i32
      %mul3A_20 = arith.muli %scan3A_17, %mul3A : i32
      %add3A = vector.broadcast %mul3A_20 : i32 to vector<1x1024xi32>
      %add3A_21 = arith.addi %iota3A, %add3A : vector<1x1024xi32>
      %eq3A = vector.broadcast %get3A_3 : vector<56x1xi32> to vector<56x1024xi32>
      %eq3A_22 = vector.broadcast %add3A_21 : vector<1x1024xi32> to vector<56x1024xi32>
      %eq3A_23 = arith.cmpi eq, %eq3A, %eq3A_22 : vector<56x1024xi32>
      %reduce_or3A = arith.constant 1.000000e+00 : f32
      %reduce_or3A_24 = arith.constant 0.000000e+00 : f32
      %reduce_or3A_25 = vector.broadcast %reduce_or3A : f32 to vector<56x1024xf32>
      %reduce_or3A_26 = vector.broadcast %reduce_or3A_24 : f32 to vector<56x1024xf32>
      %reduce_or3A_27 = arith.select %eq3A_23, %reduce_or3A_25, %reduce_or3A_26 : vector<56x1024xi1>, vector<56x1024xf32>
      %reduce_or3A_28 = arith.constant dense<0xFF800000> : vector<1024xf32>
      %reduce_or3A_29 = vector.multi_reduction <maximumf>, %reduce_or3A_27, %reduce_or3A_28 [0] : vector<56x1024xf32> to vector<1024xf32>
      %reduce_or3A_30 = arith.constant 0.000000e+00 : f32
      %reduce_or3A_31 = vector.broadcast %reduce_or3A_30 : f32 to vector<1024xf32>
      %reduce_or3A_32 = arith.cmpf ogt, %reduce_or3A_29, %reduce_or3A_31 : vector<1024xf32>
      %broadcast_in_dim3A_33 = vector.shape_cast %reduce_or3A_32 : vector<1024xi1> to vector<1x1024xi1>
      %not3A = arith.constant dense<true> : vector<1x1024xi1>
      %not3A_34 = arith.xori %broadcast_in_dim3A_33, %not3A : vector<1x1024xi1>
      %ne3A = arith.constant 0 : i32
      %ne3A_35 = vector.broadcast %ne3A : i32 to vector<1x1024xi32>
      %ne3A_36 = arith.cmpi ne, %add3A_21, %ne3A_35 : vector<1x1024xi32>
      %and3A = arith.andi %not3A_34, %ne3A_36 : vector<1x1024xi1>
      %lt3A = arith.constant 100000 : i32
      %lt3A_37 = vector.broadcast %lt3A : i32 to vector<1x1024xi32>
      %lt3A_38 = arith.cmpi slt, %add3A_21, %lt3A_37 : vector<1x1024xi32>
      %and3A_39 = arith.andi %and3A, %lt3A_38 : vector<1x1024xi1>
      %get3A_40 = arith.constant 0 : index
      %get3A_41 = arith.constant 0 : index
      %get3A_42 = arith.constant 0 : index
      %get3A_43 = vector.load %arg3[%get3A_40, %get3A_41, %get3A_42] : memref<1x104x1xi32, #tpu.memory_space<vmem>>, vector<1x104x1xi32>
      %get3A_44 = vector.shape_cast %get3A_43 : vector<1x104x1xi32> to vector<104x1xi32>
      %get3A_45 = arith.constant 0 : index
      %get3A_46 = arith.constant 0 : index
      %get3A_47 = arith.constant 0 : index
      %get3A_48 = vector.load %arg2[%get3A_45, %get3A_46, %get3A_47] : memref<1x104x1xi32, #tpu.memory_space<vmem>>, vector<1x104x1xi32>
      %get3A_49 = vector.shape_cast %get3A_48 : vector<1x104x1xi32> to vector<104x1xi32>
      %add3A_50 = vector.broadcast %get3A_44 : vector<104x1xi32> to vector<104x1024xi32>
      %add3A_51 = vector.broadcast %add3A_21 : vector<1x1024xi32> to vector<104x1024xi32>
      %add3A_52 = arith.addi %add3A_50, %add3A_51 : vector<104x1024xi32>
      %add3A_53 = vector.broadcast %get3A_49 : vector<104x1xi32> to vector<104x1024xi32>
      %add3A_54 = arith.addi %add3A_53, %add3A_52 : vector<104x1024xi32>
      %shift_left3A = arith.constant 13 : i32
      %shift_left3A_55 = vector.broadcast %shift_left3A : i32 to vector<104x1024xi32>
      %shift_left3A_56 = arith.shli %add3A_52, %shift_left3A_55 : vector<104x1024xi32>
      %shift_right_logical3A = arith.constant 19 : i32
      %shift_right_logical3A_57 = vector.broadcast %shift_right_logical3A : i32 to vector<104x1024xi32>
      %shift_right_logical3A_58 = arith.shrui %add3A_52, %shift_right_logical3A_57 : vector<104x1024xi32>
      %or3A = arith.ori %shift_left3A_56, %shift_right_logical3A_58 : vector<104x1024xi32>
      %xor3A = arith.xori %or3A, %add3A_54 : vector<104x1024xi32>
      %add3A_59 = arith.addi %add3A_54, %xor3A : vector<104x1024xi32>
      %shift_left3A_60 = arith.constant 15 : i32
      %shift_left3A_61 = vector.broadcast %shift_left3A_60 : i32 to vector<104x1024xi32>
      %shift_left3A_62 = arith.shli %xor3A, %shift_left3A_61 : vector<104x1024xi32>
      %shift_right_logical3A_63 = arith.constant 17 : i32
      %shift_right_logical3A_64 = vector.broadcast %shift_right_logical3A_63 : i32 to vector<104x1024xi32>
      %shift_right_logical3A_65 = arith.shrui %xor3A, %shift_right_logical3A_64 : vector<104x1024xi32>
      %or3A_66 = arith.ori %shift_left3A_62, %shift_right_logical3A_65 : vector<104x1024xi32>
      %xor3A_67 = arith.xori %or3A_66, %add3A_59 : vector<104x1024xi32>
      %add3A_68 = arith.addi %add3A_59, %xor3A_67 : vector<104x1024xi32>
      %shift_left3A_69 = arith.constant 26 : i32
      %shift_left3A_70 = vector.broadcast %shift_left3A_69 : i32 to vector<104x1024xi32>
      %shift_left3A_71 = arith.shli %xor3A_67, %shift_left3A_70 : vector<104x1024xi32>
      %shift_right_logical3A_72 = arith.constant 6 : i32
      %shift_right_logical3A_73 = vector.broadcast %shift_right_logical3A_72 : i32 to vector<104x1024xi32>
      %shift_right_logical3A_74 = arith.shrui %xor3A_67, %shift_right_logical3A_73 : vector<104x1024xi32>
      %or3A_75 = arith.ori %shift_left3A_71, %shift_right_logical3A_74 : vector<104x1024xi32>
      %xor3A_76 = arith.xori %or3A_75, %add3A_68 : vector<104x1024xi32>
      %add3A_77 = arith.addi %add3A_68, %xor3A_76 : vector<104x1024xi32>
      %shift_left3A_78 = arith.constant 6 : i32
      %shift_left3A_79 = vector.broadcast %shift_left3A_78 : i32 to vector<104x1024xi32>
      %shift_left3A_80 = arith.shli %xor3A_76, %shift_left3A_79 : vector<104x1024xi32>
      %shift_right_logical3A_81 = arith.constant 26 : i32
      %shift_right_logical3A_82 = vector.broadcast %shift_right_logical3A_81 : i32 to vector<104x1024xi32>
      %shift_right_logical3A_83 = arith.shrui %xor3A_76, %shift_right_logical3A_82 : vector<104x1024xi32>
      %or3A_84 = arith.ori %shift_left3A_80, %shift_right_logical3A_83 : vector<104x1024xi32>
      %xor3A_85 = arith.xori %or3A_84, %add3A_77 : vector<104x1024xi32>
      %add3A_86 = arith.constant 42 : i32
      %add3A_87 = vector.broadcast %add3A_86 : i32 to vector<104x1024xi32>
      %add3A_88 = arith.addi %add3A_77, %add3A_87 : vector<104x1024xi32>
      %add3A_89 = arith.constant 466689009 : i32
      %add3A_90 = vector.broadcast %add3A_89 : i32 to vector<104x1024xi32>
      %add3A_91 = arith.addi %xor3A_85, %add3A_90 : vector<104x1024xi32>
      %add3A_92 = arith.addi %add3A_88, %add3A_91 : vector<104x1024xi32>
      %shift_left3A_93 = arith.constant 17 : i32
      %shift_left3A_94 = vector.broadcast %shift_left3A_93 : i32 to vector<104x1024xi32>
      %shift_left3A_95 = arith.shli %add3A_91, %shift_left3A_94 : vector<104x1024xi32>
      %shift_right_logical3A_96 = arith.constant 15 : i32
      %shift_right_logical3A_97 = vector.broadcast %shift_right_logical3A_96 : i32 to vector<104x1024xi32>
      %shift_right_logical3A_98 = arith.shrui %add3A_91, %shift_right_logical3A_97 : vector<104x1024xi32>
      %or3A_99 = arith.ori %shift_left3A_95, %shift_right_logical3A_98 : vector<104x1024xi32>
      %xor3A_100 = arith.xori %or3A_99, %add3A_92 : vector<104x1024xi32>
      %add3A_101 = arith.addi %add3A_92, %xor3A_100 : vector<104x1024xi32>
      %shift_left3A_102 = arith.constant 29 : i32
      %shift_left3A_103 = vector.broadcast %shift_left3A_102 : i32 to vector<104x1024xi32>
      %shift_left3A_104 = arith.shli %xor3A_100, %shift_left3A_103 : vector<104x1024xi32>
      %shift_right_logical3A_105 = arith.constant 3 : i32
      %shift_right_logical3A_106 = vector.broadcast %shift_right_logical3A_105 : i32 to vector<104x1024xi32>
      %shift_right_logical3A_107 = arith.shrui %xor3A_100, %shift_right_logical3A_106 : vector<104x1024xi32>
      %or3A_108 = arith.ori %shift_left3A_104, %shift_right_logical3A_107 : vector<104x1024xi32>
      %xor3A_109 = arith.xori %or3A_108, %add3A_101 : vector<104x1024xi32>
      %add3A_110 = arith.addi %add3A_101, %xor3A_109 : vector<104x1024xi32>
      %shift_left3A_111 = arith.constant 16 : i32
      %shift_left3A_112 = vector.broadcast %shift_left3A_111 : i32 to vector<104x1024xi32>
      %shift_left3A_113 = arith.shli %xor3A_109, %shift_left3A_112 : vector<104x1024xi32>
      %shift_right_logical3A_114 = arith.constant 16 : i32
      %shift_right_logical3A_115 = vector.broadcast %shift_right_logical3A_114 : i32 to vector<104x1024xi32>
      %shift_right_logical3A_116 = arith.shrui %xor3A_109, %shift_right_logical3A_115 : vector<104x1024xi32>
      %or3A_117 = arith.ori %shift_left3A_113, %shift_right_logical3A_116 : vector<104x1024xi32>
      %xor3A_118 = arith.xori %or3A_117, %add3A_110 : vector<104x1024xi32>
      %add3A_119 = arith.addi %add3A_110, %xor3A_118 : vector<104x1024xi32>
      %shift_left3A_120 = arith.constant 24 : i32
      %shift_left3A_121 = vector.broadcast %shift_left3A_120 : i32 to vector<104x1024xi32>
      %shift_left3A_122 = arith.shli %xor3A_118, %shift_left3A_121 : vector<104x1024xi32>
      %shift_right_logical3A_123 = arith.constant 8 : i32
      %shift_right_logical3A_124 = vector.broadcast %shift_right_logical3A_123 : i32 to vector<104x1024xi32>
      %shift_right_logical3A_125 = arith.shrui %xor3A_118, %shift_right_logical3A_124 : vector<104x1024xi32>
      %or3A_126 = arith.ori %shift_left3A_122, %shift_right_logical3A_125 : vector<104x1024xi32>
      %xor3A_127 = arith.xori %or3A_126, %add3A_119 : vector<104x1024xi32>
      %add3A_128 = arith.constant 466689008 : i32
      %add3A_129 = vector.broadcast %add3A_128 : i32 to vector<104x1024xi32>
      %add3A_130 = arith.addi %add3A_119, %add3A_129 : vector<104x1024xi32>
      %add3A_131 = arith.constant 2 : i32
      %add3A_132 = vector.broadcast %add3A_131 : i32 to vector<104x1024xi32>
      %add3A_133 = arith.addi %xor3A_127, %add3A_132 : vector<104x1024xi32>
      %add3A_134 = arith.addi %add3A_130, %add3A_133 : vector<104x1024xi32>
      %shift_left3A_135 = arith.constant 13 : i32
      %shift_left3A_136 = vector.broadcast %shift_left3A_135 : i32 to vector<104x1024xi32>
      %shift_left3A_137 = arith.shli %add3A_133, %shift_left3A_136 : vector<104x1024xi32>
      %shift_right_logical3A_138 = arith.constant 19 : i32
      %shift_right_logical3A_139 = vector.broadcast %shift_right_logical3A_138 : i32 to vector<104x1024xi32>
      %shift_right_logical3A_140 = arith.shrui %add3A_133, %shift_right_logical3A_139 : vector<104x1024xi32>
      %or3A_141 = arith.ori %shift_left3A_137, %shift_right_logical3A_140 : vector<104x1024xi32>
      %xor3A_142 = arith.xori %or3A_141, %add3A_134 : vector<104x1024xi32>
      %add3A_143 = arith.addi %add3A_134, %xor3A_142 : vector<104x1024xi32>
      %shift_left3A_144 = arith.constant 15 : i32
      %shift_left3A_145 = vector.broadcast %shift_left3A_144 : i32 to vector<104x1024xi32>
      %shift_left3A_146 = arith.shli %xor3A_142, %shift_left3A_145 : vector<104x1024xi32>
      %shift_right_logical3A_147 = arith.constant 17 : i32
      %shift_right_logical3A_148 = vector.broadcast %shift_right_logical3A_147 : i32 to vector<104x1024xi32>
      %shift_right_logical3A_149 = arith.shrui %xor3A_142, %shift_right_logical3A_148 : vector<104x1024xi32>
      %or3A_150 = arith.ori %shift_left3A_146, %shift_right_logical3A_149 : vector<104x1024xi32>
      %xor3A_151 = arith.xori %or3A_150, %add3A_143 : vector<104x1024xi32>
      %add3A_152 = arith.addi %add3A_143, %xor3A_151 : vector<104x1024xi32>
      %shift_left3A_153 = arith.constant 26 : i32
      %shift_left3A_154 = vector.broadcast %shift_left3A_153 : i32 to vector<104x1024xi32>
      %shift_left3A_155 = arith.shli %xor3A_151, %shift_left3A_154 : vector<104x1024xi32>
      %shift_right_logical3A_156 = arith.constant 6 : i32
      %shift_right_logical3A_157 = vector.broadcast %shift_right_logical3A_156 : i32 to vector<104x1024xi32>
      %shift_right_logical3A_158 = arith.shrui %xor3A_151, %shift_right_logical3A_157 : vector<104x1024xi32>
      %or3A_159 = arith.ori %shift_left3A_155, %shift_right_logical3A_158 : vector<104x1024xi32>
      %xor3A_160 = arith.xori %or3A_159, %add3A_152 : vector<104x1024xi32>
      %add3A_161 = arith.addi %add3A_152, %xor3A_160 : vector<104x1024xi32>
      %shift_left3A_162 = arith.constant 6 : i32
      %shift_left3A_163 = vector.broadcast %shift_left3A_162 : i32 to vector<104x1024xi32>
      %shift_left3A_164 = arith.shli %xor3A_160, %shift_left3A_163 : vector<104x1024xi32>
      %shift_right_logical3A_165 = arith.constant 26 : i32
      %shift_right_logical3A_166 = vector.broadcast %shift_right_logical3A_165 : i32 to vector<104x1024xi32>
      %shift_right_logical3A_167 = arith.shrui %xor3A_160, %shift_right_logical3A_166 : vector<104x1024xi32>
      %or3A_168 = arith.ori %shift_left3A_164, %shift_right_logical3A_167 : vector<104x1024xi32>
      %xor3A_169 = arith.xori %or3A_168, %add3A_161 : vector<104x1024xi32>
      %add3A_170 = arith.constant 45 : i32
      %add3A_171 = vector.broadcast %add3A_170 : i32 to vector<104x1024xi32>
      %add3A_172 = arith.addi %xor3A_169, %add3A_171 : vector<104x1024xi32>
      %add3A_173 = arith.addi %add3A_161, %add3A_172 : vector<104x1024xi32>
      %shift_left3A_174 = arith.constant 17 : i32
      %shift_left3A_175 = vector.broadcast %shift_left3A_174 : i32 to vector<104x1024xi32>
      %shift_left3A_176 = arith.shli %add3A_172, %shift_left3A_175 : vector<104x1024xi32>
      %shift_right_logical3A_177 = arith.constant 15 : i32
      %shift_right_logical3A_178 = vector.broadcast %shift_right_logical3A_177 : i32 to vector<104x1024xi32>
      %shift_right_logical3A_179 = arith.shrui %add3A_172, %shift_right_logical3A_178 : vector<104x1024xi32>
      %or3A_180 = arith.ori %shift_left3A_176, %shift_right_logical3A_179 : vector<104x1024xi32>
      %xor3A_181 = arith.xori %or3A_180, %add3A_173 : vector<104x1024xi32>
      %add3A_182 = arith.addi %add3A_173, %xor3A_181 : vector<104x1024xi32>
      %shift_left3A_183 = arith.constant 29 : i32
      %shift_left3A_184 = vector.broadcast %shift_left3A_183 : i32 to vector<104x1024xi32>
      %shift_left3A_185 = arith.shli %xor3A_181, %shift_left3A_184 : vector<104x1024xi32>
      %shift_right_logical3A_186 = arith.constant 3 : i32
      %shift_right_logical3A_187 = vector.broadcast %shift_right_logical3A_186 : i32 to vector<104x1024xi32>
      %shift_right_logical3A_188 = arith.shrui %xor3A_181, %shift_right_logical3A_187 : vector<104x1024xi32>
      %or3A_189 = arith.ori %shift_left3A_185, %shift_right_logical3A_188 : vector<104x1024xi32>
      %xor3A_190 = arith.xori %or3A_189, %add3A_182 : vector<104x1024xi32>
      %add3A_191 = arith.addi %add3A_182, %xor3A_190 : vector<104x1024xi32>
      %shift_left3A_192 = arith.constant 16 : i32
      %shift_left3A_193 = vector.broadcast %shift_left3A_192 : i32 to vector<104x1024xi32>
      %shift_left3A_194 = arith.shli %xor3A_190, %shift_left3A_193 : vector<104x1024xi32>
      %shift_right_logical3A_195 = arith.constant 16 : i32
      %shift_right_logical3A_196 = vector.broadcast %shift_right_logical3A_195 : i32 to vector<104x1024xi32>
      %shift_right_logical3A_197 = arith.shrui %xor3A_190, %shift_right_logical3A_196 : vector<104x1024xi32>
      %or3A_198 = arith.ori %shift_left3A_194, %shift_right_logical3A_197 : vector<104x1024xi32>
      %xor3A_199 = arith.xori %or3A_198, %add3A_191 : vector<104x1024xi32>
      %add3A_200 = arith.addi %add3A_191, %xor3A_199 : vector<104x1024xi32>
      %shift_left3A_201 = arith.constant 24 : i32
      %shift_left3A_202 = vector.broadcast %shift_left3A_201 : i32 to vector<104x1024xi32>
      %shift_left3A_203 = arith.shli %xor3A_199, %shift_left3A_202 : vector<104x1024xi32>
      %shift_right_logical3A_204 = arith.constant 8 : i32
      %shift_right_logical3A_205 = vector.broadcast %shift_right_logical3A_204 : i32 to vector<104x1024xi32>
      %shift_right_logical3A_206 = arith.shrui %xor3A_199, %shift_right_logical3A_205 : vector<104x1024xi32>
      %or3A_207 = arith.ori %shift_left3A_203, %shift_right_logical3A_206 : vector<104x1024xi32>
      %xor3A_208 = arith.xori %or3A_207, %add3A_200 : vector<104x1024xi32>
      %add3A_209 = arith.constant 42 : i32
      %add3A_210 = vector.broadcast %add3A_209 : i32 to vector<104x1024xi32>
      %add3A_211 = arith.addi %add3A_200, %add3A_210 : vector<104x1024xi32>
      %add3A_212 = arith.constant 466689012 : i32
      %add3A_213 = vector.broadcast %add3A_212 : i32 to vector<104x1024xi32>
      %add3A_214 = arith.addi %xor3A_208, %add3A_213 : vector<104x1024xi32>
      %add3A_215 = arith.addi %add3A_211, %add3A_214 : vector<104x1024xi32>
      %shift_left3A_216 = arith.constant 13 : i32
      %shift_left3A_217 = vector.broadcast %shift_left3A_216 : i32 to vector<104x1024xi32>
      %shift_left3A_218 = arith.shli %add3A_214, %shift_left3A_217 : vector<104x1024xi32>
      %shift_right_logical3A_219 = arith.constant 19 : i32
      %shift_right_logical3A_220 = vector.broadcast %shift_right_logical3A_219 : i32 to vector<104x1024xi32>
      %shift_right_logical3A_221 = arith.shrui %add3A_214, %shift_right_logical3A_220 : vector<104x1024xi32>
      %or3A_222 = arith.ori %shift_left3A_218, %shift_right_logical3A_221 : vector<104x1024xi32>
      %xor3A_223 = arith.xori %or3A_222, %add3A_215 : vector<104x1024xi32>
      %add3A_224 = arith.addi %add3A_215, %xor3A_223 : vector<104x1024xi32>
      %shift_left3A_225 = arith.constant 15 : i32
      %shift_left3A_226 = vector.broadcast %shift_left3A_225 : i32 to vector<104x1024xi32>
      %shift_left3A_227 = arith.shli %xor3A_223, %shift_left3A_226 : vector<104x1024xi32>
      %shift_right_logical3A_228 = arith.constant 17 : i32
      %shift_right_logical3A_229 = vector.broadcast %shift_right_logical3A_228 : i32 to vector<104x1024xi32>
      %shift_right_logical3A_230 = arith.shrui %xor3A_223, %shift_right_logical3A_229 : vector<104x1024xi32>
      %or3A_231 = arith.ori %shift_left3A_227, %shift_right_logical3A_230 : vector<104x1024xi32>
      %xor3A_232 = arith.xori %or3A_231, %add3A_224 : vector<104x1024xi32>
      %add3A_233 = arith.addi %add3A_224, %xor3A_232 : vector<104x1024xi32>
      %shift_left3A_234 = arith.constant 26 : i32
      %shift_left3A_235 = vector.broadcast %shift_left3A_234 : i32 to vector<104x1024xi32>
      %shift_left3A_236 = arith.shli %xor3A_232, %shift_left3A_235 : vector<104x1024xi32>
      %shift_right_logical3A_237 = arith.constant 6 : i32
      %shift_right_logical3A_238 = vector.broadcast %shift_right_logical3A_237 : i32 to vector<104x1024xi32>
      %shift_right_logical3A_239 = arith.shrui %xor3A_232, %shift_right_logical3A_238 : vector<104x1024xi32>
      %or3A_240 = arith.ori %shift_left3A_236, %shift_right_logical3A_239 : vector<104x1024xi32>
      %xor3A_241 = arith.xori %or3A_240, %add3A_233 : vector<104x1024xi32>
      %add3A_242 = arith.addi %add3A_233, %xor3A_241 : vector<104x1024xi32>
      %shift_left3A_243 = arith.constant 6 : i32
      %shift_left3A_244 = vector.broadcast %shift_left3A_243 : i32 to vector<104x1024xi32>
      %shift_left3A_245 = arith.shli %xor3A_241, %shift_left3A_244 : vector<104x1024xi32>
      %shift_right_logical3A_246 = arith.constant 26 : i32
      %shift_right_logical3A_247 = vector.broadcast %shift_right_logical3A_246 : i32 to vector<104x1024xi32>
      %shift_right_logical3A_248 = arith.shrui %xor3A_241, %shift_right_logical3A_247 : vector<104x1024xi32>
      %or3A_249 = arith.ori %shift_left3A_245, %shift_right_logical3A_248 : vector<104x1024xi32>
      %xor3A_250 = arith.xori %or3A_249, %add3A_242 : vector<104x1024xi32>
      %add3A_251 = arith.constant 466689008 : i32
      %add3A_252 = vector.broadcast %add3A_251 : i32 to vector<104x1024xi32>
      %add3A_253 = arith.addi %add3A_242, %add3A_252 : vector<104x1024xi32>
      %add3A_254 = arith.constant 5 : i32
      %add3A_255 = vector.broadcast %add3A_254 : i32 to vector<104x1024xi32>
      %add3A_256 = arith.addi %xor3A_250, %add3A_255 : vector<104x1024xi32>
      %xor3A_257 = arith.xori %add3A_253, %add3A_256 : vector<104x1024xi32>
      %shift_right_logical3A_258 = arith.constant 9 : i32
      %shift_right_logical3A_259 = vector.broadcast %shift_right_logical3A_258 : i32 to vector<104x1024xi32>
      %shift_right_logical3A_260 = arith.shrui %xor3A_257, %shift_right_logical3A_259 : vector<104x1024xi32>
      %jit3A = arith.constant -1 : i32
      %broadcast_in_dim3A_261 = vector.shape_cast %and3A_39 : vector<1x1024xi1> to vector<1x1024xi1>
      %broadcast_in_dim3A_262 = vector.broadcast %broadcast_in_dim3A_261 : vector<1x1024xi1> to vector<104x1024xi1>
      %broadcast_in_dim3A_263 = vector.broadcast %jit3A : i32 to vector<104x1024xi32>
      %select_n3A = arith.select %broadcast_in_dim3A_262, %shift_right_logical3A_260, %broadcast_in_dim3A_263 : vector<104x1024xi1>, vector<104x1024xi32>
      %reduce_max3A = arith.constant dense<-2147483648> : vector<104xi32>
      %reduce_max3A_264 = vector.multi_reduction <maxsi>, %select_n3A, %reduce_max3A [1] : vector<104x1024xi32> to vector<104xi32>
      %broadcast_in_dim3A_265 = vector.shape_cast %reduce_max3A_264 : vector<104xi32> to vector<104x1xi32>
      %eq3A_266 = vector.broadcast %broadcast_in_dim3A_265 : vector<104x1xi32> to vector<104x1024xi32>
      %eq3A_267 = arith.cmpi eq, %select_n3A, %eq3A_266 : vector<104x1024xi32>
      %jit3A_268 = arith.constant 1073741824 : i32
      %broadcast_in_dim3A_269 = vector.shape_cast %add3A_21 : vector<1x1024xi32> to vector<1x1024xi32>
      %broadcast_in_dim3A_270 = vector.broadcast %broadcast_in_dim3A_269 : vector<1x1024xi32> to vector<104x1024xi32>
      %broadcast_in_dim3A_271 = vector.broadcast %jit3A_268 : i32 to vector<104x1024xi32>
      %select_n3A_272 = arith.select %eq3A_267, %broadcast_in_dim3A_270, %broadcast_in_dim3A_271 : vector<104x1024xi1>, vector<104x1024xi32>
      %reduce_min3A = arith.constant dense<2147483647> : vector<104xi32>
      %reduce_min3A_273 = vector.multi_reduction <minsi>, %select_n3A_272, %reduce_min3A [1] : vector<104x1024xi32> to vector<104xi32>
      %broadcast_in_dim3A_274 = vector.shape_cast %reduce_min3A_273 : vector<104xi32> to vector<104x1xi32>
      %gt3A = arith.cmpi sgt, %broadcast_in_dim3A_265, %scan3A_18 : vector<104x1xi32>
      %select_n3A_275 = arith.select %gt3A, %broadcast_in_dim3A_265, %scan3A_18 : vector<104x1xi1>, vector<104x1xi32>
      %select_n3A_276 = arith.select %gt3A, %broadcast_in_dim3A_274, %scan3A_19 : vector<104x1xi1>, vector<104x1xi32>
      %scan3A_277 = arith.constant 1 : i32
      %scan3A_278 = arith.addi %scan3A_17, %scan3A_277 : i32
      %iota3A_279 = tpu.iota {dimensions = array<i32: 1>} : vector<1x1024xi32>
      %mul3A_280 = arith.constant 1024 : i32
      %mul3A_281 = arith.muli %scan3A_278, %mul3A_280 : i32
      %add3A_282 = vector.broadcast %mul3A_281 : i32 to vector<1x1024xi32>
      %add3A_283 = arith.addi %iota3A_279, %add3A_282 : vector<1x1024xi32>
      %eq3A_284 = vector.broadcast %get3A_3 : vector<56x1xi32> to vector<56x1024xi32>
      %eq3A_285 = vector.broadcast %add3A_283 : vector<1x1024xi32> to vector<56x1024xi32>
      %eq3A_286 = arith.cmpi eq, %eq3A_284, %eq3A_285 : vector<56x1024xi32>
      %reduce_or3A_287 = arith.constant 1.000000e+00 : f32
      %reduce_or3A_288 = arith.constant 0.000000e+00 : f32
      %reduce_or3A_289 = vector.broadcast %reduce_or3A_287 : f32 to vector<56x1024xf32>
      %reduce_or3A_290 = vector.broadcast %reduce_or3A_288 : f32 to vector<56x1024xf32>
      %reduce_or3A_291 = arith.select %eq3A_286, %reduce_or3A_289, %reduce_or3A_290 : vector<56x1024xi1>, vector<56x1024xf32>
      %reduce_or3A_292 = arith.constant dense<0xFF800000> : vector<1024xf32>
      %reduce_or3A_293 = vector.multi_reduction <maximumf>, %reduce_or3A_291, %reduce_or3A_292 [0] : vector<56x1024xf32> to vector<1024xf32>
      %reduce_or3A_294 = arith.constant 0.000000e+00 : f32
      %reduce_or3A_295 = vector.broadcast %reduce_or3A_294 : f32 to vector<1024xf32>
      %reduce_or3A_296 = arith.cmpf ogt, %reduce_or3A_293, %reduce_or3A_295 : vector<1024xf32>
      %broadcast_in_dim3A_297 = vector.shape_cast %reduce_or3A_296 : vector<1024xi1> to vector<1x1024xi1>
      %not3A_298 = arith.constant dense<true> : vector<1x1024xi1>
      %not3A_299 = arith.xori %broadcast_in_dim3A_297, %not3A_298 : vector<1x1024xi1>
      %ne3A_300 = arith.constant 0 : i32
      %ne3A_301 = vector.broadcast %ne3A_300 : i32 to vector<1x1024xi32>
      %ne3A_302 = arith.cmpi ne, %add3A_283, %ne3A_301 : vector<1x1024xi32>
      %and3A_303 = arith.andi %not3A_299, %ne3A_302 : vector<1x1024xi1>
      %lt3A_304 = arith.constant 100000 : i32
      %lt3A_305 = vector.broadcast %lt3A_304 : i32 to vector<1x1024xi32>
      %lt3A_306 = arith.cmpi slt, %add3A_283, %lt3A_305 : vector<1x1024xi32>
      %and3A_307 = arith.andi %and3A_303, %lt3A_306 : vector<1x1024xi1>
      %get3A_308 = arith.constant 0 : index
      %get3A_309 = arith.constant 0 : index
      %get3A_310 = arith.constant 0 : index
      %get3A_311 = vector.load %arg3[%get3A_308, %get3A_309, %get3A_310] : memref<1x104x1xi32, #tpu.memory_space<vmem>>, vector<1x104x1xi32>
      %get3A_312 = vector.shape_cast %get3A_311 : vector<1x104x1xi32> to vector<104x1xi32>
      %get3A_313 = arith.constant 0 : index
      %get3A_314 = arith.constant 0 : index
      %get3A_315 = arith.constant 0 : index
      %get3A_316 = vector.load %arg2[%get3A_313, %get3A_314, %get3A_315] : memref<1x104x1xi32, #tpu.memory_space<vmem>>, vector<1x104x1xi32>
      %get3A_317 = vector.shape_cast %get3A_316 : vector<1x104x1xi32> to vector<104x1xi32>
      %add3A_318 = vector.broadcast %get3A_312 : vector<104x1xi32> to vector<104x1024xi32>
      %add3A_319 = vector.broadcast %add3A_283 : vector<1x1024xi32> to vector<104x1024xi32>
      %add3A_320 = arith.addi %add3A_318, %add3A_319 : vector<104x1024xi32>
      %add3A_321 = vector.broadcast %get3A_317 : vector<104x1xi32> to vector<104x1024xi32>
      %add3A_322 = arith.addi %add3A_321, %add3A_320 : vector<104x1024xi32>
      %shift_left3A_323 = arith.constant 13 : i32
      %shift_left3A_324 = vector.broadcast %shift_left3A_323 : i32 to vector<104x1024xi32>
      %shift_left3A_325 = arith.shli %add3A_320, %shift_left3A_324 : vector<104x1024xi32>
      %shift_right_logical3A_326 = arith.constant 19 : i32
      %shift_right_logical3A_327 = vector.broadcast %shift_right_logical3A_326 : i32 to vector<104x1024xi32>
      %shift_right_logical3A_328 = arith.shrui %add3A_320, %shift_right_logical3A_327 : vector<104x1024xi32>
      %or3A_329 = arith.ori %shift_left3A_325, %shift_right_logical3A_328 : vector<104x1024xi32>
      %xor3A_330 = arith.xori %or3A_329, %add3A_322 : vector<104x1024xi32>
      %add3A_331 = arith.addi %add3A_322, %xor3A_330 : vector<104x1024xi32>
      %shift_left3A_332 = arith.constant 15 : i32
      %shift_left3A_333 = vector.broadcast %shift_left3A_332 : i32 to vector<104x1024xi32>
      %shift_left3A_334 = arith.shli %xor3A_330, %shift_left3A_333 : vector<104x1024xi32>
      %shift_right_logical3A_335 = arith.constant 17 : i32
      %shift_right_logical3A_336 = vector.broadcast %shift_right_logical3A_335 : i32 to vector<104x1024xi32>
      %shift_right_logical3A_337 = arith.shrui %xor3A_330, %shift_right_logical3A_336 : vector<104x1024xi32>
      %or3A_338 = arith.ori %shift_left3A_334, %shift_right_logical3A_337 : vector<104x1024xi32>
      %xor3A_339 = arith.xori %or3A_338, %add3A_331 : vector<104x1024xi32>
      %add3A_340 = arith.addi %add3A_331, %xor3A_339 : vector<104x1024xi32>
      %shift_left3A_341 = arith.constant 26 : i32
      %shift_left3A_342 = vector.broadcast %shift_left3A_341 : i32 to vector<104x1024xi32>
      %shift_left3A_343 = arith.shli %xor3A_339, %shift_left3A_342 : vector<104x1024xi32>
      %shift_right_logical3A_344 = arith.constant 6 : i32
      %shift_right_logical3A_345 = vector.broadcast %shift_right_logical3A_344 : i32 to vector<104x1024xi32>
      %shift_right_logical3A_346 = arith.shrui %xor3A_339, %shift_right_logical3A_345 : vector<104x1024xi32>
      %or3A_347 = arith.ori %shift_left3A_343, %shift_right_logical3A_346 : vector<104x1024xi32>
      %xor3A_348 = arith.xori %or3A_347, %add3A_340 : vector<104x1024xi32>
      %add3A_349 = arith.addi %add3A_340, %xor3A_348 : vector<104x1024xi32>
      %shift_left3A_350 = arith.constant 6 : i32
      %shift_left3A_351 = vector.broadcast %shift_left3A_350 : i32 to vector<104x1024xi32>
      %shift_left3A_352 = arith.shli %xor3A_348, %shift_left3A_351 : vector<104x1024xi32>
      %shift_right_logical3A_353 = arith.constant 26 : i32
      %shift_right_logical3A_354 = vector.broadcast %shift_right_logical3A_353 : i32 to vector<104x1024xi32>
      %shift_right_logical3A_355 = arith.shrui %xor3A_348, %shift_right_logical3A_354 : vector<104x1024xi32>
      %or3A_356 = arith.ori %shift_left3A_352, %shift_right_logical3A_355 : vector<104x1024xi32>
      %xor3A_357 = arith.xori %or3A_356, %add3A_349 : vector<104x1024xi32>
      %add3A_358 = arith.constant 42 : i32
      %add3A_359 = vector.broadcast %add3A_358 : i32 to vector<104x1024xi32>
      %add3A_360 = arith.addi %add3A_349, %add3A_359 : vector<104x1024xi32>
      %add3A_361 = arith.constant 466689009 : i32
      %add3A_362 = vector.broadcast %add3A_361 : i32 to vector<104x1024xi32>
      %add3A_363 = arith.addi %xor3A_357, %add3A_362 : vector<104x1024xi32>
      %add3A_364 = arith.addi %add3A_360, %add3A_363 : vector<104x1024xi32>
      %shift_left3A_365 = arith.constant 17 : i32
      %shift_left3A_366 = vector.broadcast %shift_left3A_365 : i32 to vector<104x1024xi32>
      %shift_left3A_367 = arith.shli %add3A_363, %shift_left3A_366 : vector<104x1024xi32>
      %shift_right_logical3A_368 = arith.constant 15 : i32
      %shift_right_logical3A_369 = vector.broadcast %shift_right_logical3A_368 : i32 to vector<104x1024xi32>
      %shift_right_logical3A_370 = arith.shrui %add3A_363, %shift_right_logical3A_369 : vector<104x1024xi32>
      %or3A_371 = arith.ori %shift_left3A_367, %shift_right_logical3A_370 : vector<104x1024xi32>
      %xor3A_372 = arith.xori %or3A_371, %add3A_364 : vector<104x1024xi32>
      %add3A_373 = arith.addi %add3A_364, %xor3A_372 : vector<104x1024xi32>
      %shift_left3A_374 = arith.constant 29 : i32
      %shift_left3A_375 = vector.broadcast %shift_left3A_374 : i32 to vector<104x1024xi32>
      %shift_left3A_376 = arith.shli %xor3A_372, %shift_left3A_375 : vector<104x1024xi32>
      %shift_right_logical3A_377 = arith.constant 3 : i32
      %shift_right_logical3A_378 = vector.broadcast %shift_right_logical3A_377 : i32 to vector<104x1024xi32>
      %shift_right_logical3A_379 = arith.shrui %xor3A_372, %shift_right_logical3A_378 : vector<104x1024xi32>
      %or3A_380 = arith.ori %shift_left3A_376, %shift_right_logical3A_379 : vector<104x1024xi32>
      %xor3A_381 = arith.xori %or3A_380, %add3A_373 : vector<104x1024xi32>
      %add3A_382 = arith.addi %add3A_373, %xor3A_381 : vector<104x1024xi32>
      %shift_left3A_383 = arith.constant 16 : i32
      %shift_left3A_384 = vector.broadcast %shift_left3A_383 : i32 to vector<104x1024xi32>
      %shift_left3A_385 = arith.shli %xor3A_381, %shift_left3A_384 : vector<104x1024xi32>
      %shift_right_logical3A_386 = arith.constant 16 : i32
      %shift_right_logical3A_387 = vector.broadcast %shift_right_logical3A_386 : i32 to vector<104x1024xi32>
      %shift_right_logical3A_388 = arith.shrui %xor3A_381, %shift_right_logical3A_387 : vector<104x1024xi32>
      %or3A_389 = arith.ori %shift_left3A_385, %shift_right_logical3A_388 : vector<104x1024xi32>
      %xor3A_390 = arith.xori %or3A_389, %add3A_382 : vector<104x1024xi32>
      %add3A_391 = arith.addi %add3A_382, %xor3A_390 : vector<104x1024xi32>
      %shift_left3A_392 = arith.constant 24 : i32
      %shift_left3A_393 = vector.broadcast %shift_left3A_392 : i32 to vector<104x1024xi32>
      %shift_left3A_394 = arith.shli %xor3A_390, %shift_left3A_393 : vector<104x1024xi32>
      %shift_right_logical3A_395 = arith.constant 8 : i32
      %shift_right_logical3A_396 = vector.broadcast %shift_right_logical3A_395 : i32 to vector<104x1024xi32>
      %shift_right_logical3A_397 = arith.shrui %xor3A_390, %shift_right_logical3A_396 : vector<104x1024xi32>
      %or3A_398 = arith.ori %shift_left3A_394, %shift_right_logical3A_397 : vector<104x1024xi32>
      %xor3A_399 = arith.xori %or3A_398, %add3A_391 : vector<104x1024xi32>
      %add3A_400 = arith.constant 466689008 : i32
      %add3A_401 = vector.broadcast %add3A_400 : i32 to vector<104x1024xi32>
      %add3A_402 = arith.addi %add3A_391, %add3A_401 : vector<104x1024xi32>
      %add3A_403 = arith.constant 2 : i32
      %add3A_404 = vector.broadcast %add3A_403 : i32 to vector<104x1024xi32>
      %add3A_405 = arith.addi %xor3A_399, %add3A_404 : vector<104x1024xi32>
      %add3A_406 = arith.addi %add3A_402, %add3A_405 : vector<104x1024xi32>
      %shift_left3A_407 = arith.constant 13 : i32
      %shift_left3A_408 = vector.broadcast %shift_left3A_407 : i32 to vector<104x1024xi32>
      %shift_left3A_409 = arith.shli %add3A_405, %shift_left3A_408 : vector<104x1024xi32>
      %shift_right_logical3A_410 = arith.constant 19 : i32
      %shift_right_logical3A_411 = vector.broadcast %shift_right_logical3A_410 : i32 to vector<104x1024xi32>
      %shift_right_logical3A_412 = arith.shrui %add3A_405, %shift_right_logical3A_411 : vector<104x1024xi32>
      %or3A_413 = arith.ori %shift_left3A_409, %shift_right_logical3A_412 : vector<104x1024xi32>
      %xor3A_414 = arith.xori %or3A_413, %add3A_406 : vector<104x1024xi32>
      %add3A_415 = arith.addi %add3A_406, %xor3A_414 : vector<104x1024xi32>
      %shift_left3A_416 = arith.constant 15 : i32
      %shift_left3A_417 = vector.broadcast %shift_left3A_416 : i32 to vector<104x1024xi32>
      %shift_left3A_418 = arith.shli %xor3A_414, %shift_left3A_417 : vector<104x1024xi32>
      %shift_right_logical3A_419 = arith.constant 17 : i32
      %shift_right_logical3A_420 = vector.broadcast %shift_right_logical3A_419 : i32 to vector<104x1024xi32>
      %shift_right_logical3A_421 = arith.shrui %xor3A_414, %shift_right_logical3A_420 : vector<104x1024xi32>
      %or3A_422 = arith.ori %shift_left3A_418, %shift_right_logical3A_421 : vector<104x1024xi32>
      %xor3A_423 = arith.xori %or3A_422, %add3A_415 : vector<104x1024xi32>
      %add3A_424 = arith.addi %add3A_415, %xor3A_423 : vector<104x1024xi32>
      %shift_left3A_425 = arith.constant 26 : i32
      %shift_left3A_426 = vector.broadcast %shift_left3A_425 : i32 to vector<104x1024xi32>
      %shift_left3A_427 = arith.shli %xor3A_423, %shift_left3A_426 : vector<104x1024xi32>
      %shift_right_logical3A_428 = arith.constant 6 : i32
      %shift_right_logical3A_429 = vector.broadcast %shift_right_logical3A_428 : i32 to vector<104x1024xi32>
      %shift_right_logical3A_430 = arith.shrui %xor3A_423, %shift_right_logical3A_429 : vector<104x1024xi32>
      %or3A_431 = arith.ori %shift_left3A_427, %shift_right_logical3A_430 : vector<104x1024xi32>
      %xor3A_432 = arith.xori %or3A_431, %add3A_424 : vector<104x1024xi32>
      %add3A_433 = arith.addi %add3A_424, %xor3A_432 : vector<104x1024xi32>
      %shift_left3A_434 = arith.constant 6 : i32
      %shift_left3A_435 = vector.broadcast %shift_left3A_434 : i32 to vector<104x1024xi32>
      %shift_left3A_436 = arith.shli %xor3A_432, %shift_left3A_435 : vector<104x1024xi32>
      %shift_right_logical3A_437 = arith.constant 26 : i32
      %shift_right_logical3A_438 = vector.broadcast %shift_right_logical3A_437 : i32 to vector<104x1024xi32>
      %shift_right_logical3A_439 = arith.shrui %xor3A_432, %shift_right_logical3A_438 : vector<104x1024xi32>
      %or3A_440 = arith.ori %shift_left3A_436, %shift_right_logical3A_439 : vector<104x1024xi32>
      %xor3A_441 = arith.xori %or3A_440, %add3A_433 : vector<104x1024xi32>
      %add3A_442 = arith.constant 45 : i32
      %add3A_443 = vector.broadcast %add3A_442 : i32 to vector<104x1024xi32>
      %add3A_444 = arith.addi %xor3A_441, %add3A_443 : vector<104x1024xi32>
      %add3A_445 = arith.addi %add3A_433, %add3A_444 : vector<104x1024xi32>
      %shift_left3A_446 = arith.constant 17 : i32
      %shift_left3A_447 = vector.broadcast %shift_left3A_446 : i32 to vector<104x1024xi32>
      %shift_left3A_448 = arith.shli %add3A_444, %shift_left3A_447 : vector<104x1024xi32>
      %shift_right_logical3A_449 = arith.constant 15 : i32
      %shift_right_logical3A_450 = vector.broadcast %shift_right_logical3A_449 : i32 to vector<104x1024xi32>
      %shift_right_logical3A_451 = arith.shrui %add3A_444, %shift_right_logical3A_450 : vector<104x1024xi32>
      %or3A_452 = arith.ori %shift_left3A_448, %shift_right_logical3A_451 : vector<104x1024xi32>
      %xor3A_453 = arith.xori %or3A_452, %add3A_445 : vector<104x1024xi32>
      %add3A_454 = arith.addi %add3A_445, %xor3A_453 : vector<104x1024xi32>
      %shift_left3A_455 = arith.constant 29 : i32
      %shift_left3A_456 = vector.broadcast %shift_left3A_455 : i32 to vector<104x1024xi32>
      %shift_left3A_457 = arith.shli %xor3A_453, %shift_left3A_456 : vector<104x1024xi32>
      %shift_right_logical3A_458 = arith.constant 3 : i32
      %shift_right_logical3A_459 = vector.broadcast %shift_right_logical3A_458 : i32 to vector<104x1024xi32>
      %shift_right_logical3A_460 = arith.shrui %xor3A_453, %shift_right_logical3A_459 : vector<104x1024xi32>
      %or3A_461 = arith.ori %shift_left3A_457, %shift_right_logical3A_460 : vector<104x1024xi32>
      %xor3A_462 = arith.xori %or3A_461, %add3A_454 : vector<104x1024xi32>
      %add3A_463 = arith.addi %add3A_454, %xor3A_462 : vector<104x1024xi32>
      %shift_left3A_464 = arith.constant 16 : i32
      %shift_left3A_465 = vector.broadcast %shift_left3A_464 : i32 to vector<104x1024xi32>
      %shift_left3A_466 = arith.shli %xor3A_462, %shift_left3A_465 : vector<104x1024xi32>
      %shift_right_logical3A_467 = arith.constant 16 : i32
      %shift_right_logical3A_468 = vector.broadcast %shift_right_logical3A_467 : i32 to vector<104x1024xi32>
      %shift_right_logical3A_469 = arith.shrui %xor3A_462, %shift_right_logical3A_468 : vector<104x1024xi32>
      %or3A_470 = arith.ori %shift_left3A_466, %shift_right_logical3A_469 : vector<104x1024xi32>
      %xor3A_471 = arith.xori %or3A_470, %add3A_463 : vector<104x1024xi32>
      %add3A_472 = arith.addi %add3A_463, %xor3A_471 : vector<104x1024xi32>
      %shift_left3A_473 = arith.constant 24 : i32
      %shift_left3A_474 = vector.broadcast %shift_left3A_473 : i32 to vector<104x1024xi32>
      %shift_left3A_475 = arith.shli %xor3A_471, %shift_left3A_474 : vector<104x1024xi32>
      %shift_right_logical3A_476 = arith.constant 8 : i32
      %shift_right_logical3A_477 = vector.broadcast %shift_right_logical3A_476 : i32 to vector<104x1024xi32>
      %shift_right_logical3A_478 = arith.shrui %xor3A_471, %shift_right_logical3A_477 : vector<104x1024xi32>
      %or3A_479 = arith.ori %shift_left3A_475, %shift_right_logical3A_478 : vector<104x1024xi32>
      %xor3A_480 = arith.xori %or3A_479, %add3A_472 : vector<104x1024xi32>
      %add3A_481 = arith.constant 42 : i32
      %add3A_482 = vector.broadcast %add3A_481 : i32 to vector<104x1024xi32>
      %add3A_483 = arith.addi %add3A_472, %add3A_482 : vector<104x1024xi32>
      %add3A_484 = arith.constant 466689012 : i32
      %add3A_485 = vector.broadcast %add3A_484 : i32 to vector<104x1024xi32>
      %add3A_486 = arith.addi %xor3A_480, %add3A_485 : vector<104x1024xi32>
      %add3A_487 = arith.addi %add3A_483, %add3A_486 : vector<104x1024xi32>
      %shift_left3A_488 = arith.constant 13 : i32
      %shift_left3A_489 = vector.broadcast %shift_left3A_488 : i32 to vector<104x1024xi32>
      %shift_left3A_490 = arith.shli %add3A_486, %shift_left3A_489 : vector<104x1024xi32>
      %shift_right_logical3A_491 = arith.constant 19 : i32
      %shift_right_logical3A_492 = vector.broadcast %shift_right_logical3A_491 : i32 to vector<104x1024xi32>
      %shift_right_logical3A_493 = arith.shrui %add3A_486, %shift_right_logical3A_492 : vector<104x1024xi32>
      %or3A_494 = arith.ori %shift_left3A_490, %shift_right_logical3A_493 : vector<104x1024xi32>
      %xor3A_495 = arith.xori %or3A_494, %add3A_487 : vector<104x1024xi32>
      %add3A_496 = arith.addi %add3A_487, %xor3A_495 : vector<104x1024xi32>
      %shift_left3A_497 = arith.constant 15 : i32
      %shift_left3A_498 = vector.broadcast %shift_left3A_497 : i32 to vector<104x1024xi32>
      %shift_left3A_499 = arith.shli %xor3A_495, %shift_left3A_498 : vector<104x1024xi32>
      %shift_right_logical3A_500 = arith.constant 17 : i32
      %shift_right_logical3A_501 = vector.broadcast %shift_right_logical3A_500 : i32 to vector<104x1024xi32>
      %shift_right_logical3A_502 = arith.shrui %xor3A_495, %shift_right_logical3A_501 : vector<104x1024xi32>
      %or3A_503 = arith.ori %shift_left3A_499, %shift_right_logical3A_502 : vector<104x1024xi32>
      %xor3A_504 = arith.xori %or3A_503, %add3A_496 : vector<104x1024xi32>
      %add3A_505 = arith.addi %add3A_496, %xor3A_504 : vector<104x1024xi32>
      %shift_left3A_506 = arith.constant 26 : i32
      %shift_left3A_507 = vector.broadcast %shift_left3A_506 : i32 to vector<104x1024xi32>
      %shift_left3A_508 = arith.shli %xor3A_504, %shift_left3A_507 : vector<104x1024xi32>
      %shift_right_logical3A_509 = arith.constant 6 : i32
      %shift_right_logical3A_510 = vector.broadcast %shift_right_logical3A_509 : i32 to vector<104x1024xi32>
      %shift_right_logical3A_511 = arith.shrui %xor3A_504, %shift_right_logical3A_510 : vector<104x1024xi32>
      %or3A_512 = arith.ori %shift_left3A_508, %shift_right_logical3A_511 : vector<104x1024xi32>
      %xor3A_513 = arith.xori %or3A_512, %add3A_505 : vector<104x1024xi32>
      %add3A_514 = arith.addi %add3A_505, %xor3A_513 : vector<104x1024xi32>
      %shift_left3A_515 = arith.constant 6 : i32
      %shift_left3A_516 = vector.broadcast %shift_left3A_515 : i32 to vector<104x1024xi32>
      %shift_left3A_517 = arith.shli %xor3A_513, %shift_left3A_516 : vector<104x1024xi32>
      %shift_right_logical3A_518 = arith.constant 26 : i32
      %shift_right_logical3A_519 = vector.broadcast %shift_right_logical3A_518 : i32 to vector<104x1024xi32>
      %shift_right_logical3A_520 = arith.shrui %xor3A_513, %shift_right_logical3A_519 : vector<104x1024xi32>
      %or3A_521 = arith.ori %shift_left3A_517, %shift_right_logical3A_520 : vector<104x1024xi32>
      %xor3A_522 = arith.xori %or3A_521, %add3A_514 : vector<104x1024xi32>
      %add3A_523 = arith.constant 466689008 : i32
      %add3A_524 = vector.broadcast %add3A_523 : i32 to vector<104x1024xi32>
      %add3A_525 = arith.addi %add3A_514, %add3A_524 : vector<104x1024xi32>
      %add3A_526 = arith.constant 5 : i32
      %add3A_527 = vector.broadcast %add3A_526 : i32 to vector<104x1024xi32>
      %add3A_528 = arith.addi %xor3A_522, %add3A_527 : vector<104x1024xi32>
      %xor3A_529 = arith.xori %add3A_525, %add3A_528 : vector<104x1024xi32>
      %shift_right_logical3A_530 = arith.constant 9 : i32
      %shift_right_logical3A_531 = vector.broadcast %shift_right_logical3A_530 : i32 to vector<104x1024xi32>
      %shift_right_logical3A_532 = arith.shrui %xor3A_529, %shift_right_logical3A_531 : vector<104x1024xi32>
      %jit3A_533 = arith.constant -1 : i32
      %broadcast_in_dim3A_534 = vector.shape_cast %and3A_307 : vector<1x1024xi1> to vector<1x1024xi1>
      %broadcast_in_dim3A_535 = vector.broadcast %broadcast_in_dim3A_534 : vector<1x1024xi1> to vector<104x1024xi1>
      %broadcast_in_dim3A_536 = vector.broadcast %jit3A_533 : i32 to vector<104x1024xi32>
      %select_n3A_537 = arith.select %broadcast_in_dim3A_535, %shift_right_logical3A_532, %broadcast_in_dim3A_536 : vector<104x1024xi1>, vector<104x1024xi32>
      %reduce_max3A_538 = arith.constant dense<-2147483648> : vector<104xi32>
      %reduce_max3A_539 = vector.multi_reduction <maxsi>, %select_n3A_537, %reduce_max3A_538 [1] : vector<104x1024xi32> to vector<104xi32>
      %broadcast_in_dim3A_540 = vector.shape_cast %reduce_max3A_539 : vector<104xi32> to vector<104x1xi32>
      %eq3A_541 = vector.broadcast %broadcast_in_dim3A_540 : vector<104x1xi32> to vector<104x1024xi32>
      %eq3A_542 = arith.cmpi eq, %select_n3A_537, %eq3A_541 : vector<104x1024xi32>
      %jit3A_543 = arith.constant 1073741824 : i32
      %broadcast_in_dim3A_544 = vector.shape_cast %add3A_283 : vector<1x1024xi32> to vector<1x1024xi32>
      %broadcast_in_dim3A_545 = vector.broadcast %broadcast_in_dim3A_544 : vector<1x1024xi32> to vector<104x1024xi32>
      %broadcast_in_dim3A_546 = vector.broadcast %jit3A_543 : i32 to vector<104x1024xi32>
      %select_n3A_547 = arith.select %eq3A_542, %broadcast_in_dim3A_545, %broadcast_in_dim3A_546 : vector<104x1024xi1>, vector<104x1024xi32>
      %reduce_min3A_548 = arith.constant dense<2147483647> : vector<104xi32>
      %reduce_min3A_549 = vector.multi_reduction <minsi>, %select_n3A_547, %reduce_min3A_548 [1] : vector<104x1024xi32> to vector<104xi32>
      %broadcast_in_dim3A_550 = vector.shape_cast %reduce_min3A_549 : vector<104xi32> to vector<104x1xi32>
      %gt3A_551 = arith.cmpi sgt, %broadcast_in_dim3A_540, %select_n3A_275 : vector<104x1xi32>
      %select_n3A_552 = arith.select %gt3A_551, %broadcast_in_dim3A_540, %select_n3A_275 : vector<104x1xi1>, vector<104x1xi32>
      %select_n3A_553 = arith.select %gt3A_551, %broadcast_in_dim3A_550, %select_n3A_276 : vector<104x1xi1>, vector<104x1xi32>
      scf.yield %select_n3A_552, %select_n3A_553 : vector<104x1xi32>, vector<104x1xi32>
    }
    %scan3A_11 = arith.constant 98 : i32
    %swap3A = arith.constant 0 : index
    %swap3A_12 = arith.constant 0 : index
    %swap3A_13 = arith.constant 0 : index
    %swap3A_14 = vector.load %arg4[%swap3A, %swap3A_12, %swap3A_13] : memref<1x104x1xi32, #tpu.memory_space<vmem>>, vector<1x104x1xi32>
    %swap3A_15 = vector.shape_cast %swap3A_14 : vector<1x104x1xi32> to vector<104x1xi32>
    %swap3A_16 = vector.shape_cast %scan3A_10#1 : vector<104x1xi32> to vector<1x104x1xi32>
    tpu.vector_store %arg4[%swap3A, %swap3A_12, %swap3A_13], %swap3A_16 {strides = array<i32>} : memref<1x104x1xi32, #tpu.memory_space<vmem>>, vector<1x104x1xi32>,
    return
  }
  func.func @transform_0(%arg0: i32) -> (i32, i32, i32) {
    %c0_i32 = arith.constant 0 : i32
    %c0_i32_0 = arith.constant 0 : i32
    %c0_i32_1 = arith.constant 0 : i32
    return %arg0, %c0_i32, %c0_i32_0 : i32, i32, i32
  }
  func.func @transform_1(%arg0: i32) -> (i32, i32, i32) {
    %c0_i32 = arith.constant 0 : i32
    %c0_i32_0 = arith.constant 0 : i32
    %c0_i32_1 = arith.constant 0 : i32
    return %arg0, %c0_i32, %c0_i32_0 : i32, i32, i32
  }
  func.func @transform_2(%arg0: i32) -> (i32, i32, i32) {
    %c0_i32 = arith.constant 0 : i32
    %c0_i32_0 = arith.constant 0 : i32
    %c0_i32_1 = arith.constant 0 : i32
    return %arg0, %c0_i32, %c0_i32_0 : i32, i32, i32
  }
  func.func @transform_3(%arg0: i32) -> (i32, i32, i32) {
    %c0_i32 = arith.constant 0 : i32
    %c0_i32_0 = arith.constant 0 : i32
    %c0_i32_1 = arith.constant 0 : i32
    return %arg0, %c0_i32, %c0_i32_0 : i32, i32, i32
  }
}

module attributes {stable_mosaic.version = 14 : i64} {
  func.func @body(%arg0: i32, %arg1: memref<512x64xf32, #tpu.memory_space<vmem>>, %arg2: memref<512x64xf32, #tpu.memory_space<vmem>>, %arg3: memref<512x128xf32, #tpu.memory_space<vmem>>, %arg4: memref<512x1xi32, #tpu.memory_space<vmem>>, %arg5: memref<512x3xf32, #tpu.memory_space<vmem>>) attributes {dimension_semantics = [#tpu.dimension_semantics<arbitrary>], iteration_bounds = array<i64: 100>, scalar_prefetch = 0 : i64, scratch_operands = 0 : i64, tpu.core_type = #tpu.core_type<tc>, window_params = [{transform_indices = @transform_0, window_bounds = array<i64: 512, 64>}, {transform_indices = @transform_1, window_bounds = array<i64: 512, 64>}, {transform_indices = @transform_2, window_bounds = array<i64: 512, 128>}, {transform_indices = @transform_3, window_bounds = array<i64: 512, 1>}, {transform_indices = @transform_4, window_bounds = array<i64: 512, 3>}]} {
    %get3A = arith.constant 0 : index
    %get3A_0 = arith.constant 0 : index
    %get3A_1 = vector.load %arg1[%get3A, %get3A_0] : memref<512x64xf32, #tpu.memory_space<vmem>>, vector<512x64xf32>
    %get3A_2 = arith.constant 0 : index
    %get3A_3 = arith.constant 0 : index
    %get3A_4 = vector.load %arg2[%get3A_2, %get3A_3] : memref<512x64xf32, #tpu.memory_space<vmem>>, vector<512x64xf32>
    %mul3A = arith.mulf %get3A_1, %get3A_4 : vector<512x64xf32>
    %reduce_sum3A = arith.constant dense<0.000000e+00> : vector<512xf32>
    %reduce_sum3A_5 = vector.multi_reduction <add>, %mul3A, %reduce_sum3A [1] : vector<512x64xf32> to vector<512xf32>
    %broadcast_in_dim3A = vector.shape_cast %reduce_sum3A_5 : vector<512xf32> to vector<512x1xf32>
    %get3A_6 = arith.constant 0 : index
    %get3A_7 = arith.constant 0 : index
    %get3A_8 = vector.load %arg3[%get3A_6, %get3A_7] : memref<512x128xf32, #tpu.memory_space<vmem>>, vector<512x128xf32>
    %slice3A = vector.extract_strided_slice %get3A_8 {offsets = [0, 0], sizes = [512, 64], strides = [1, 1]} : vector<512x128xf32> to vector<512x64xf32>
    %mul3A_9 = arith.mulf %get3A_1, %slice3A : vector<512x64xf32>
    %reduce_sum3A_10 = arith.constant dense<0.000000e+00> : vector<512xf32>
    %reduce_sum3A_11 = vector.multi_reduction <add>, %mul3A_9, %reduce_sum3A_10 [1] : vector<512x64xf32> to vector<512xf32>
    %broadcast_in_dim3A_12 = vector.shape_cast %reduce_sum3A_11 : vector<512xf32> to vector<512x1xf32>
    %slice3A_13 = vector.extract_strided_slice %get3A_8 {offsets = [0, 64], sizes = [512, 64], strides = [1, 1]} : vector<512x128xf32> to vector<512x64xf32>
    %mul3A_14 = arith.mulf %get3A_1, %slice3A_13 : vector<512x64xf32>
    %reduce_sum3A_15 = arith.constant dense<0.000000e+00> : vector<512xf32>
    %reduce_sum3A_16 = vector.multi_reduction <add>, %mul3A_14, %reduce_sum3A_15 [1] : vector<512x64xf32> to vector<512xf32>
    %broadcast_in_dim3A_17 = vector.shape_cast %reduce_sum3A_16 : vector<512xf32> to vector<512x1xf32>
    %get3A_18 = arith.constant 0 : index
    %get3A_19 = arith.constant 0 : index
    %get3A_20 = vector.load %arg4[%get3A_18, %get3A_19] : memref<512x1xi32, #tpu.memory_space<vmem>>, vector<512x1xi32>
    %eq3A = arith.constant 0 : i32
    %eq3A_21 = vector.broadcast %eq3A : i32 to vector<512x1xi32>
    %eq3A_22 = arith.cmpi eq, %get3A_20, %eq3A_21 : vector<512x1xi32>
    %jit3A = arith.constant 0xFF800000 : f32
    %broadcast_in_dim3A_23 = vector.broadcast %jit3A : f32 to vector<512x1xf32>
    %select_n3A = arith.select %eq3A_22, %broadcast_in_dim3A_23, %broadcast_in_dim3A : vector<512x1xi1>, vector<512x1xf32>
    %swap3A = arith.constant 0 : index
    %swap3A_24 = arith.constant 0 : index
    %swap3A_25 = vector.load %arg5[%swap3A, %swap3A_24] : memref<512x3xf32, #tpu.memory_space<vmem>>, vector<512x1xf32>
    tpu.vector_store %arg5[%swap3A, %swap3A_24], %select_n3A {strides = array<i32>} : memref<512x3xf32, #tpu.memory_space<vmem>>, vector<512x1xf32>,
    %swap3A_26 = arith.constant 0 : index
    %swap3A_27 = arith.constant 1 : index
    %swap3A_28 = vector.load %arg5[%swap3A_26, %swap3A_27] : memref<512x3xf32, #tpu.memory_space<vmem>>, vector<512x1xf32>
    tpu.vector_store %arg5[%swap3A_26, %swap3A_27], %broadcast_in_dim3A_12 {strides = array<i32>} : memref<512x3xf32, #tpu.memory_space<vmem>>, vector<512x1xf32>,
    %swap3A_29 = arith.constant 0 : index
    %swap3A_30 = arith.constant 2 : index
    %swap3A_31 = vector.load %arg5[%swap3A_29, %swap3A_30] : memref<512x3xf32, #tpu.memory_space<vmem>>, vector<512x1xf32>
    tpu.vector_store %arg5[%swap3A_29, %swap3A_30], %broadcast_in_dim3A_17 {strides = array<i32>} : memref<512x3xf32, #tpu.memory_space<vmem>>, vector<512x1xf32>,
    return
  }
  func.func @transform_0(%arg0: i32) -> (i32, i32) {
    %c0_i32 = arith.constant 0 : i32
    %c0_i32_0 = arith.constant 0 : i32
    return %arg0, %c0_i32 : i32, i32
  }
  func.func @transform_1(%arg0: i32) -> (i32, i32) {
    %c0_i32 = arith.constant 0 : i32
    %c0_i32_0 = arith.constant 0 : i32
    return %arg0, %c0_i32 : i32, i32
  }
  func.func @transform_2(%arg0: i32) -> (i32, i32) {
    %c0_i32 = arith.constant 0 : i32
    %c0_i32_0 = arith.constant 0 : i32
    return %arg0, %c0_i32 : i32, i32
  }
  func.func @transform_3(%arg0: i32) -> (i32, i32) {
    %c0_i32 = arith.constant 0 : i32
    %c0_i32_0 = arith.constant 0 : i32
    return %arg0, %c0_i32 : i32, i32
  }
  func.func @transform_4(%arg0: i32) -> (i32, i32) {
    %c0_i32 = arith.constant 0 : i32
    %c0_i32_0 = arith.constant 0 : i32
    return %arg0, %c0_i32 : i32, i32
  }
}

</mosaic_0001>

<sc_bundles>
// kernel: kernel.6.cloned.1.call-start
scs
__scs_entry_jumppad:
0x0: {  	(pc) =	sbr.rel $0x88, $3  }
0x1: {  	(tag) =	ssettag $0x0;
	lr =	simm.s32 $0x1  }
0x2: {  	[smem:$0x3F9D] =	sst lr;
	_ =	strace $0xD0000000  }
0x3: {  	_ = 	snop  }
0x4: {  	_ = 	snop  }
0x5: {  	_ = 	snop  }
0x6: {  	_ = 	snop  }
0x7: {  	_ = 	snop  }
__scs_overlays_trampoline_lowered:
0x8: {  	[smem:$0x3FAC] =	sst s0  }
0x9: {  	[smem:$0x3FAD] =	sst s1  }
0xa: {  	[smem:$0x3FAE] =	sst s2  }
0xb: {  	[smem:$0x3FAF] =	sst s3  }
0xc: {  	[smem:$0x3FB0] =	sst s4  }
0xd: {  	[smem:$0x3FB1] =	sst s5  }
0xe: {  	[smem:$0x3FB2] =	sst s6  }
0xf: {  	[smem:$0x3FB3] =	sst s7  }
0x10: {  	[smem:$0x3FB4] =	sst s8  }
0x11: {  	[smem:$0x3FB5] =	sst s9;
	s0 =	simm.s32 @!p0 $0x0  }
0x12: {  	s1 =	sld [smem:$0x3F9B];
	s0 =	simm.s32 @p0 $0x1  }
0x13: {  	[smem:$0x3FB6] =	sst s0;
	s0 =	simm.s32 @!p1 $0x0  }
0x14: {  	s2 =	sld [smem:$0x3F9A];
	s0 =	simm.s32 @p1 $0x1  }
0x15: {  	[smem:$0x3FB7] =	sst s0;
	s0 =	simm.s32 @!p2 $0x0  }
0x16: {  	s3 =	sld [smem:$0x3FDB];
	s0 =	simm.s32 @p2 $0x1  }
0x17: {  	s4 =	simm.s32 $0x1BF5;
	[smem:$0x3FB9] =	sst s0  }
0x18: {  	s0 =	sld [smem:$0x3F9C];
	_ =	swait.ge [sflag:s4], $0x0  }
0x19: {  	s7 =	sld [smem:$0x3F9D]  }
0x1a: {  	s8 =	sadd.s32 $0xFFFFE003, lr  }
0x1b: {  	s9 =	sadd.s32 $0xFFFFFEF7, lr;
	s5 =	simm.s32 $0xFFFFFFFF;
	p2 =	slt.u32 s8, $0xFFFFF086  }
0x1c: {  	p1 =	slt.u32 s9, $0xF7A;
	s5 =	simm.s32 @!p2 $0x0  }
0x1d: {  	s5 =	simm.s32 @p1 $0x1;
	p0 =	seq.s32 s7, s2  }
0x1e: {  	s7 =	smul.u32 @!p0 $0xF7A, s2;
	p2 =	seq.s32 @!p0 s5, $0x0  }
0x1f: {  	s9 =	smul.u32 $0xF7A, s1;
	s8 =	simm.s32 @!p0 $0x1BF5;
	p2 =	por !p2, p0  }
0x20: {  	[sflag:s8] =	ssyncset.s32 @!p0 $0xFFFFF086;
	s6 =	sadd.s32 @!p0 s3, s7;
	s7 =	simm.s32 @!p0 $0x108  }
0x21: {  	s3 =	sadd.s32 s3, s9;
	s6 =	sadd.s32 @!p0 $0x88, s6;
	s7 =	simm.s32 @p2 $0x1082  }
0x22: {  	[simem:s7], [sflag:s8] =	dma.local @!p0 [hbm:s6], $0xF7A  }
0x23: {  	s9 =	sor.u32 $0xD0000000, s2;
	s6 =	simm.s32 $0x108;
	_ =	swait.ge @!p0 [sflag:s8], $0x0  }
0x24: {  	s3 =	sadd.s32 $0x88, s3;
	s6 =	simm.s32 @!p1 $0x1082;
	[sflag:s4] =	ssyncset.s32 $0xFFFFF086  }
0x25: {  	[simem:s6], [sflag:s4] =	dma.local [hbm:s3], $0xF7A  }
0x26: {  	[smem:$0x3F9D] =	sst s1;
	(tag) =	ssettag s2;
	_ =	strace s9  }
0x27: {  	s1 =	sld [smem:$0x3FAD]  }
0x28: {  	s2 =	sld [smem:$0x3FAE]  }
0x29: {  	s4 =	sld [smem:$0x3FB0]  }
0x2a: {  	p0 =	seq.s32 s5, $0x0;
	s5 =	sld [smem:$0x3FB1]  }
0x2b: {  	s6 =	sld [smem:$0x3FB2]  }
0x2c: {  	s7 =	sld [smem:$0x3FB3]  }
0x2d: {  	s3 =	simm.s32 $0x108;
	s8 =	sld [smem:$0x3FB4]  }
0x2e: {  	s3 =	simm.s32 @!p0 $0x1082;
	s9 =	sld [smem:$0x3FB5]  }
0x2f: {  	lr =	sadd.s32 s0, s3;
	s0 =	sld [smem:$0x3FAC]  }
0x30: {  	s3 =	sld [smem:$0x3FAF]  }
0x31: {  	[smem:$0x3FB8] =	sst s10  }
0x32: {  	s10 =	sld [smem:$0x3FB6];
	_ =	sdelay $0x3  }
0x33: {  	p0 =	seq.s32 s10, $0x1;
	s10 =	sld [smem:$0x3FB8];
	_ =	sdelay $0x3  }
0x34: {  	[smem:$0x3FB8] =	sst s10  }
0x35: {  	s10 =	sld [smem:$0x3FB7];
	_ =	sdelay $0x3  }
0x36: {  	p1 =	seq.s32 s10, $0x1;
	s10 =	sld [smem:$0x3FB8];
	_ =	sdelay $0x3  }
0x37: {  	[smem:$0x3FB8] =	sst s10  }
0x38: {  	s10 =	sld [smem:$0x3FB9]  }
0x39: {  	_ = 	snop;
	(pc) =	sbr.ind lr, $3  }
0x3a: {  	_ = 	snop  }
0x3b: {  	_ = 	snop  }
0x3c: {  	p2 =	seq.s32 s10, $0x1;
	s10 =	sld [smem:$0x3FB8]  }
0x3d: {  	_ =	shalt  }
0x3e: {  	_ =	shalt  }
0x3f: {  	_ =	shalt  }
0x40: {  	_ =	shalt  }
0x41: {  	_ =	shalt  }
0x42: {  	_ =	shalt  }
0x43: {  	_ =	shalt  }
0x44: {  	_ =	shalt  }
0x45: {  	_ =	shalt  }
0x46: {  	_ =	shalt  }
0x47: {  	_ =	shalt  }
0x48: {  	_ =	shalt  }
0x49: {  	_ =	shalt  }
0x4a: {  	_ =	shalt  }
0x4b: {  	_ =	shalt  }
0x4c: {  	_ =	shalt  }
0x4d: {  	_ =	shalt  }
0x4e: {  	_ =	shalt  }
0x4f: {  	_ =	shalt  }
0x50: {  	_ =	shalt  }
0x51: {  	_ =	shalt  }
0x52: {  	_ =	shalt  }
0x53: {  	_ =	shalt  }
0x54: {  	_ =	shalt  }
0x55: {  	_ =	shalt  }
0x56: {  	_ =	shalt  }
0x57: {  	_ =	shalt  }
0x58: {  	_ =	shalt  }
0x59: {  	_ =	shalt  }
0x5a: {  	_ =	shalt  }
0x5b: {  	_ =	shalt  }
0x5c: {  	_ =	shalt  }
0x5d: {  	_ =	shalt  }
0x5e: {  	_ =	shalt  }
0x5f: {  	_ =	shalt  }
0x60: {  	_ =	shalt  }
0x61: {  	_ =	shalt  }
0x62: {  	_ =	shalt  }
0x63: {  	_ =	shalt  }
0x64: {  	_ =	shalt  }
0x65: {  	_ =	shalt  }
0x66: {  	_ =	shalt  }
0x67: {  	_ =	shalt  }
0x68: {  	_ =	shalt  }
0x69: {  	_ =	shalt  }
0x6a: {  	_ =	shalt  }
0x6b: {  	_ =	shalt  }
0x6c: {  	_ =	shalt  }
0x6d: {  	_ =	shalt  }
0x6e: {  	_ =	shalt  }
0x6f: {  	_ =	shalt  }
0x70: {  	_ =	shalt  }
0x71: {  	_ =	shalt  }
0x72: {  	_ =	shalt  }
0x73: {  	_ =	shalt  }
0x74: {  	_ =	shalt  }
0x75: {  	_ =	shalt  }
0x76: {  	_ =	shalt  }
0x77: {  	_ =	shalt  }
0x78: {  	_ =	shalt  }
0x79: {  	_ =	shalt  }
0x7a: {  	_ =	shalt  }
0x7b: {  	_ =	shalt  }
0x7c: {  	_ =	shalt  }
0x7d: {  	_ =	shalt  }
0x7e: {  	_ =	shalt  }
0x7f: {  	_ =	shalt  }
0x80: {  	_ =	shalt  }
0x81: {  	_ =	shalt  }
0x82: {  	_ =	shalt  }
0x83: {  	_ =	shalt  }
0x84: {  	_ =	shalt  }
0x85: {  	_ =	shalt  }
0x86: {  	_ =	shalt  }
0x87: {  	_ =	shalt  }
.Lfunc_end0:
.L_simem_size_0:
called_computation_lowered:
.L_overlay_start_0:
0x88: {  	s2 =	sld [smem:$0x3FD9]  }
0x89: {  	s3 =	sld [smem:$0x3FFE];
	_ =	sdelay $0x1  }
0x8a: {  	s1 =	srdreg.scid  }
0x8b: {  	s0 =	sand.u32 $0x1, s1  }
0x8c: {  	s17 =	sshll.u32 s0, $0xA;
	s2 =	sadd.s32 s3, s2  }
0x8d: {  	s2 =	sadd.s32 s2, s17  }
0x8e: {  	[smem:$0x3FC4] =	sst s2  }
0x8f: {  	_ = 	snop  }
0x90: {  	s2 =	sld [smem:$0x3FD0];
	(tm) =	ssettm $0x1  }
0x91: {  	s18 =	sld [smem:$0x3FFB];
	_ =	sdelay $0x3  }
0x92: {  	_ =	strace s18  }
0x93: {  	s3 =	sld [smem:$0x3FFC];
	_ =	sdelay $0x3  }
0x94: {  	_ =	strace s3  }
0x95: {  	s3 =	sld [smem:$0x3FFD];
	_ =	sdelay $0x3  }
0x96: {  	_ =	strace s3  }
0x97: {  	_ =	strace $0x8FFFFFFF  }
0x98: {  	s19 =	sld [smem:$0x3FDB];
	_ =	sdelay $0x1  }
0x99: {  	s4 =	simm.s32 $_scs_section_size  }
0x9a: {  	s5 =	simm.s32 $_size__tile_overlayer_lowered;
	s6 =	simm.s32 $_tile_overlayer_lowered  }
0x9b: {  	s22 =	simm.s32 $0x1BFF;
	s21 =	sshll.u32 s6, $0x1;
	s3 =	sadd.s32 s4, s19  }
0x9c: {  	s7 =	simm.s32 $0x0;
	s20 =	sshll.u32 s5, $0x1;
	s5 =	sadd.s32 s21, s3  }
0x9d: {  	[timem:s7], [sflag:s22] =	dma.local [hbm:s5], s20  }
0x9e: {  	_ =	swait.ge [sflag:s22], s20  }
0x9f: {  	s4 =	ssub.s32 $0x0, s20;
	[sflag:s22] =	ssyncset.done $0x0  }
0xa0: {  	[sflag:s22] =	ssyncadd.s32 s4;
	_ =	sdelay $0x1  }
0xa1: {  	s23 =	simm.s32 $0x1B8B  }
0xa2: {  	_ =	swait.ge [sflag:s23], $0x1  }
0xa3: {  	[sflag:s23] =	ssyncset.done $0x0  }
0xa4: {  	s25 =	simm.s32 $0x1B8E;
	s24 =	sld [smem:$0x3FFE];
	[sflag:s23] =	ssyncadd.s32 $0xFFFFFFFF  }
0xa5: {  	s26 =	simm.s32 $execute0_lowered;
	[smem:$0x3FD2] =	sst s25  }
0xa6: {  	s5 =	sshll.u32 s26, $0x1;
	_ =	strace $0x80000046;
	[dreg:$0x1] =	wrdreg $0xFFFFFFFF  }
0xa7: {  	s28 =	simm.s32 $_size_execute0_lowered;
	s3 =	sadd.s32 s3, s5;
	[dreg:$0x0] =	wrdreg $0x0  }
0xa8: {  	s5 =	sshll.u32 s28, $0x1;
	[dreg:$0x2] =	wrdreg s3  }
0xa9: {  	[dreg:$0x3] =	wrdreg s5  }
0xaa: {  	[dreg:$0x4] =	wrdreg $0xC0  }
0xab: {  	_ =	task [dreg:s7], $0x5FFFF  }
0xac: {  	[dreg:$0x1] =	wrdreg $0xFFFFFFFF  }
0xad: {  	[dreg:$0x0] =	wrdreg $0x60  }
0xae: {  	[dreg:$0x2] =	wrdreg s24  }
0xaf: {  	[dreg:$0x3] =	wrdreg s2  }
0xb0: {  	[dreg:$0x4] =	wrdreg $0x9  }
0xb1: {  	_ =	task.clear_ibuf [dreg:s7], $0x5FFFF;
	_ =	strace $0x90000046  }
0xb2: {  	s29 =	simm.s32 $0x9;
	_ =	strace $0x80000048  }
0xb3: {  	_ =	swait.ge [sflag:s29], $0x1  }
0xb4: {  	[sflag:s29] =	ssyncadd.s32 $0xFFFFFFFF  }
0xb5: {  	_ =	strace $0x90000048  }
0xb6: {  	_ =	sfence  }
0xb7: {  	s30 =	sld [smem:$0x0];
	_ =	sdelay $0x2  }
0xb8: {  	s31 =	sshll.u32 s1, $0xD;
	s1 =	sshrl.u32 s1, $0x2  }
0xb9: {  	s3 =	sand.u32 $0x4000, s31;
	s1 =	sadd.s32 s1, s30  }
0xba: {  	s0 =	sor.u32 s3, s0;
	s1 =	sshll.u32 s1, $0x11  }
0xbb: {  	s0 =	sor.u32 s1, s0  }
0xbc: {  	s0 =	sadd.s32 $0x8F2B, s0  }
0xbd: {  	[sflag:s0] =	ssyncadd.remote.s32 $0x1  }
0xbe: {  	_ =	sfence.sel $0xFFFF  }
0xbf: {  	[dreg:$0x0] =	wrdreg $0xFFFFFFFF;
	(pc) =	sbr.abs _section_cstart, $3  }
0xc0: {  	[dreg:$0x1] =	wrdreg $0xFFFFFFFF  }
0xc1: {  	_ =	task.clear_ibuf [dreg:s7], $0x2FFFF;
	_ =	strace $0x9FFFFFFF  }
0xc2: {  	(tm) =	ssettm $0x7FFFFFFF  }
0xc3: {  	_ =	shalt  }
tec
execute0_lowered:
.L_overlay_start_1:
0x0: {  	(tag) =	ssettag $0x1  }
0x1: {  	s5 =	rddreg [dreg:$0x0]  }
0x2: {  	s1 =	rddreg [dreg:$0x1]  }
0x3: {  	s0 =	rddreg [dreg:$0x2];
	s2 =	simm.s32 $0x0  }
0x4: {  	s3 =	srdreg.scid;
	s10 =	simm.s32 $0x186E0;
	s11 =	simm.s32 $0x0  }
0x5: {  	[smem:$0x7FF] =	sst s2;
	s6 =	sand.u32 $0x1, s3;
	s3 =	stileid.u32  }
0x6: {  	s4 =	sadd.s32 $0xC00, s5;
	s5 =	sadd.s32 $0x1600, s5;
	s7 =	ssub.s32 $0x2, s6  }
0x7: {  	_ =	strace $0x80000047;
	s9 =	sshll.u32 s3, $0x1;
	s8 =	sshrl.u32 s7, $0x1  }
0x8: {  	s6 =	sor.u32 s6, s9;
	s9 =	simm.s32 $0x40;
	s7 =	ssub.s32 s7, s8  }
0x9: {  	v0 =	vimm.s32 $0x0;
	s6 =	smul.u32 $0x9, s6;
	s8 =	simm.s32 $0x1;
	s7 =	smax.u32 s7, $0x1  }
.LBB2_1:
0xa: {  	s12 =	simm.s32 $0x0  }
.LBB2_2:
0xb: {  	s13 =	sadd.s32 s6, s12  }
0xc: {  	s14 =	sshll.u32 s13, $0x3  }
0xd: {  	s15 =	sadd.s32 s4, s14;
	s14 =	simm.s32 $0x0  }
0xe: {  	[tilespmem:s14], [sflag:$0x1] =	stream.linear.gather [hbm4b:s15+s14], $0x40, $0x38;
	[tilespmem:$0x18748] =	vst v63  }
0xf: {  	_ =	swait.ge [sflag:s8], $0x40  }
0x10: {  	[sflag:s8] =	ssyncset.done $0x0  }
0x11: {  	[sflag:s8] =	ssyncadd.s32 $0xFFFFFFC0  }
0x12: {  	[tilespmem:s9], [sflag:$0x1] =	stream.linear.gather [hbm4b:s1+s14], $0x186A0, $0x38;
	[tilespmem:$0x18748] =	vst v63  }
0x13: {  	_ =	swait.ge [sflag:s8], $0x186A0  }
0x14: {  	[sflag:s8] =	ssyncset.done $0x0  }
0x15: {  	[sflag:s8] =	ssyncadd.s32 $0xFFFE7960  }
0x16: {  	v1 =	vld [tilespmem:$0x0];
	_ =	sdelay $0x7  }
0x17: {  	[tilespmem:v1+s9+$0x0] =	vst.idx.msk $0xffff, v0  }
0x18: {  	v1 =	vld [tilespmem:$0x10];
	_ =	sdelay $0x7  }
0x19: {  	[tilespmem:v1+s9+$0x0] =	vst.idx.msk $0xffff, v0  }
0x1a: {  	v1 =	vld [tilespmem:$0x20];
	_ =	sdelay $0x7  }
0x1b: {  	[tilespmem:v1+s9+$0x0] =	vst.idx.msk $0xffff, v0  }
0x1c: {  	v1 =	vld [tilespmem:$0x30];
	_ =	sdelay $0x7  }
0x1d: {  	s15 =	sadd.s32 $0x2E0, s13;
	[tilespmem:v1+s9+$0x0] =	vst.idx.msk $0xffff, v0  }
.LBB2_3:
0x1e: {  	s16 =	sshll.u32 s14, $0xA  }
0x1f: {  	s16 =	sadd.s32 s16, s15  }
0x20: {  	s17 =	sand.u32 $0xFFFF, s16  }
0x21: {  	s16 =	sshrl.u32 s16, $0x10;
	s18 =	smul.u32 $0x86A0, s17  }
0x22: {  	s19 =	smul.u32 $0x86A0, s16;
	_ =	sdelay $0x1  }
0x23: {  	s17 =	sadd.s32 s17, s19;
	s30 =	sshrl.u32 s18, $0x10  }
0x24: {  	s17 =	sadd.s32 s30, s17  }
0x25: {  	v12 =	vlaneseq.u32;
	s18 =	sand.u32 $0xFFE0, s18;
	s19 =	sshll.u32 s17, $0x10  }
0x26: {  	v15 =	vimm.s32 $0x0;
	v10 =	vor.u32 $0x80000000, v12;
	v14 =	vadd.s32 $0x10, v12;
	s17 =	sshrl.u32 s17, $0x10;
	s18 =	sor.u32 s18, s19  }
0x27: {  	v13 =	vadd.s32 $0x20, v12;
	v18 =	vadd.s32 $0x30, v10;
	v21 =	vadd.s32 $0x20, v10;
	s16 =	sadd.s32 s16, s17;
	s31 =	sxor.u32 $0x80000000, s18  }
0x28: {  	v24 =	vadd.s32 $0x10, v10;
	v1 =	vmov s16;
	v3 =	vmov s31  }
0x29: {  	v2 =	vadd.s32 $0x1, v1;
	v4 =	vadd.s32 $0x8000002A, v3;
	v5 =	vor.u32 $0x10, v3  }
0x2a: {  	v6 =	vadd.s32 $0x8000003A, v3;
	v7 =	vadd.s32 $0x20, v3;
	v8 =	vadd.s32 $0x8000004A, v3  }
0x2b: {  	v9 =	vadd.s32 $0x30, v3;
	v11 =	vadd.s32 $0x8000005A, v3;
	v26 =	vadd.s32 v3, v12  }
0x2c: {  	v16 =	vadd.s32 v11, v12;
	v17 =	vadd.s32 v8, v12;
	v19 =	vadd.s32 v9, v12  }
0x2d: {  	v20 =	vadd.s32 v6, v12;
	v22 =	vadd.s32 v7, v12;
	v23 =	vadd.s32 v4, v12  }
0x2e: {  	v25 =	vadd.s32 v5, v12;
	vm3 =	vlt.s32 v26, v10;
	v27 =	vshrl.u32 v16, $0x13  }
0x2f: {  	v28 =	vshll.u32 v16, $0xD;
	v29 =	vshrl.u32 v17, $0x13;
	v30 =	vshll.u32 v17, $0xD  }
0x30: {  	vm0 =	vlt.s32 v19, v18;
	v35 =	vshrl.u32 v20, $0x13;
	v36 =	vshll.u32 v20, $0xD  }
0x31: {  	vm1 =	vlt.s32 v22, v21;
	v37 =	vshrl.u32 v23, $0x13;
	v38 =	vshll.u32 v23, $0xD  }
0x32: {  	vm2 =	vlt.s32 v25, v24;
	v43 =	vsel vm3, v2, v1;
	v39 =	vor.u32 v29, v30  }
0x33: {  	v40 =	vor.u32 v27, v28;
	v18 =	vor.u32 v35, v36;
	v41 =	vsel vm1, v2, v1  }
0x34: {  	v42 =	vsel vm0, v2, v1;
	v21 =	vor.u32 v37, v38;
	v44 =	vsel vm2, v2, v1  }
0x35: {  	v45 =	vadd.s32 v23, v43;
	v20 =	vadd.s32 v20, v44;
	v17 =	vadd.s32 v17, v41  }
0x36: {  	v16 =	vadd.s32 v16, v42;
	v21 =	vxor.u32 v21, v45;
	v46 =	vxor.u32 v39, v17  }
0x37: {  	v47 =	vxor.u32 v40, v16;
	v18 =	vxor.u32 v18, v20;
	v19 =	vadd.s32 v45, v21  }
0x38: {  	v51 =	vshrl.u32 v21, $0x11;
	v21 =	vshll.u32 v21, $0xF;
	v16 =	vadd.s32 v16, v47  }
0x39: {  	v17 =	vadd.s32 v17, v46;
	v48 =	vshrl.u32 v47, $0x11;
	v23 =	vshll.u32 v47, $0xF  }
0x3a: {  	v20 =	vadd.s32 v20, v18;
	v49 =	vshrl.u32 v46, $0x11;
	v22 =	vshll.u32 v46, $0xF  }
0x3b: {  	v50 =	vshrl.u32 v18, $0x11;
	v18 =	vshll.u32 v18, $0xF;
	v21 =	vor.u32 v51, v21  }
0x3c: {  	v23 =	vor.u32 v48, v23;
	v18 =	vor.u32 v50, v18;
	v22 =	vor.u32 v49, v22  }
0x3d: {  	v21 =	vxor.u32 v19, v21;
	v18 =	vxor.u32 v20, v18;
	v22 =	vxor.u32 v17, v22  }
0x3e: {  	v23 =	vxor.u32 v16, v23;
	v19 =	vadd.s32 v19, v21;
	v55 =	vshrl.u32 v21, $0x6  }
0x3f: {  	v21 =	vshll.u32 v21, $0x1A;
	v17 =	vadd.s32 v17, v22;
	v16 =	vadd.s32 v16, v23  }
0x40: {  	v20 =	vadd.s32 v20, v18;
	v52 =	vshrl.u32 v23, $0x6;
	v23 =	vshll.u32 v23, $0x1A  }
0x41: {  	v53 =	vshrl.u32 v18, $0x6;
	v54 =	vshrl.u32 v22, $0x6;
	v22 =	vshll.u32 v22, $0x1A  }
0x42: {  	v18 =	vshll.u32 v18, $0x1A;
	v21 =	vor.u32 v55, v21;
	v22 =	vor.u32 v54, v22  }
0x43: {  	v23 =	vor.u32 v52, v23;
	v18 =	vor.u32 v53, v18;
	v21 =	vxor.u32 v19, v21  }
0x44: {  	v23 =	vxor.u32 v16, v23;
	v18 =	vxor.u32 v20, v18;
	v22 =	vxor.u32 v17, v22  }
0x45: {  	v19 =	vadd.s32 v19, v21;
	v59 =	vshrl.u32 v21, $0x1A;
	v21 =	vshll.u32 v21, $0x6  }
0x46: {  	v17 =	vadd.s32 v17, v22;
	v16 =	vadd.s32 v16, v23;
	v56 =	vshrl.u32 v23, $0x1A  }
0x47: {  	v20 =	vadd.s32 v20, v18;
	v57 =	vshrl.u32 v22, $0x1A;
	v23 =	vshll.u32 v23, $0x6  }
0x48: {  	v58 =	vshrl.u32 v18, $0x1A;
	v18 =	vshll.u32 v18, $0x6;
	v22 =	vshll.u32 v22, $0x6  }
0x49: {  	v21 =	vor.u32 v59, v21;
	v18 =	vor.u32 v58, v18;
	v22 =	vor.u32 v57, v22  }
0x4a: {  	v23 =	vor.u32 v56, v23;
	v21 =	vxor.u32 v19, v21;
	v22 =	vxor.u32 v17, v22  }
0x4b: {  	v23 =	vxor.u32 v16, v23;
	v18 =	vxor.u32 v20, v18;
	v21 =	vadd.s32 $0x1BD11BF1, v21  }
0x4c: {  	v23 =	vadd.s32 $0x1BD11BF1, v23;
	v18 =	vadd.s32 $0x1BD11BF1, v18;
	v22 =	vadd.s32 $0x1BD11BF1, v22  }
0x4d: {  	v19 =	vadd.s32 v21, v19;
	v63 =	vshrl.u32 v21, $0xF;
	v21 =	vshll.u32 v21, $0x11  }
0x4e: {  	v16 =	vadd.s32 v23, v16;
	v60 =	vshrl.u32 v23, $0xF;
	v23 =	vshll.u32 v23, $0x11  }
0x4f: {  	v17 =	vadd.s32 v22, v17;
	v61 =	vshrl.u32 v22, $0xF;
	v22 =	vshll.u32 v22, $0x11  }
0x50: {  	v20 =	vadd.s32 v18, v20;
	v62 =	vshrl.u32 v18, $0xF;
	v18 =	vshll.u32 v18, $0x11  }
0x51: {  	v19 =	vadd.s32 $0x2A, v19;
	v21 =	vor.u32 v63, v21;
	v17 =	vadd.s32 $0x2A, v17  }
0x52: {  	v16 =	vadd.s32 $0x2A, v16;
	v23 =	vor.u32 v60, v23;
	v20 =	vadd.s32 $0x2A, v20  }
0x53: {  	v18 =	vor.u32 v62, v18;
	v22 =	vor.u32 v61, v22;
	v21 =	vxor.u32 v19, v21  }
0x54: {  	v23 =	vxor.u32 v16, v23;
	v18 =	vxor.u32 v20, v18;
	v22 =	vxor.u32 v17, v22  }
0x55: {  	v19 =	vadd.s32 v19, v21;
	v33 =	vshrl.u32 v21, $0x3;
	v21 =	vshll.u32 v21, $0x1D  }
0x56: {  	v17 =	vadd.s32 v17, v22;
	v16 =	vadd.s32 v16, v23;
	v30 =	vshrl.u32 v23, $0x3  }
0x57: {  	v20 =	vadd.s32 v20, v18;
	v31 =	vshrl.u32 v22, $0x3;
	v23 =	vshll.u32 v23, $0x1D  }
0x58: {  	v32 =	vshrl.u32 v18, $0x3;
	v18 =	vshll.u32 v18, $0x1D;
	v22 =	vshll.u32 v22, $0x1D  }
0x59: {  	v21 =	vor.u32 v33, v21;
	v18 =	vor.u32 v32, v18;
	v22 =	vor.u32 v31, v22  }
0x5a: {  	v23 =	vor.u32 v30, v23;
	v21 =	vxor.u32 v19, v21;
	v22 =	vxor.u32 v17, v22  }
0x5b: {  	v23 =	vxor.u32 v16, v23;
	v18 =	vxor.u32 v20, v18;
	v19 =	vadd.s32 v19, v21  }
0x5c: {  	v37 =	vshrl.u32 v21, $0x10;
	v21 =	vshll.u32 v21, $0x10;
	v16 =	vadd.s32 v16, v23  }
0x5d: {  	v17 =	vadd.s32 v17, v22;
	v34 =	vshrl.u32 v23, $0x10;
	v23 =	vshll.u32 v23, $0x10  }
0x5e: {  	v20 =	vadd.s32 v20, v18;
	v35 =	vshrl.u32 v22, $0x10;
	v22 =	vshll.u32 v22, $0x10  }
0x5f: {  	v36 =	vshrl.u32 v18, $0x10;
	v18 =	vshll.u32 v18, $0x10;
	v21 =	vor.u32 v37, v21  }
0x60: {  	v23 =	vor.u32 v34, v23;
	v18 =	vor.u32 v36, v18;
	v22 =	vor.u32 v35, v22  }
0x61: {  	v21 =	vxor.u32 v19, v21;
	v18 =	vxor.u32 v20, v18;
	v22 =	vxor.u32 v17, v22  }
0x62: {  	v23 =	vxor.u32 v16, v23;
	v19 =	vadd.s32 v19, v21;
	v41 =	vshrl.u32 v21, $0x8  }
0x63: {  	v21 =	vshll.u32 v21, $0x18;
	v17 =	vadd.s32 v17, v22;
	v16 =	vadd.s32 v16, v23  }
0x64: {  	v20 =	vadd.s32 v20, v18;
	v38 =	vshrl.u32 v23, $0x8;
	v23 =	vshll.u32 v23, $0x18  }
0x65: {  	v39 =	vshrl.u32 v18, $0x8;
	v40 =	vshrl.u32 v22, $0x8;
	v22 =	vshll.u32 v22, $0x18  }
0x66: {  	v18 =	vshll.u32 v18, $0x18;
	v21 =	vor.u32 v41, v21;
	v22 =	vor.u32 v40, v22  }
0x67: {  	v23 =	vor.u32 v38, v23;
	v18 =	vor.u32 v39, v18;
	v21 =	vxor.u32 v19, v21  }
0x68: {  	v23 =	vxor.u32 v16, v23;
	v18 =	vxor.u32 v20, v18;
	v22 =	vxor.u32 v17, v22  }
0x69: {  	v21 =	vadd.s32 $0x2, v21;
	v18 =	vadd.s32 $0x2, v18;
	v22 =	vadd.s32 $0x2, v22  }
0x6a: {  	v23 =	vadd.s32 $0x2, v23;
	v19 =	vadd.s32 v21, v19;
	v45 =	vshrl.u32 v21, $0x13  }
0x6b: {  	v21 =	vshll.u32 v21, $0xD;
	v16 =	vadd.s32 v23, v16;
	v42 =	vshrl.u32 v23, $0x13  }
0x6c: {  	v17 =	vadd.s32 v22, v17;
	v43 =	vshrl.u32 v22, $0x13;
	v23 =	vshll.u32 v23, $0xD  }
0x6d: {  	v20 =	vadd.s32 v18, v20;
	v44 =	vshrl.u32 v18, $0x13;
	v22 =	vshll.u32 v22, $0xD  }
0x6e: {  	v18 =	vshll.u32 v18, $0xD;
	v19 =	vadd.s32 $0x1BD11BF0, v19;
	v21 =	vor.u32 v45, v21  }
0x6f: {  	v16 =	vadd.s32 $0x1BD11BF0, v16;
	v23 =	vor.u32 v42, v23;
	v20 =	vadd.s32 $0x1BD11BF0, v20  }
0x70: {  	v17 =	vadd.s32 $0x1BD11BF0, v17;
	v22 =	vor.u32 v43, v22;
	v18 =	vor.u32 v44, v18  }
0x71: {  	v21 =	vxor.u32 v19, v21;
	v18 =	vxor.u32 v20, v18;
	v22 =	vxor.u32 v17, v22  }
0x72: {  	v23 =	vxor.u32 v16, v23;
	v19 =	vadd.s32 v19, v21;
	v49 =	vshrl.u32 v21, $0x11  }
0x73: {  	v21 =	vshll.u32 v21, $0xF;
	v17 =	vadd.s32 v17, v22;
	v16 =	vadd.s32 v16, v23  }
0x74: {  	v20 =	vadd.s32 v20, v18;
	v46 =	vshrl.u32 v23, $0x11;
	v23 =	vshll.u32 v23, $0xF  }
0x75: {  	v47 =	vshrl.u32 v18, $0x11;
	v48 =	vshrl.u32 v22, $0x11;
	v22 =	vshll.u32 v22, $0xF  }
0x76: {  	v18 =	vshll.u32 v18, $0xF;
	v21 =	vor.u32 v49, v21;
	v22 =	vor.u32 v48, v22  }
0x77: {  	v23 =	vor.u32 v46, v23;
	v18 =	vor.u32 v47, v18;
	v21 =	vxor.u32 v19, v21  }
0x78: {  	v23 =	vxor.u32 v16, v23;
	v18 =	vxor.u32 v20, v18;
	v22 =	vxor.u32 v17, v22  }
0x79: {  	v19 =	vadd.s32 v19, v21;
	v53 =	vshrl.u32 v21, $0x6;
	v21 =	vshll.u32 v21, $0x1A  }
0x7a: {  	v17 =	vadd.s32 v17, v22;
	v16 =	vadd.s32 v16, v23;
	v50 =	vshrl.u32 v23, $0x6  }
0x7b: {  	v20 =	vadd.s32 v20, v18;
	v51 =	vshrl.u32 v22, $0x6;
	v23 =	vshll.u32 v23, $0x1A  }
0x7c: {  	v52 =	vshrl.u32 v18, $0x6;
	v18 =	vshll.u32 v18, $0x1A;
	v22 =	vshll.u32 v22, $0x1A  }
0x7d: {  	v21 =	vor.u32 v53, v21;
	v18 =	vor.u32 v52, v18;
	v22 =	vor.u32 v51, v22  }
0x7e: {  	v23 =	vor.u32 v50, v23;
	v21 =	vxor.u32 v19, v21;
	v22 =	vxor.u32 v17, v22  }
0x7f: {  	v23 =	vxor.u32 v16, v23;
	v18 =	vxor.u32 v20, v18;
	v19 =	vadd.s32 v19, v21  }
0x80: {  	v57 =	vshrl.u32 v21, $0x1A;
	v21 =	vshll.u32 v21, $0x6;
	v16 =	vadd.s32 v16, v23  }
0x81: {  	v17 =	vadd.s32 v17, v22;
	v54 =	vshrl.u32 v23, $0x1A;
	v23 =	vshll.u32 v23, $0x6  }
0x82: {  	v20 =	vadd.s32 v20, v18;
	v55 =	vshrl.u32 v22, $0x1A;
	v22 =	vshll.u32 v22, $0x6  }
0x83: {  	v56 =	vshrl.u32 v18, $0x1A;
	v18 =	vshll.u32 v18, $0x6;
	v21 =	vor.u32 v57, v21  }
0x84: {  	v23 =	vor.u32 v54, v23;
	v18 =	vor.u32 v56, v18;
	v22 =	vor.u32 v55, v22  }
0x85: {  	v21 =	vxor.u32 v19, v21;
	v18 =	vxor.u32 v20, v18;
	v22 =	vxor.u32 v17, v22  }
0x86: {  	v23 =	vxor.u32 v16, v23;
	v21 =	vadd.s32 $0x2D, v21;
	v22 =	vadd.s32 $0x2D, v22  }
0x87: {  	v23 =	vadd.s32 $0x2D, v23;
	v18 =	vadd.s32 $0x2D, v18;
	v19 =	vadd.s32 v19, v21  }
0x88: {  	v61 =	vshrl.u32 v21, $0xF;
	v21 =	vshll.u32 v21, $0x11;
	v16 =	vadd.s32 v16, v23  }
0x89: {  	v17 =	vadd.s32 v17, v22;
	v58 =	vshrl.u32 v23, $0xF;
	v23 =	vshll.u32 v23, $0x11  }
0x8a: {  	v20 =	vadd.s32 v20, v18;
	v59 =	vshrl.u32 v22, $0xF;
	v22 =	vshll.u32 v22, $0x11  }
0x8b: {  	v60 =	vshrl.u32 v18, $0xF;
	v18 =	vshll.u32 v18, $0x11;
	v21 =	vor.u32 v61, v21  }
0x8c: {  	v23 =	vor.u32 v58, v23;
	v18 =	vor.u32 v60, v18;
	v22 =	vor.u32 v59, v22  }
0x8d: {  	v21 =	vxor.u32 v19, v21;
	v18 =	vxor.u32 v20, v18;
	v22 =	vxor.u32 v17, v22  }
0x8e: {  	v23 =	vxor.u32 v16, v23;
	v19 =	vadd.s32 v19, v21;
	v31 =	vshrl.u32 v21, $0x3  }
0x8f: {  	v21 =	vshll.u32 v21, $0x1D;
	v17 =	vadd.s32 v17, v22;
	v16 =	vadd.s32 v16, v23  }
0x90: {  	v20 =	vadd.s32 v20, v18;
	v62 =	vshrl.u32 v23, $0x3;
	v23 =	vshll.u32 v23, $0x1D  }
0x91: {  	v63 =	vshrl.u32 v18, $0x3;
	v30 =	vshrl.u32 v22, $0x3;
	v22 =	vshll.u32 v22, $0x1D  }
0x92: {  	v18 =	vshll.u32 v18, $0x1D;
	v21 =	vor.u32 v31, v21;
	v22 =	vor.u32 v30, v22  }
0x93: {  	v23 =	vor.u32 v62, v23;
	v18 =	vor.u32 v63, v18;
	v21 =	vxor.u32 v19, v21  }
0x94: {  	v23 =	vxor.u32 v16, v23;
	v18 =	vxor.u32 v20, v18;
	v22 =	vxor.u32 v17, v22  }
0x95: {  	v19 =	vadd.s32 v19, v21;
	v35 =	vshrl.u32 v21, $0x10;
	v21 =	vshll.u32 v21, $0x10  }
0x96: {  	v17 =	vadd.s32 v17, v22;
	v16 =	vadd.s32 v16, v23;
	v32 =	vshrl.u32 v23, $0x10  }
0x97: {  	v20 =	vadd.s32 v20, v18;
	v33 =	vshrl.u32 v22, $0x10;
	v23 =	vshll.u32 v23, $0x10  }
0x98: {  	v34 =	vshrl.u32 v18, $0x10;
	v18 =	vshll.u32 v18, $0x10;
	v22 =	vshll.u32 v22, $0x10  }
0x99: {  	v21 =	vor.u32 v35, v21;
	v18 =	vor.u32 v34, v18;
	v22 =	vor.u32 v33, v22  }
0x9a: {  	v23 =	vor.u32 v32, v23;
	v21 =	vxor.u32 v19, v21;
	v22 =	vxor.u32 v17, v22  }
0x9b: {  	v23 =	vxor.u32 v16, v23;
	v18 =	vxor.u32 v20, v18;
	v19 =	vadd.s32 v19, v21  }
0x9c: {  	v39 =	vshrl.u32 v21, $0x8;
	v21 =	vshll.u32 v21, $0x18;
	v16 =	vadd.s32 v16, v23  }
0x9d: {  	v17 =	vadd.s32 v17, v22;
	v36 =	vshrl.u32 v23, $0x8;
	v23 =	vshll.u32 v23, $0x18  }
0x9e: {  	v20 =	vadd.s32 v20, v18;
	v37 =	vshrl.u32 v22, $0x8;
	v22 =	vshll.u32 v22, $0x18  }
0x9f: {  	v38 =	vshrl.u32 v18, $0x8;
	v18 =	vshll.u32 v18, $0x18;
	v21 =	vor.u32 v39, v21  }
0xa0: {  	v23 =	vor.u32 v36, v23;
	v18 =	vor.u32 v38, v18;
	v22 =	vor.u32 v37, v22  }
0xa1: {  	v21 =	vxor.u32 v19, v21;
	v18 =	vxor.u32 v20, v18;
	v22 =	vxor.u32 v17, v22  }
0xa2: {  	v23 =	vxor.u32 v16, v23;
	v21 =	vadd.s32 $0x1BD11BF4, v21;
	v22 =	vadd.s32 $0x1BD11BF4, v22  }
0xa3: {  	v23 =	vadd.s32 $0x1BD11BF4, v23;
	v18 =	vadd.s32 $0x1BD11BF4, v18;
	v19 =	vadd.s32 v21, v19  }
0xa4: {  	v43 =	vshrl.u32 v21, $0x13;
	v21 =	vshll.u32 v21, $0xD;
	v16 =	vadd.s32 v23, v16  }
0xa5: {  	v17 =	vadd.s32 v22, v17;
	v40 =	vshrl.u32 v23, $0x13;
	v23 =	vshll.u32 v23, $0xD  }
0xa6: {  	v20 =	vadd.s32 v18, v20;
	v41 =	vshrl.u32 v22, $0x13;
	v22 =	vshll.u32 v22, $0xD  }
0xa7: {  	v42 =	vshrl.u32 v18, $0x13;
	v18 =	vshll.u32 v18, $0xD;
	v19 =	vadd.s32 $0x2A, v19  }
0xa8: {  	v21 =	vor.u32 v43, v21;
	v16 =	vadd.s32 $0x2A, v16;
	v17 =	vadd.s32 $0x2A, v17  }
0xa9: {  	v22 =	vor.u32 v41, v22;
	v23 =	vor.u32 v40, v23;
	v20 =	vadd.s32 $0x2A, v20  }
0xaa: {  	v18 =	vor.u32 v42, v18;
	v21 =	vxor.u32 v19, v21;
	v22 =	vxor.u32 v17, v22  }
0xab: {  	v23 =	vxor.u32 v16, v23;
	v18 =	vxor.u32 v20, v18;
	v19 =	vadd.s32 v19, v21  }
0xac: {  	v47 =	vshrl.u32 v21, $0x11;
	v21 =	vshll.u32 v21, $0xF;
	v16 =	vadd.s32 v16, v23  }
0xad: {  	v17 =	vadd.s32 v17, v22;
	v44 =	vshrl.u32 v23, $0x11;
	v23 =	vshll.u32 v23, $0xF  }
0xae: {  	v20 =	vadd.s32 v20, v18;
	v45 =	vshrl.u32 v22, $0x11;
	v22 =	vshll.u32 v22, $0xF  }
0xaf: {  	v46 =	vshrl.u32 v18, $0x11;
	v18 =	vshll.u32 v18, $0xF;
	v21 =	vor.u32 v47, v21  }
0xb0: {  	v23 =	vor.u32 v44, v23;
	v18 =	vor.u32 v46, v18;
	v22 =	vor.u32 v45, v22  }
0xb1: {  	v21 =	vxor.u32 v19, v21;
	v18 =	vxor.u32 v20, v18;
	v22 =	vxor.u32 v17, v22  }
0xb2: {  	v23 =	vxor.u32 v16, v23;
	v19 =	vadd.s32 v19, v21;
	v51 =	vshrl.u32 v21, $0x6  }
0xb3: {  	v21 =	vshll.u32 v21, $0x1A;
	v17 =	vadd.s32 v17, v22;
	v16 =	vadd.s32 v16, v23  }
0xb4: {  	v20 =	vadd.s32 v20, v18;
	v48 =	vshrl.u32 v23, $0x6;
	v23 =	vshll.u32 v23, $0x1A  }
0xb5: {  	v49 =	vshrl.u32 v18, $0x6;
	v50 =	vshrl.u32 v22, $0x6;
	v22 =	vshll.u32 v22, $0x1A  }
0xb6: {  	v18 =	vshll.u32 v18, $0x1A;
	v21 =	vor.u32 v51, v21;
	v22 =	vor.u32 v50, v22  }
0xb7: {  	v23 =	vor.u32 v48, v23;
	v18 =	vor.u32 v49, v18;
	v21 =	vxor.u32 v19, v21  }
0xb8: {  	v23 =	vxor.u32 v16, v23;
	v18 =	vxor.u32 v20, v18;
	v22 =	vxor.u32 v17, v22  }
0xb9: {  	v19 =	vadd.s32 v19, v21;
	v55 =	vshrl.u32 v21, $0x1A;
	v21 =	vshll.u32 v21, $0x6  }
0xba: {  	v17 =	vadd.s32 v17, v22;
	v16 =	vadd.s32 v16, v23;
	v52 =	vshrl.u32 v23, $0x1A  }
0xbb: {  	v20 =	vadd.s32 v20, v18;
	v53 =	vshrl.u32 v22, $0x1A;
	v23 =	vshll.u32 v23, $0x6  }
0xbc: {  	v54 =	vshrl.u32 v18, $0x1A;
	v18 =	vshll.u32 v18, $0x6;
	v22 =	vshll.u32 v22, $0x6  }
0xbd: {  	s16 =	simm.s32 $0x60;
	v31 =	vadd.s32 $0x1BD11BF0, v19;
	v21 =	vor.u32 v55, v21;
	v56 =	vadd.s32 $0x1BD11BF0, v20  }
0xbe: {  	v61 =	vld [tilespmem:s16+$0xFFFFFFF0];
	v57 =	vadd.s32 $0x1BD11BF0, v17;
	v58 =	vadd.s32 $0x1BD11BF0, v16;
	v22 =	vor.u32 v53, v22  }
0xbf: {  	v59 =	vld [tilespmem:s16+$0xFFFFFFE0];
	v23 =	vor.u32 v52, v23;
	v18 =	vor.u32 v54, v18;
	v19 =	vxor.u32 v19, v21  }
0xc0: {  	v60 =	vld [tilespmem:s16+$0x10];
	v16 =	vxor.u32 v16, v23;
	v18 =	vxor.u32 v20, v18;
	v17 =	vxor.u32 v17, v22  }
0xc1: {  	v62 =	vld [tilespmem:s16+$0x0];
	v19 =	vadd.s32 $0x5, v19;
	v17 =	vadd.s32 $0x5, v17;
	v16 =	vadd.s32 $0x5, v16  }
0xc2: {  	v19 =	vxor.u32 v31, v19;
	v18 =	vadd.s32 $0x5, v18;
	v16 =	vxor.u32 v58, v16  }
0xc3: {  	v19 =	vshrl.u32 v19, $0x9;
	v18 =	vxor.u32 v56, v18;
	v17 =	vxor.u32 v57, v17  }
0xc4: {  	v19 =	vand.u32 v19, v59;
	v17 =	vshrl.u32 v17, $0x9;
	v16 =	vshrl.u32 v16, $0x9  }
0xc5: {  	v18 =	vshrl.u32 v18, $0x9;
	vm12 =	vgt.s32 v19, v15;
	v16 =	vand.u32 v16, v60  }
0xc6: {  	v18 =	vand.u32 v18, v61;
	v17 =	vand.u32 v17, v62;
	v19 =	vsel vm12, v19, v15  }
0xc7: {  	v15 =	vsel vm12, v12, v15;
	vm13 =	vgt.u32 v18, v19;
	v18 =	vmax.u32 v18, v19  }
0xc8: {  	v14 =	vsel vm13, v14, v15;
	vm14 =	vgt.u32 v17, v18;
	v15 =	vmax.u32 v17, v18  }
0xc9: {  	v63 =	vadd.s32 $0x30, v12;
	v14 =	vsel vm14, v13, v14;
	vm15 =	vgt.u32 v16, v15  }
0xca: {  	s17 =	simm.s32 $0x0;
	v12 =	vadd.s32 $0x40, v12;
	v13 =	vmax.u32 v16, v15;
	v14 =	vsel vm15, v63, v14  }
.LBB2_4:
0xcb: {  	v16 =	vmov v12;
	v15 =	vmov v10  }
0xcc: {  	v17 =	vadd.s32 $0x30, v12;
	v10 =	vadd.s32 $0x40, v10  }
0xcd: {  	v19 =	vadd.s32 $0x10, v12;
	v18 =	vadd.s32 $0x20, v12;
	v20 =	vadd.s32 v11, v12  }
0xce: {  	v21 =	vadd.s32 v8, v12;
	v23 =	vadd.s32 v9, v12;
	v22 =	vadd.s32 $0x30, v10  }
0xcf: {  	v24 =	vadd.s32 v6, v12;
	v26 =	vadd.s32 v7, v12;
	v25 =	vadd.s32 $0x20, v10  }
0xd0: {  	v27 =	vadd.s32 v4, v12;
	v29 =	vadd.s32 v5, v12;
	v28 =	vadd.s32 $0x10, v10  }
0xd1: {  	v30 =	vadd.s32 v3, v12;
	v31 =	vshrl.u32 v20, $0x13;
	v32 =	vshll.u32 v20, $0xD  }
0xd2: {  	v33 =	vshrl.u32 v21, $0x13;
	v34 =	vshll.u32 v21, $0xD;
	vm0 =	vlt.s32 v23, v22  }
0xd3: {  	v22 =	vshrl.u32 v24, $0x13;
	v23 =	vshll.u32 v24, $0xD;
	vm1 =	vlt.s32 v26, v25  }
0xd4: {  	v25 =	vshrl.u32 v27, $0x13;
	v26 =	vshll.u32 v27, $0xD;
	vm2 =	vlt.s32 v29, v28  }
0xd5: {  	vm3 =	vlt.s32 v30, v10;
	v28 =	vor.u32 v33, v34;
	v29 =	vor.u32 v31, v32  }
0xd6: {  	v22 =	vor.u32 v22, v23;
	v23 =	vsel vm1, v2, v1;
	v30 =	vsel vm0, v2, v1  }
0xd7: {  	v31 =	vsel vm3, v2, v1;
	v25 =	vor.u32 v25, v26;
	v26 =	vsel vm2, v2, v1  }
0xd8: {  	v24 =	vadd.s32 v24, v26;
	v21 =	vadd.s32 v21, v23;
	v20 =	vadd.s32 v20, v30  }
0xd9: {  	v23 =	vadd.s32 v27, v31;
	v26 =	vxor.u32 v28, v21;
	v27 =	vxor.u32 v29, v20  }
0xda: {  	v25 =	vxor.u32 v25, v23;
	v22 =	vxor.u32 v22, v24;
	v20 =	vadd.s32 v20, v27  }
0xdb: {  	v21 =	vadd.s32 v21, v26;
	v28 =	vshrl.u32 v27, $0x11;
	v27 =	vshll.u32 v27, $0xF  }
0xdc: {  	v24 =	vadd.s32 v24, v22;
	v29 =	vshrl.u32 v26, $0x11;
	v26 =	vshll.u32 v26, $0xF  }
0xdd: {  	v23 =	vadd.s32 v23, v25;
	v30 =	vshrl.u32 v22, $0x11;
	v22 =	vshll.u32 v22, $0xF  }
0xde: {  	v31 =	vshrl.u32 v25, $0x11;
	v25 =	vshll.u32 v25, $0xF;
	v27 =	vor.u32 v28, v27  }
0xdf: {  	v25 =	vor.u32 v31, v25;
	v22 =	vor.u32 v30, v22;
	v26 =	vor.u32 v29, v26  }
0xe0: {  	v22 =	vxor.u32 v24, v22;
	v26 =	vxor.u32 v21, v26;
	v27 =	vxor.u32 v20, v27  }
0xe1: {  	v25 =	vxor.u32 v23, v25;
	v21 =	vadd.s32 v21, v26;
	v20 =	vadd.s32 v20, v27  }
0xe2: {  	v24 =	vadd.s32 v24, v22;
	v28 =	vshrl.u32 v27, $0x6;
	v27 =	vshll.u32 v27, $0x1A  }
0xe3: {  	v29 =	vshrl.u32 v22, $0x6;
	v30 =	vshrl.u32 v26, $0x6;
	v26 =	vshll.u32 v26, $0x1A  }
0xe4: {  	v23 =	vadd.s32 v23, v25;
	v31 =	vshrl.u32 v25, $0x6;
	v22 =	vshll.u32 v22, $0x1A  }
0xe5: {  	v25 =	vshll.u32 v25, $0x1A;
	v26 =	vor.u32 v30, v26;
	v27 =	vor.u32 v28, v27  }
0xe6: {  	v25 =	vor.u32 v31, v25;
	v22 =	vor.u32 v29, v22;
	v27 =	vxor.u32 v20, v27  }
0xe7: {  	v25 =	vxor.u32 v23, v25;
	v22 =	vxor.u32 v24, v22;
	v26 =	vxor.u32 v21, v26  }
0xe8: {  	v21 =	vadd.s32 v21, v26;
	v20 =	vadd.s32 v20, v27;
	v28 =	vshrl.u32 v27, $0x1A  }
0xe9: {  	v24 =	vadd.s32 v24, v22;
	v29 =	vshrl.u32 v26, $0x1A;
	v27 =	vshll.u32 v27, $0x6  }
0xea: {  	v30 =	vshrl.u32 v22, $0x1A;
	v22 =	vshll.u32 v22, $0x6;
	v26 =	vshll.u32 v26, $0x6  }
0xeb: {  	v23 =	vadd.s32 v23, v25;
	v31 =	vshrl.u32 v25, $0x1A;
	v25 =	vshll.u32 v25, $0x6  }
0xec: {  	v22 =	vor.u32 v30, v22;
	v26 =	vor.u32 v29, v26;
	v27 =	vor.u32 v28, v27  }
0xed: {  	v25 =	vor.u32 v31, v25;
	v26 =	vxor.u32 v21, v26;
	v27 =	vxor.u32 v20, v27  }
0xee: {  	v25 =	vxor.u32 v23, v25;
	v22 =	vxor.u32 v24, v22;
	v27 =	vadd.s32 $0x1BD11BF1, v27  }
0xef: {  	v25 =	vadd.s32 $0x1BD11BF1, v25;
	v22 =	vadd.s32 $0x1BD11BF1, v22;
	v26 =	vadd.s32 $0x1BD11BF1, v26  }
0xf0: {  	v20 =	vadd.s32 v27, v20;
	v28 =	vshrl.u32 v27, $0xF;
	v27 =	vshll.u32 v27, $0x11  }
0xf1: {  	v21 =	vadd.s32 v26, v21;
	v29 =	vshrl.u32 v26, $0xF;
	v26 =	vshll.u32 v26, $0x11  }
0xf2: {  	v24 =	vadd.s32 v22, v24;
	v30 =	vshrl.u32 v22, $0xF;
	v22 =	vshll.u32 v22, $0x11  }
0xf3: {  	v23 =	vadd.s32 v25, v23;
	v31 =	vshrl.u32 v25, $0xF;
	v25 =	vshll.u32 v25, $0x11  }
0xf4: {  	v21 =	vadd.s32 $0x2A, v21;
	v20 =	vadd.s32 $0x2A, v20;
	v27 =	vor.u32 v28, v27  }
0xf5: {  	v24 =	vadd.s32 $0x2A, v24;
	v22 =	vor.u32 v30, v22;
	v26 =	vor.u32 v29, v26  }
0xf6: {  	v23 =	vadd.s32 $0x2A, v23;
	v25 =	vor.u32 v31, v25;
	v27 =	vxor.u32 v20, v27  }
0xf7: {  	v25 =	vxor.u32 v23, v25;
	v22 =	vxor.u32 v24, v22;
	v26 =	vxor.u32 v21, v26  }
0xf8: {  	v21 =	vadd.s32 v21, v26;
	v20 =	vadd.s32 v20, v27;
	v28 =	vshrl.u32 v27, $0x3  }
0xf9: {  	v24 =	vadd.s32 v24, v22;
	v29 =	vshrl.u32 v26, $0x3;
	v27 =	vshll.u32 v27, $0x1D  }
0xfa: {  	v30 =	vshrl.u32 v22, $0x3;
	v22 =	vshll.u32 v22, $0x1D;
	v26 =	vshll.u32 v26, $0x1D  }
0xfb: {  	v23 =	vadd.s32 v23, v25;
	v31 =	vshrl.u32 v25, $0x3;
	v25 =	vshll.u32 v25, $0x1D  }
0xfc: {  	v22 =	vor.u32 v30, v22;
	v26 =	vor.u32 v29, v26;
	v27 =	vor.u32 v28, v27  }
0xfd: {  	v25 =	vor.u32 v31, v25;
	v26 =	vxor.u32 v21, v26;
	v27 =	vxor.u32 v20, v27  }
0xfe: {  	v25 =	vxor.u32 v23, v25;
	v22 =	vxor.u32 v24, v22;
	v20 =	vadd.s32 v20, v27  }
0xff: {  	v21 =	vadd.s32 v21, v26;
	v28 =	vshrl.u32 v27, $0x10;
	v27 =	vshll.u32 v27, $0x10  }
0x100: {  	v24 =	vadd.s32 v24, v22;
	v29 =	vshrl.u32 v26, $0x10;
	v26 =	vshll.u32 v26, $0x10  }
0x101: {  	v23 =	vadd.s32 v23, v25;
	v30 =	vshrl.u32 v22, $0x10;
	v22 =	vshll.u32 v22, $0x10  }
0x102: {  	v31 =	vshrl.u32 v25, $0x10;
	v25 =	vshll.u32 v25, $0x10;
	v27 =	vor.u32 v28, v27  }
0x103: {  	v25 =	vor.u32 v31, v25;
	v22 =	vor.u32 v30, v22;
	v26 =	vor.u32 v29, v26  }
0x104: {  	v22 =	vxor.u32 v24, v22;
	v26 =	vxor.u32 v21, v26;
	v27 =	vxor.u32 v20, v27  }
0x105: {  	v25 =	vxor.u32 v23, v25;
	v21 =	vadd.s32 v21, v26;
	v20 =	vadd.s32 v20, v27  }
0x106: {  	v24 =	vadd.s32 v24, v22;
	v28 =	vshrl.u32 v27, $0x8;
	v27 =	vshll.u32 v27, $0x18  }
0x107: {  	v29 =	vshrl.u32 v22, $0x8;
	v30 =	vshrl.u32 v26, $0x8;
	v26 =	vshll.u32 v26, $0x18  }
0x108: {  	v23 =	vadd.s32 v23, v25;
	v31 =	vshrl.u32 v25, $0x8;
	v22 =	vshll.u32 v22, $0x18  }
0x109: {  	v25 =	vshll.u32 v25, $0x18;
	v26 =	vor.u32 v30, v26;
	v27 =	vor.u32 v28, v27  }
0x10a: {  	v25 =	vor.u32 v31, v25;
	v22 =	vor.u32 v29, v22;
	v27 =	vxor.u32 v20, v27  }
0x10b: {  	v25 =	vxor.u32 v23, v25;
	v22 =	vxor.u32 v24, v22;
	v26 =	vxor.u32 v21, v26  }
0x10c: {  	v22 =	vadd.s32 $0x2, v22;
	v26 =	vadd.s32 $0x2, v26;
	v27 =	vadd.s32 $0x2, v27  }
0x10d: {  	v25 =	vadd.s32 $0x2, v25;
	v20 =	vadd.s32 v27, v20;
	v28 =	vshrl.u32 v27, $0x13  }
0x10e: {  	v21 =	vadd.s32 v26, v21;
	v29 =	vshrl.u32 v26, $0x13;
	v27 =	vshll.u32 v27, $0xD  }
0x10f: {  	v24 =	vadd.s32 v22, v24;
	v30 =	vshrl.u32 v22, $0x13;
	v26 =	vshll.u32 v26, $0xD  }
0x110: {  	v23 =	vadd.s32 v25, v23;
	v31 =	vshrl.u32 v25, $0x13;
	v22 =	vshll.u32 v22, $0xD  }
0x111: {  	v25 =	vshll.u32 v25, $0xD;
	v20 =	vadd.s32 $0x1BD11BF0, v20;
	v27 =	vor.u32 v28, v27  }
0x112: {  	v24 =	vadd.s32 $0x1BD11BF0, v24;
	v21 =	vadd.s32 $0x1BD11BF0, v21;
	v26 =	vor.u32 v29, v26  }
0x113: {  	v23 =	vadd.s32 $0x1BD11BF0, v23;
	v25 =	vor.u32 v31, v25;
	v22 =	vor.u32 v30, v22  }
0x114: {  	v22 =	vxor.u32 v24, v22;
	v26 =	vxor.u32 v21, v26;
	v27 =	vxor.u32 v20, v27  }
0x115: {  	v25 =	vxor.u32 v23, v25;
	v21 =	vadd.s32 v21, v26;
	v20 =	vadd.s32 v20, v27  }
0x116: {  	v24 =	vadd.s32 v24, v22;
	v28 =	vshrl.u32 v27, $0x11;
	v27 =	vshll.u32 v27, $0xF  }
0x117: {  	v29 =	vshrl.u32 v22, $0x11;
	v30 =	vshrl.u32 v26, $0x11;
	v26 =	vshll.u32 v26, $0xF  }
0x118: {  	v23 =	vadd.s32 v23, v25;
	v31 =	vshrl.u32 v25, $0x11;
	v22 =	vshll.u32 v22, $0xF  }
0x119: {  	v25 =	vshll.u32 v25, $0xF;
	v26 =	vor.u32 v30, v26;
	v27 =	vor.u32 v28, v27  }
0x11a: {  	v25 =	vor.u32 v31, v25;
	v22 =	vor.u32 v29, v22;
	v27 =	vxor.u32 v20, v27  }
0x11b: {  	v25 =	vxor.u32 v23, v25;
	v22 =	vxor.u32 v24, v22;
	v26 =	vxor.u32 v21, v26  }
0x11c: {  	v21 =	vadd.s32 v21, v26;
	v20 =	vadd.s32 v20, v27;
	v28 =	vshrl.u32 v27, $0x6  }
0x11d: {  	v24 =	vadd.s32 v24, v22;
	v29 =	vshrl.u32 v26, $0x6;
	v27 =	vshll.u32 v27, $0x1A  }
0x11e: {  	v30 =	vshrl.u32 v22, $0x6;
	v22 =	vshll.u32 v22, $0x1A;
	v26 =	vshll.u32 v26, $0x1A  }
0x11f: {  	v23 =	vadd.s32 v23, v25;
	v31 =	vshrl.u32 v25, $0x6;
	v25 =	vshll.u32 v25, $0x1A  }
0x120: {  	v22 =	vor.u32 v30, v22;
	v26 =	vor.u32 v29, v26;
	v27 =	vor.u32 v28, v27  }
0x121: {  	s17 =	sadd.s32 $0x4, s17;
	v25 =	vor.u32 v31, v25;
	v26 =	vxor.u32 v21, v26;
	v27 =	vxor.u32 v20, v27  }
0x122: {  	p0 =	slt.u32 s17, $0x1864;
	v25 =	vxor.u32 v23, v25;
	v22 =	vxor.u32 v24, v22;
	v20 =	vadd.s32 v20, v27  }
0x123: {  	v21 =	vadd.s32 v21, v26;
	v28 =	vshrl.u32 v27, $0x1A;
	v27 =	vshll.u32 v27, $0x6  }
0x124: {  	v24 =	vadd.s32 v24, v22;
	v29 =	vshrl.u32 v26, $0x1A;
	v26 =	vshll.u32 v26, $0x6  }
0x125: {  	v23 =	vadd.s32 v23, v25;
	v30 =	vshrl.u32 v22, $0x1A;
	v22 =	vshll.u32 v22, $0x6  }
0x126: {  	v31 =	vshrl.u32 v25, $0x1A;
	v25 =	vshll.u32 v25, $0x6;
	v27 =	vor.u32 v28, v27  }
0x127: {  	v25 =	vor.u32 v31, v25;
	v22 =	vor.u32 v30, v22;
	v26 =	vor.u32 v29, v26  }
0x128: {  	v22 =	vxor.u32 v24, v22;
	v26 =	vxor.u32 v21, v26;
	v27 =	vxor.u32 v20, v27  }
0x129: {  	v25 =	vxor.u32 v23, v25;
	v26 =	vadd.s32 $0x2D, v26;
	v27 =	vadd.s32 $0x2D, v27  }
0x12a: {  	v25 =	vadd.s32 $0x2D, v25;
	v22 =	vadd.s32 $0x2D, v22;
	v20 =	vadd.s32 v20, v27  }
0x12b: {  	v21 =	vadd.s32 v21, v26;
	v28 =	vshrl.u32 v27, $0xF;
	v27 =	vshll.u32 v27, $0x11  }
0x12c: {  	v24 =	vadd.s32 v24, v22;
	v29 =	vshrl.u32 v26, $0xF;
	v26 =	vshll.u32 v26, $0x11  }
0x12d: {  	v23 =	vadd.s32 v23, v25;
	v30 =	vshrl.u32 v22, $0xF;
	v22 =	vshll.u32 v22, $0x11  }
0x12e: {  	v31 =	vshrl.u32 v25, $0xF;
	v25 =	vshll.u32 v25, $0x11;
	v27 =	vor.u32 v28, v27  }
0x12f: {  	v25 =	vor.u32 v31, v25;
	v22 =	vor.u32 v30, v22;
	v26 =	vor.u32 v29, v26  }
0x130: {  	v22 =	vxor.u32 v24, v22;
	v26 =	vxor.u32 v21, v26;
	v27 =	vxor.u32 v20, v27  }
0x131: {  	v25 =	vxor.u32 v23, v25;
	v21 =	vadd.s32 v21, v26;
	v20 =	vadd.s32 v20, v27  }
0x132: {  	v24 =	vadd.s32 v24, v22;
	v28 =	vshrl.u32 v27, $0x3;
	v27 =	vshll.u32 v27, $0x1D  }
0x133: {  	v29 =	vshrl.u32 v22, $0x3;
	v30 =	vshrl.u32 v26, $0x3;
	v26 =	vshll.u32 v26, $0x1D  }
0x134: {  	v23 =	vadd.s32 v23, v25;
	v31 =	vshrl.u32 v25, $0x3;
	v22 =	vshll.u32 v22, $0x1D  }
0x135: {  	v25 =	vshll.u32 v25, $0x1D;
	v26 =	vor.u32 v30, v26;
	v27 =	vor.u32 v28, v27  }
0x136: {  	v25 =	vor.u32 v31, v25;
	v22 =	vor.u32 v29, v22;
	v27 =	vxor.u32 v20, v27  }
0x137: {  	v25 =	vxor.u32 v23, v25;
	v22 =	vxor.u32 v24, v22;
	v26 =	vxor.u32 v21, v26  }
0x138: {  	v21 =	vadd.s32 v21, v26;
	v20 =	vadd.s32 v20, v27;
	v28 =	vshrl.u32 v27, $0x10  }
0x139: {  	v24 =	vadd.s32 v24, v22;
	v29 =	vshrl.u32 v26, $0x10;
	v27 =	vshll.u32 v27, $0x10  }
0x13a: {  	v30 =	vshrl.u32 v22, $0x10;
	v22 =	vshll.u32 v22, $0x10;
	v26 =	vshll.u32 v26, $0x10  }
0x13b: {  	v23 =	vadd.s32 v23, v25;
	v31 =	vshrl.u32 v25, $0x10;
	v25 =	vshll.u32 v25, $0x10  }
0x13c: {  	v22 =	vor.u32 v30, v22;
	v26 =	vor.u32 v29, v26;
	v27 =	vor.u32 v28, v27  }
0x13d: {  	v25 =	vor.u32 v31, v25;
	v26 =	vxor.u32 v21, v26;
	v27 =	vxor.u32 v20, v27  }
0x13e: {  	v25 =	vxor.u32 v23, v25;
	v22 =	vxor.u32 v24, v22;
	v20 =	vadd.s32 v20, v27  }
0x13f: {  	v21 =	vadd.s32 v21, v26;
	v28 =	vshrl.u32 v27, $0x8;
	v27 =	vshll.u32 v27, $0x18  }
0x140: {  	v24 =	vadd.s32 v24, v22;
	v29 =	vshrl.u32 v26, $0x8;
	v26 =	vshll.u32 v26, $0x18  }
0x141: {  	v23 =	vadd.s32 v23, v25;
	v30 =	vshrl.u32 v22, $0x8;
	v22 =	vshll.u32 v22, $0x18  }
0x142: {  	v31 =	vshrl.u32 v25, $0x8;
	v25 =	vshll.u32 v25, $0x18;
	v27 =	vor.u32 v28, v27  }
0x143: {  	v25 =	vor.u32 v31, v25;
	v22 =	vor.u32 v30, v22;
	v26 =	vor.u32 v29, v26  }
0x144: {  	v22 =	vxor.u32 v24, v22;
	v26 =	vxor.u32 v21, v26;
	v27 =	vxor.u32 v20, v27  }
0x145: {  	v25 =	vxor.u32 v23, v25;
	v26 =	vadd.s32 $0x1BD11BF4, v26;
	v27 =	vadd.s32 $0x1BD11BF4, v27  }
0x146: {  	v25 =	vadd.s32 $0x1BD11BF4, v25;
	v22 =	vadd.s32 $0x1BD11BF4, v22;
	v20 =	vadd.s32 v27, v20  }
0x147: {  	v21 =	vadd.s32 v26, v21;
	v28 =	vshrl.u32 v27, $0x13;
	v27 =	vshll.u32 v27, $0xD  }
0x148: {  	v24 =	vadd.s32 v22, v24;
	v29 =	vshrl.u32 v26, $0x13;
	v26 =	vshll.u32 v26, $0xD  }
0x149: {  	v23 =	vadd.s32 v25, v23;
	v30 =	vshrl.u32 v22, $0x13;
	v22 =	vshll.u32 v22, $0xD  }
0x14a: {  	v31 =	vshrl.u32 v25, $0x13;
	v25 =	vshll.u32 v25, $0xD;
	v20 =	vadd.s32 $0x2A, v20  }
0x14b: {  	v21 =	vadd.s32 $0x2A, v21;
	v26 =	vor.u32 v29, v26;
	v27 =	vor.u32 v28, v27  }
0x14c: {  	v23 =	vadd.s32 $0x2A, v23;
	v24 =	vadd.s32 $0x2A, v24;
	v22 =	vor.u32 v30, v22  }
0x14d: {  	v25 =	vor.u32 v31, v25;
	v26 =	vxor.u32 v21, v26;
	v27 =	vxor.u32 v20, v27  }
0x14e: {  	v25 =	vxor.u32 v23, v25;
	v22 =	vxor.u32 v24, v22;
	v20 =	vadd.s32 v20, v27  }
0x14f: {  	v21 =	vadd.s32 v21, v26;
	v28 =	vshrl.u32 v27, $0x11;
	v27 =	vshll.u32 v27, $0xF  }
0x150: {  	v24 =	vadd.s32 v24, v22;
	v29 =	vshrl.u32 v26, $0x11;
	v26 =	vshll.u32 v26, $0xF  }
0x151: {  	v23 =	vadd.s32 v23, v25;
	v30 =	vshrl.u32 v22, $0x11;
	v22 =	vshll.u32 v22, $0xF  }
0x152: {  	v31 =	vshrl.u32 v25, $0x11;
	v25 =	vshll.u32 v25, $0xF;
	v27 =	vor.u32 v28, v27  }
0x153: {  	v25 =	vor.u32 v31, v25;
	v22 =	vor.u32 v30, v22;
	v26 =	vor.u32 v29, v26  }
0x154: {  	v22 =	vxor.u32 v24, v22;
	v26 =	vxor.u32 v21, v26;
	v27 =	vxor.u32 v20, v27  }
0x155: {  	v25 =	vxor.u32 v23, v25;
	v21 =	vadd.s32 v21, v26;
	v20 =	vadd.s32 v20, v27  }
0x156: {  	v24 =	vadd.s32 v24, v22;
	v28 =	vshrl.u32 v27, $0x6;
	v27 =	vshll.u32 v27, $0x1A  }
0x157: {  	v29 =	vshrl.u32 v22, $0x6;
	v30 =	vshrl.u32 v26, $0x6;
	v26 =	vshll.u32 v26, $0x1A  }
0x158: {  	v23 =	vadd.s32 v23, v25;
	v31 =	vshrl.u32 v25, $0x6;
	v22 =	vshll.u32 v22, $0x1A  }
0x159: {  	v25 =	vshll.u32 v25, $0x1A;
	v26 =	vor.u32 v30, v26;
	v27 =	vor.u32 v28, v27  }
0x15a: {  	v25 =	vor.u32 v31, v25;
	v22 =	vor.u32 v29, v22;
	v27 =	vxor.u32 v20, v27  }
0x15b: {  	v25 =	vxor.u32 v23, v25;
	v22 =	vxor.u32 v24, v22;
	v26 =	vxor.u32 v21, v26  }
0x15c: {  	v21 =	vadd.s32 v21, v26;
	v20 =	vadd.s32 v20, v27;
	v28 =	vshrl.u32 v27, $0x1A  }
0x15d: {  	v24 =	vadd.s32 v24, v22;
	v29 =	vshrl.u32 v26, $0x1A;
	v27 =	vshll.u32 v27, $0x6  }
0x15e: {  	v30 =	vshrl.u32 v22, $0x1A;
	v22 =	vshll.u32 v22, $0x6;
	v26 =	vshll.u32 v26, $0x6  }
0x15f: {  	v23 =	vadd.s32 v23, v25;
	v31 =	vshrl.u32 v25, $0x1A;
	v25 =	vshll.u32 v25, $0x6  }
0x160: {  	v32 =	vadd.s32 $0x1BD11BF0, v24;
	v33 =	vadd.s32 $0x1BD11BF0, v21;
	v34 =	vadd.s32 $0x1BD11BF0, v20  }
0x161: {  	s16 =	sadd.s32 $0x40, s16;
	v35 =	vadd.s32 $0x1BD11BF0, v23;
	v26 =	vor.u32 v29, v26;
	v27 =	vor.u32 v28, v27  }
0x162: {  	v25 =	vor.u32 v31, v25;
	v22 =	vor.u32 v30, v22;
	v20 =	vxor.u32 v20, v27;
	v28 =	vld [tilespmem:s16+$0xFFFFFFE0]  }
0x163: {  	v23 =	vxor.u32 v23, v25;
	v22 =	vxor.u32 v24, v22;
	v21 =	vxor.u32 v21, v26;
	v24 =	vld [tilespmem:s16+$0x10]  }
0x164: {  	v23 =	vadd.s32 $0x5, v23;
	v21 =	vadd.s32 $0x5, v21;
	v20 =	vadd.s32 $0x5, v20;
	v25 =	vld [tilespmem:s16+$0xFFFFFFF0]  }
0x165: {  	v22 =	vadd.s32 $0x5, v22;
	v23 =	vxor.u32 v35, v23;
	v20 =	vxor.u32 v34, v20;
	v26 =	vld [tilespmem:s16+$0x0]  }
0x166: {  	v22 =	vxor.u32 v32, v22;
	v21 =	vxor.u32 v33, v21;
	v23 =	vshrl.u32 v23, $0x9  }
0x167: {  	v21 =	vshrl.u32 v21, $0x9;
	v20 =	vshrl.u32 v20, $0x9;
	v23 =	vand.u32 v23, v28  }
0x168: {  	v22 =	vshrl.u32 v22, $0x9;
	vm0 =	vgt.s32 v23, v13;
	v20 =	vand.u32 v20, v24  }
.Ltmp0:
0x169: {  	v13 =	vsel vm0, v23, v13;
	v14 =	vsel vm0, v12, v14;
	v22 =	vand.u32 v22, v25;
	(pc) =	sbr.rel @p0 .LBB2_4-.Ltmp0, $4  }
0x16a: {  	vm0 =	vgt.u32 v22, v13;
	v13 =	vmax.u32 v22, v13;
	v21 =	vand.u32 v21, v26  }
0x16b: {  	v14 =	vsel vm0, v19, v14;
	vm0 =	vgt.u32 v21, v13;
	v13 =	vmax.u32 v21, v13  }
0x16c: {  	v14 =	vsel vm0, v18, v14;
	vm0 =	vgt.u32 v20, v13;
	v13 =	vmax.u32 v20, v13  }
0x16d: {  	v12 =	vadd.s32 $0x40, v12;
	v14 =	vsel vm0, v17, v14  }
0x16e: {  	v4 =	vadd.s32 $0x40, v10;
	v5 =	vadd.s32 v3, v12  }
0x16f: {  	vm0 =	vlt.s32 v5, v4;
	v31 =	vadd.s32 $0x8000002A, v5  }
0x170: {  	v32 =	vsel vm0, v2, v1;
	v6 =	vshrl.u32 v31, $0x13;
	v7 =	vshll.u32 v31, $0xD  }
0x171: {  	v4 =	vadd.s32 v31, v32;
	v33 =	vor.u32 v6, v7  }
0x172: {  	v5 =	vxor.u32 v33, v4  }
0x173: {  	v34 =	vshrl.u32 v5, $0x11;
	v35 =	vshll.u32 v5, $0xF  }
0x174: {  	v4 =	vadd.s32 v4, v5;
	v36 =	vor.u32 v34, v35  }
0x175: {  	v5 =	vxor.u32 v4, v36  }
0x176: {  	v37 =	vshrl.u32 v5, $0x6;
	v38 =	vshll.u32 v5, $0x1A  }
0x177: {  	v4 =	vadd.s32 v4, v5;
	v39 =	vor.u32 v37, v38  }
0x178: {  	v5 =	vxor.u32 v4, v39  }
0x179: {  	v40 =	vshrl.u32 v5, $0x1A;
	v41 =	vshll.u32 v5, $0x6  }
0x17a: {  	v4 =	vadd.s32 v4, v5;
	v42 =	vor.u32 v40, v41  }
0x17b: {  	v5 =	vxor.u32 v4, v42  }
0x17c: {  	v5 =	vadd.s32 $0x1BD11BF1, v5  }
0x17d: {  	v4 =	vadd.s32 v5, v4;
	v43 =	vshrl.u32 v5, $0xF;
	v5 =	vshll.u32 v5, $0x11  }
0x17e: {  	v4 =	vadd.s32 $0x2A, v4;
	v5 =	vor.u32 v43, v5  }
0x17f: {  	v5 =	vxor.u32 v4, v5  }
0x180: {  	v44 =	vshrl.u32 v5, $0x3;
	v45 =	vshll.u32 v5, $0x1D  }
0x181: {  	v4 =	vadd.s32 v4, v5;
	v46 =	vor.u32 v44, v45  }
0x182: {  	v5 =	vxor.u32 v4, v46  }
0x183: {  	v47 =	vadd.s32 v4, v5  }
0x184: {  	v48 =	vshrl.u32 v5, $0x10;
	v5 =	vshll.u32 v5, $0x10;
	v4 =	vadd.s32 $0x50, v16  }
0x185: {  	v49 =	vadd.s32 $0x50, v15;
	v5 =	vor.u32 v48, v5;
	v3 =	vadd.s32 v3, v4  }
0x186: {  	v5 =	vxor.u32 v47, v5;
	vm11 =	vlt.s32 v3, v49;
	v3 =	vadd.s32 $0x8000002A, v3  }
0x187: {  	v1 =	vsel vm11, v2, v1;
	v2 =	vshrl.u32 v3, $0x13;
	v50 =	vshll.u32 v3, $0xD  }
0x188: {  	v6 =	vadd.s32 v47, v5;
	v1 =	vadd.s32 v3, v1;
	v2 =	vor.u32 v2, v50  }
0x189: {  	v3 =	vshrl.u32 v5, $0x8;
	v5 =	vshll.u32 v5, $0x18;
	v2 =	vxor.u32 v2, v1  }
0x18a: {  	v3 =	vor.u32 v3, v5;
	v51 =	vshrl.u32 v2, $0x11;
	v52 =	vshll.u32 v2, $0xF  }
0x18b: {  	v3 =	vxor.u32 v6, v3;
	v1 =	vadd.s32 v1, v2;
	v2 =	vor.u32 v51, v52  }
0x18c: {  	v3 =	vadd.s32 $0x2, v3;
	v2 =	vxor.u32 v1, v2  }
0x18d: {  	v53 =	vadd.s32 v3, v6;
	v54 =	vshrl.u32 v2, $0x6;
	v55 =	vshll.u32 v2, $0x1A  }
0x18e: {  	v56 =	vshrl.u32 v3, $0x13;
	v1 =	vadd.s32 v1, v2;
	v2 =	vor.u32 v54, v55  }
0x18f: {  	v3 =	vshll.u32 v3, $0xD;
	v5 =	vadd.s32 $0x1BD11BF0, v53;
	v2 =	vxor.u32 v1, v2  }
0x190: {  	v3 =	vor.u32 v56, v3;
	v57 =	vshrl.u32 v2, $0x1A;
	v58 =	vshll.u32 v2, $0x6  }
0x191: {  	v3 =	vxor.u32 v5, v3;
	v1 =	vadd.s32 v1, v2;
	v2 =	vor.u32 v57, v58  }
0x192: {  	v5 =	vadd.s32 v5, v3;
	v2 =	vxor.u32 v1, v2  }
0x193: {  	v59 =	vshrl.u32 v3, $0x11;
	v3 =	vshll.u32 v3, $0xF;
	v2 =	vadd.s32 $0x1BD11BF1, v2  }
0x194: {  	v1 =	vadd.s32 v2, v1;
	v60 =	vshrl.u32 v2, $0xF;
	v2 =	vshll.u32 v2, $0x11  }
0x195: {  	v3 =	vor.u32 v59, v3;
	v1 =	vadd.s32 $0x2A, v1;
	v2 =	vor.u32 v60, v2  }
0x196: {  	v3 =	vxor.u32 v5, v3;
	v2 =	vxor.u32 v1, v2  }
0x197: {  	v61 =	vshrl.u32 v3, $0x6;
	v62 =	vshrl.u32 v2, $0x3;
	v8 =	vshll.u32 v2, $0x1D  }
0x198: {  	v1 =	vadd.s32 v1, v2;
	v2 =	vshll.u32 v3, $0x1A;
	v7 =	vor.u32 v62, v8  }
0x199: {  	v3 =	vadd.s32 v5, v3;
	v2 =	vor.u32 v61, v2;
	v63 =	vxor.u32 v1, v7  }
0x19a: {  	v2 =	vxor.u32 v3, v2;
	v9 =	vshrl.u32 v63, $0x10;
	v7 =	vshll.u32 v63, $0x10  }
0x19b: {  	v3 =	vadd.s32 v3, v2;
	v1 =	vadd.s32 v1, v63;
	v10 =	vor.u32 v9, v7  }
0x19c: {  	v11 =	vshrl.u32 v2, $0x1A;
	v2 =	vshll.u32 v2, $0x6;
	v5 =	vxor.u32 v1, v10  }
0x19d: {  	v2 =	vor.u32 v11, v2;
	v15 =	vshrl.u32 v5, $0x8;
	v16 =	vshll.u32 v5, $0x18  }
0x19e: {  	v2 =	vxor.u32 v3, v2;
	v1 =	vadd.s32 v1, v5;
	v17 =	vor.u32 v15, v16  }
0x19f: {  	v2 =	vadd.s32 $0x2D, v2;
	v5 =	vxor.u32 v1, v17  }
0x1a0: {  	v18 =	vshrl.u32 v2, $0xF;
	v5 =	vadd.s32 $0x2, v5  }
0x1a1: {  	v1 =	vadd.s32 v5, v1;
	v19 =	vshrl.u32 v5, $0x13;
	v5 =	vshll.u32 v5, $0xD  }
0x1a2: {  	v20 =	vshll.u32 v2, $0x11;
	v1 =	vadd.s32 $0x1BD11BF0, v1;
	v5 =	vor.u32 v19, v5  }
0x1a3: {  	v2 =	vadd.s32 v3, v2;
	v3 =	vor.u32 v18, v20;
	v5 =	vxor.u32 v1, v5  }
0x1a4: {  	v3 =	vxor.u32 v2, v3;
	v21 =	vshrl.u32 v5, $0x11;
	v22 =	vshll.u32 v5, $0xF  }
0x1a5: {  	v2 =	vadd.s32 v2, v3;
	v1 =	vadd.s32 v1, v5;
	v23 =	vor.u32 v21, v22  }
0x1a6: {  	v24 =	vshrl.u32 v3, $0x3;
	v3 =	vshll.u32 v3, $0x1D;
	v5 =	vxor.u32 v1, v23  }
0x1a7: {  	v3 =	vor.u32 v24, v3;
	v25 =	vshrl.u32 v5, $0x6;
	v26 =	vshll.u32 v5, $0x1A  }
0x1a8: {  	v3 =	vxor.u32 v2, v3;
	v1 =	vadd.s32 v1, v5;
	v27 =	vor.u32 v25, v26  }
0x1a9: {  	v2 =	vadd.s32 v2, v3;
	v28 =	vshrl.u32 v3, $0x10;
	v5 =	vxor.u32 v1, v27  }
0x1aa: {  	v3 =	vshll.u32 v3, $0x10;
	v29 =	vshrl.u32 v5, $0x1A;
	v30 =	vshll.u32 v5, $0x6  }
0x1ab: {  	v3 =	vor.u32 v28, v3;
	v1 =	vadd.s32 v1, v5;
	v31 =	vor.u32 v29, v30  }
0x1ac: {  	v3 =	vxor.u32 v2, v3;
	v5 =	vxor.u32 v1, v31  }
0x1ad: {  	v2 =	vadd.s32 v2, v3;
	v32 =	vshrl.u32 v3, $0x8;
	v5 =	vadd.s32 $0x2D, v5  }
0x1ae: {  	v3 =	vshll.u32 v3, $0x18;
	v33 =	vshrl.u32 v5, $0xF;
	v34 =	vshll.u32 v5, $0x11  }
0x1af: {  	v3 =	vor.u32 v32, v3;
	v1 =	vadd.s32 v1, v5;
	v35 =	vor.u32 v33, v34  }
0x1b0: {  	v3 =	vxor.u32 v2, v3;
	v5 =	vxor.u32 v1, v35  }
0x1b1: {  	v3 =	vadd.s32 $0x1BD11BF4, v3;
	v36 =	vshrl.u32 v5, $0x3;
	v37 =	vshll.u32 v5, $0x1D  }
0x1b2: {  	v2 =	vadd.s32 v3, v2;
	v1 =	vadd.s32 v1, v5;
	v38 =	vor.u32 v36, v37  }
0x1b3: {  	v39 =	vshrl.u32 v3, $0x13;
	v3 =	vshll.u32 v3, $0xD;
	v5 =	vxor.u32 v1, v38  }
0x1b4: {  	v2 =	vadd.s32 $0x2A, v2;
	v40 =	vshrl.u32 v5, $0x10;
	v41 =	vshll.u32 v5, $0x10  }
0x1b5: {  	v3 =	vor.u32 v39, v3;
	v1 =	vadd.s32 v1, v5;
	v42 =	vor.u32 v40, v41  }
0x1b6: {  	v3 =	vxor.u32 v2, v3;
	v5 =	vxor.u32 v1, v42  }
0x1b7: {  	v43 =	vshrl.u32 v3, $0x11;
	v44 =	vshrl.u32 v5, $0x8;
	v45 =	vshll.u32 v5, $0x18  }
0x1b8: {  	v46 =	vshll.u32 v3, $0xF;
	v1 =	vadd.s32 v1, v5;
	v7 =	vor.u32 v44, v45  }
0x1b9: {  	v2 =	vadd.s32 v2, v3;
	v3 =	vor.u32 v43, v46;
	v47 =	vxor.u32 v1, v7  }
0x1ba: {  	v3 =	vxor.u32 v2, v3;
	v5 =	vadd.s32 $0x1BD11BF4, v47  }
0x1bb: {  	v1 =	vadd.s32 v5, v1;
	v48 =	vshrl.u32 v5, $0x13;
	v5 =	vshll.u32 v5, $0xD  }
0x1bc: {  	v2 =	vadd.s32 v2, v3;
	v1 =	vadd.s32 $0x2A, v1;
	v5 =	vor.u32 v48, v5  }
0x1bd: {  	v49 =	vshrl.u32 v3, $0x6;
	v3 =	vshll.u32 v3, $0x1A;
	v5 =	vxor.u32 v1, v5  }
0x1be: {  	v3 =	vor.u32 v49, v3;
	v50 =	vshrl.u32 v5, $0x11;
	v51 =	vshll.u32 v5, $0xF  }
0x1bf: {  	v3 =	vxor.u32 v2, v3;
	v1 =	vadd.s32 v1, v5;
	v52 =	vor.u32 v50, v51  }
0x1c0: {  	v2 =	vadd.s32 v2, v3;
	v53 =	vshrl.u32 v3, $0x1A;
	v5 =	vxor.u32 v1, v52  }
0x1c1: {  	v3 =	vshll.u32 v3, $0x6;
	v54 =	vshrl.u32 v5, $0x6;
	v55 =	vshll.u32 v5, $0x1A  }
0x1c2: {  	v3 =	vor.u32 v53, v3;
	v1 =	vadd.s32 v1, v5;
	v56 =	vor.u32 v54, v55  }
0x1c3: {  	v57 =	vld [tilespmem:$0x186C0];
	v3 =	vxor.u32 v2, v3;
	v5 =	vxor.u32 v1, v56  }
0x1c4: {  	v2 =	vadd.s32 $0x1BD11BF0, v2;
	v58 =	vshrl.u32 v5, $0x1A;
	v59 =	vshll.u32 v5, $0x6  }
0x1c5: {  	v61 =	vld [tilespmem:$0x186D0];
	v3 =	vadd.s32 $0x5, v3;
	v1 =	vadd.s32 v1, v5;
	v60 =	vor.u32 v58, v59  }
0x1c6: {  	v2 =	vxor.u32 v2, v3;
	v3 =	vxor.u32 v1, v60  }
0x1c7: {  	v2 =	vshrl.u32 v2, $0x9;
	v1 =	vadd.s32 $0x1BD11BF0, v1;
	v3 =	vadd.s32 $0x5, v3  }
0x1c8: {  	v2 =	vand.u32 v2, v57;
	v1 =	vxor.u32 v1, v3  }
0x1c9: {  	vm12 =	vgt.s32 v2, v13;
	v1 =	vshrl.u32 v1, $0x9  }
0x1ca: {  	v3 =	vsel vm12, v2, v13;
	v1 =	vand.u32 v1, v61  }
0x1cb: {  	v62 =	vmax.u32 v1, v3  }
0x1cc: {  	v63 =	vor.u32 $0x80000000, v62  }
0x1cd: {  	(xrf0) =	vmax.scan.msk.u32 $0xffff, v63;
	_ =	sdelay $0x5  }
0x1ce: {  	v6, _, _ =	vpop (xrf0)  }
0x1cf: {  	(v2sf) =	vpush v6, $0xF;
	_ =	sdelay $0xd  }
0x1d0: {  	vm13 =	vgt.u32 v2, v13  }
0x1d1: {  	v2 =	vsel vm13, v12, v14;
	vm14 =	vgt.u32 v1, v3;
	s16 =	spop (v2sf)  }
0x1d2: {  	v1 =	vsel vm14, v4, v2;
	s16 =	sxor.u32 $0x80000000, s16  }
0x1d3: {  	v1 =	vxor.u32 $0x80000000, v1;
	vm15 =	veq.s32 v62, s16  }
0x1d4: {  	v1 =	vnsel vm15, $0xC0000000, v1  }
0x1d5: {  	(xrf0) =	vmin.scan.msk.u32 $0xffff, v1;
	_ =	sdelay $0x5  }
0x1d6: {  	v1, _, _ =	vpop (xrf0)  }
0x1d7: {  	(v2sf) =	vpush v1, $0xF;
	_ =	sdelay $0xb  }
0x1d8: {  	v1 =	vmov s14;
	s14 =	sadd.s32 $0x1, s14  }
0x1d9: {  	p0 =	sne.s32 s14, $0x64  }
.Ltmp1:
0x1da: {  	_ = 	snop;
	(pc) =	sbr.rel @p0 .LBB2_3-.Ltmp1, $4  }
0x1db: {  	s31 =	spop (v2sf)  }
0x1dc: {  	s16 =	sxor.u32 $0x80000000, s31  }
0x1dd: {  	v2 =	vmov s16  }
0x1de: {  	[tilespmem:v1+s10+$0x0] =	vst.idx.msk $0x1, v2  }
0x1df: {  	s13 =	smul.u32 $0xD, s13;
	s12 =	sadd.s32 $0x1, s12  }
0x1e0: {  	p0 =	sne.s32 s12, $0x9  }
.Ltmp2:
0x1e1: {  	s13 =	sadd.s32 s5, s13;
	(pc) =	sbr.rel @p0 .LBB2_2-.Ltmp2, $4  }
0x1e2: {  	[hbm4b:s13+s2] =	stream.linear.scatter [tilespmem:s10], [sflag:$0x1], $0x68, $0x38;
	[tilespmem:$0x18748] =	vst v63  }
0x1e3: {  	_ =	swait.ge [sflag:s8], $0x68  }
0x1e4: {  	[sflag:s8] =	ssyncset.done $0x0  }
0x1e5: {  	[sflag:s8] =	ssyncadd.s32 $0xFFFFFF98  }
0x1e6: {  	s11 =	sadd.s32 $0x1, s11  }
0x1e7: {  	p0 =	sne.s32 s11, s7  }
.Ltmp3:
0x1e8: {  	_ = 	snop;
	(pc) =	sbr.rel @p0 .LBB2_1-.Ltmp3, $1  }
0x1e9: {  	_ =	sdelay $0x3  }
0x1ea: {  	_ =	sfence.sel $0x180000  }
0x1eb: {  	[bflag:$0x0] =	sbarrier.arrive $0xFFFF  }
0x1ec: {  	p0 =	sne.s32 s3, $0x0;
	_ =	strace $0x90000047  }
0x1ed: {  	s0 =	sadd.s32 @!p0 $0x100000, s0;
	[bflag:$0x2] =	sbarrier.arrive $0xFFFF  }
0x1ee: {  	[sflag:s0] =	ssyncadd.tile.s32 @!p0 $0x1;
	_ =	shalt  }
.Lfunc_end2:
_tile_overlayer_lowered:
.L_overlay_start_2:
0x1ef: {  	(tag) =	ssettag $0x2  }
0x1f0: {  	s0 =	rddreg [dreg:$0x0];
	s2 =	stileid.u32  }
0x1f1: {  	s1 =	rddreg [dreg:$0x1];
	p0 =	sne.s32 s2, $0x0  }
0x1f2: {  	s3 =	rddreg [dreg:$0x2];
	[bflag:$0x3] =	sbarrier.arrive $0xFFFF;
	s2 =	simm.s32 @!p0 $0x1C01  }
0x1f3: {  	[timem:s3], [sflag:s2] =	dma.local @!p0 [hbm:s0], s1  }
0x1f4: {  	s0 =	simm.s32 @!p0 $0x1  }
0x1f5: {  	_ =	swait.ge @!p0 [sflag:s0], s1  }
0x1f6: {  	s1 =	ssub.s32 @!p0 $0x0, s1;
	[sflag:s0] =	ssyncset.done @!p0 $0x0  }
0x1f7: {  	[sflag:s0] =	ssyncadd.s32 @!p0 s1  }
0x1f8: {  	[bflag:$0x3] =	sbarrier.arrive $0xFFFF  }
0x1f9: {  	_ =	shalt  }

// kernel: kernel.9.cloned.1.call-start
scs
__scs_entry_jumppad:
0x0: {  	(pc) =	sbr.rel $0x88, $3  }
0x1: {  	(tag) =	ssettag $0x0;
	lr =	simm.s32 $0x1  }
0x2: {  	[smem:$0x3F9D] =	sst lr;
	_ =	strace $0xD0000000  }
0x3: {  	_ = 	snop  }
0x4: {  	_ = 	snop  }
0x5: {  	_ = 	snop  }
0x6: {  	_ = 	snop  }
0x7: {  	_ = 	snop  }
__scs_overlays_trampoline_lowered:
0x8: {  	[smem:$0x3FAC] =	sst s0  }
0x9: {  	[smem:$0x3FAD] =	sst s1  }
0xa: {  	[smem:$0x3FAE] =	sst s2  }
0xb: {  	[smem:$0x3FAF] =	sst s3  }
0xc: {  	[smem:$0x3FB0] =	sst s4  }
0xd: {  	[smem:$0x3FB1] =	sst s5  }
0xe: {  	[smem:$0x3FB2] =	sst s6  }
0xf: {  	[smem:$0x3FB3] =	sst s7  }
0x10: {  	[smem:$0x3FB4] =	sst s8  }
0x11: {  	[smem:$0x3FB5] =	sst s9;
	s0 =	simm.s32 @!p0 $0x0  }
0x12: {  	s1 =	sld [smem:$0x3F9B];
	s0 =	simm.s32 @p0 $0x1  }
0x13: {  	[smem:$0x3FB6] =	sst s0;
	s0 =	simm.s32 @!p1 $0x0  }
0x14: {  	s2 =	sld [smem:$0x3F9A];
	s0 =	simm.s32 @p1 $0x1  }
0x15: {  	[smem:$0x3FB7] =	sst s0;
	s0 =	simm.s32 @!p2 $0x0  }
0x16: {  	s3 =	sld [smem:$0x3FDB];
	s0 =	simm.s32 @p2 $0x1  }
0x17: {  	s4 =	simm.s32 $0x1BF5;
	[smem:$0x3FB9] =	sst s0  }
0x18: {  	s0 =	sld [smem:$0x3F9C];
	_ =	swait.ge [sflag:s4], $0x0  }
0x19: {  	s7 =	sld [smem:$0x3F9D]  }
0x1a: {  	s8 =	sadd.s32 $0xFFFFE003, lr  }
0x1b: {  	s9 =	sadd.s32 $0xFFFFFEF7, lr;
	s5 =	simm.s32 $0xFFFFFFFF;
	p2 =	slt.u32 s8, $0xFFFFF086  }
0x1c: {  	p1 =	slt.u32 s9, $0xF7A;
	s5 =	simm.s32 @!p2 $0x0  }
0x1d: {  	s5 =	simm.s32 @p1 $0x1;
	p0 =	seq.s32 s7, s2  }
0x1e: {  	s7 =	smul.u32 @!p0 $0xF7A, s2;
	p2 =	seq.s32 @!p0 s5, $0x0  }
0x1f: {  	s9 =	smul.u32 $0xF7A, s1;
	s8 =	simm.s32 @!p0 $0x1BF5;
	p2 =	por !p2, p0  }
0x20: {  	[sflag:s8] =	ssyncset.s32 @!p0 $0xFFFFF086;
	s6 =	sadd.s32 @!p0 s3, s7;
	s7 =	simm.s32 @!p0 $0x108  }
0x21: {  	s3 =	sadd.s32 s3, s9;
	s6 =	sadd.s32 @!p0 $0x88, s6;
	s7 =	simm.s32 @p2 $0x1082  }
0x22: {  	[simem:s7], [sflag:s8] =	dma.local @!p0 [hbm:s6], $0xF7A  }
0x23: {  	s9 =	sor.u32 $0xD0000000, s2;
	s6 =	simm.s32 $0x108;
	_ =	swait.ge @!p0 [sflag:s8], $0x0  }
0x24: {  	s3 =	sadd.s32 $0x88, s3;
	s6 =	simm.s32 @!p1 $0x1082;
	[sflag:s4] =	ssyncset.s32 $0xFFFFF086  }
0x25: {  	[simem:s6], [sflag:s4] =	dma.local [hbm:s3], $0xF7A  }
0x26: {  	[smem:$0x3F9D] =	sst s1;
	(tag) =	ssettag s2;
	_ =	strace s9  }
0x27: {  	s1 =	sld [smem:$0x3FAD]  }
0x28: {  	s2 =	sld [smem:$0x3FAE]  }
0x29: {  	s4 =	sld [smem:$0x3FB0]  }
0x2a: {  	p0 =	seq.s32 s5, $0x0;
	s5 =	sld [smem:$0x3FB1]  }
0x2b: {  	s6 =	sld [smem:$0x3FB2]  }
0x2c: {  	s7 =	sld [smem:$0x3FB3]  }
0x2d: {  	s3 =	simm.s32 $0x108;
	s8 =	sld [smem:$0x3FB4]  }
0x2e: {  	s3 =	simm.s32 @!p0 $0x1082;
	s9 =	sld [smem:$0x3FB5]  }
0x2f: {  	lr =	sadd.s32 s0, s3;
	s0 =	sld [smem:$0x3FAC]  }
0x30: {  	s3 =	sld [smem:$0x3FAF]  }
0x31: {  	[smem:$0x3FB8] =	sst s10  }
0x32: {  	s10 =	sld [smem:$0x3FB6];
	_ =	sdelay $0x3  }
0x33: {  	p0 =	seq.s32 s10, $0x1;
	s10 =	sld [smem:$0x3FB8];
	_ =	sdelay $0x3  }
0x34: {  	[smem:$0x3FB8] =	sst s10  }
0x35: {  	s10 =	sld [smem:$0x3FB7];
	_ =	sdelay $0x3  }
0x36: {  	p1 =	seq.s32 s10, $0x1;
	s10 =	sld [smem:$0x3FB8];
	_ =	sdelay $0x3  }
0x37: {  	[smem:$0x3FB8] =	sst s10  }
0x38: {  	s10 =	sld [smem:$0x3FB9]  }
0x39: {  	_ = 	snop;
	(pc) =	sbr.ind lr, $3  }
0x3a: {  	_ = 	snop  }
0x3b: {  	_ = 	snop  }
0x3c: {  	p2 =	seq.s32 s10, $0x1;
	s10 =	sld [smem:$0x3FB8]  }
0x3d: {  	_ =	shalt  }
0x3e: {  	_ =	shalt  }
0x3f: {  	_ =	shalt  }
0x40: {  	_ =	shalt  }
0x41: {  	_ =	shalt  }
0x42: {  	_ =	shalt  }
0x43: {  	_ =	shalt  }
0x44: {  	_ =	shalt  }
0x45: {  	_ =	shalt  }
0x46: {  	_ =	shalt  }
0x47: {  	_ =	shalt  }
0x48: {  	_ =	shalt  }
0x49: {  	_ =	shalt  }
0x4a: {  	_ =	shalt  }
0x4b: {  	_ =	shalt  }
0x4c: {  	_ =	shalt  }
0x4d: {  	_ =	shalt  }
0x4e: {  	_ =	shalt  }
0x4f: {  	_ =	shalt  }
0x50: {  	_ =	shalt  }
0x51: {  	_ =	shalt  }
0x52: {  	_ =	shalt  }
0x53: {  	_ =	shalt  }
0x54: {  	_ =	shalt  }
0x55: {  	_ =	shalt  }
0x56: {  	_ =	shalt  }
0x57: {  	_ =	shalt  }
0x58: {  	_ =	shalt  }
0x59: {  	_ =	shalt  }
0x5a: {  	_ =	shalt  }
0x5b: {  	_ =	shalt  }
0x5c: {  	_ =	shalt  }
0x5d: {  	_ =	shalt  }
0x5e: {  	_ =	shalt  }
0x5f: {  	_ =	shalt  }
0x60: {  	_ =	shalt  }
0x61: {  	_ =	shalt  }
0x62: {  	_ =	shalt  }
0x63: {  	_ =	shalt  }
0x64: {  	_ =	shalt  }
0x65: {  	_ =	shalt  }
0x66: {  	_ =	shalt  }
0x67: {  	_ =	shalt  }
0x68: {  	_ =	shalt  }
0x69: {  	_ =	shalt  }
0x6a: {  	_ =	shalt  }
0x6b: {  	_ =	shalt  }
0x6c: {  	_ =	shalt  }
0x6d: {  	_ =	shalt  }
0x6e: {  	_ =	shalt  }
0x6f: {  	_ =	shalt  }
0x70: {  	_ =	shalt  }
0x71: {  	_ =	shalt  }
0x72: {  	_ =	shalt  }
0x73: {  	_ =	shalt  }
0x74: {  	_ =	shalt  }
0x75: {  	_ =	shalt  }
0x76: {  	_ =	shalt  }
0x77: {  	_ =	shalt  }
0x78: {  	_ =	shalt  }
0x79: {  	_ =	shalt  }
0x7a: {  	_ =	shalt  }
0x7b: {  	_ =	shalt  }
0x7c: {  	_ =	shalt  }
0x7d: {  	_ =	shalt  }
0x7e: {  	_ =	shalt  }
0x7f: {  	_ =	shalt  }
0x80: {  	_ =	shalt  }
0x81: {  	_ =	shalt  }
0x82: {  	_ =	shalt  }
0x83: {  	_ =	shalt  }
0x84: {  	_ =	shalt  }
0x85: {  	_ =	shalt  }
0x86: {  	_ =	shalt  }
0x87: {  	_ =	shalt  }
.Lfunc_end0:
.L_simem_size_0:
called_computation.1_lowered:
.L_overlay_start_0:
0x88: {  	s2 =	sld [smem:$0x3FD9]  }
0x89: {  	s3 =	sld [smem:$0x3FFE];
	_ =	sdelay $0x1  }
0x8a: {  	s1 =	srdreg.scid  }
0x8b: {  	s0 =	sand.u32 $0x1, s1  }
0x8c: {  	s17 =	sshll.u32 s0, $0xA;
	s2 =	sadd.s32 s3, s2  }
0x8d: {  	s2 =	sadd.s32 s2, s17  }
0x8e: {  	[smem:$0x3FC4] =	sst s2  }
0x8f: {  	_ = 	snop  }
0x90: {  	s2 =	sld [smem:$0x3FD0];
	(tm) =	ssettm $0x1  }
0x91: {  	s18 =	sld [smem:$0x3FFB];
	_ =	sdelay $0x3  }
0x92: {  	_ =	strace s18  }
0x93: {  	s3 =	sld [smem:$0x3FFC];
	_ =	sdelay $0x3  }
0x94: {  	_ =	strace s3  }
0x95: {  	s3 =	sld [smem:$0x3FFD];
	_ =	sdelay $0x3  }
0x96: {  	_ =	strace s3  }
0x97: {  	_ =	strace $0x8FFFFFFF  }
0x98: {  	s19 =	sld [smem:$0x3FDB];
	_ =	sdelay $0x1  }
0x99: {  	s4 =	simm.s32 $_scs_section_size  }
0x9a: {  	s5 =	simm.s32 $_size__tile_overlayer_lowered;
	s6 =	simm.s32 $_tile_overlayer_lowered  }
0x9b: {  	s22 =	simm.s32 $0x1BFF;
	s21 =	sshll.u32 s6, $0x1;
	s3 =	sadd.s32 s4, s19  }
0x9c: {  	s7 =	simm.s32 $0x0;
	s20 =	sshll.u32 s5, $0x1;
	s5 =	sadd.s32 s21, s3  }
0x9d: {  	[timem:s7], [sflag:s22] =	dma.local [hbm:s5], s20  }
0x9e: {  	_ =	swait.ge [sflag:s22], s20  }
0x9f: {  	s4 =	ssub.s32 $0x0, s20;
	[sflag:s22] =	ssyncset.done $0x0  }
0xa0: {  	[sflag:s22] =	ssyncadd.s32 s4;
	_ =	sdelay $0x1  }
0xa1: {  	s23 =	simm.s32 $0x1B8B  }
0xa2: {  	_ =	swait.ge [sflag:s23], $0x1  }
0xa3: {  	[sflag:s23] =	ssyncset.done $0x0  }
0xa4: {  	s25 =	simm.s32 $0x1B8E;
	s24 =	sld [smem:$0x3FFE];
	[sflag:s23] =	ssyncadd.s32 $0xFFFFFFFF  }
0xa5: {  	s26 =	simm.s32 $execute0_lowered;
	[smem:$0x3FD2] =	sst s25  }
0xa6: {  	s5 =	sshll.u32 s26, $0x1;
	_ =	strace $0x80000049;
	[dreg:$0x1] =	wrdreg $0xFFFFFFFF  }
0xa7: {  	s28 =	simm.s32 $_size_execute0_lowered;
	s3 =	sadd.s32 s3, s5;
	[dreg:$0x0] =	wrdreg $0x0  }
0xa8: {  	s5 =	sshll.u32 s28, $0x1;
	[dreg:$0x2] =	wrdreg s3  }
0xa9: {  	[dreg:$0x3] =	wrdreg s5  }
0xaa: {  	[dreg:$0x4] =	wrdreg $0xC0  }
0xab: {  	_ =	task [dreg:s7], $0x5FFFF  }
0xac: {  	[dreg:$0x1] =	wrdreg $0xFFFFFFFF  }
0xad: {  	[dreg:$0x0] =	wrdreg $0x60  }
0xae: {  	[dreg:$0x2] =	wrdreg s24  }
0xaf: {  	[dreg:$0x3] =	wrdreg s2  }
0xb0: {  	[dreg:$0x4] =	wrdreg $0x9  }
0xb1: {  	_ =	task.clear_ibuf [dreg:s7], $0x5FFFF;
	_ =	strace $0x90000049  }
0xb2: {  	s29 =	simm.s32 $0x9;
	_ =	strace $0x8000004B  }
0xb3: {  	_ =	swait.ge [sflag:s29], $0x1  }
0xb4: {  	[sflag:s29] =	ssyncadd.s32 $0xFFFFFFFF  }
0xb5: {  	_ =	strace $0x9000004B  }
0xb6: {  	_ =	sfence  }
0xb7: {  	s30 =	sld [smem:$0x0];
	_ =	sdelay $0x2  }
0xb8: {  	s31 =	sshll.u32 s1, $0xD;
	s1 =	sshrl.u32 s1, $0x2  }
0xb9: {  	s3 =	sand.u32 $0x4000, s31;
	s1 =	sadd.s32 s1, s30  }
0xba: {  	s0 =	sor.u32 s3, s0;
	s1 =	sshll.u32 s1, $0x11  }
0xbb: {  	s0 =	sor.u32 s1, s0  }
0xbc: {  	s0 =	sadd.s32 $0x8F2B, s0  }
0xbd: {  	[sflag:s0] =	ssyncadd.remote.s32 $0x1  }
0xbe: {  	_ =	sfence.sel $0xFFFF  }
0xbf: {  	[dreg:$0x0] =	wrdreg $0xFFFFFFFF;
	(pc) =	sbr.abs _section_cstart, $3  }
0xc0: {  	[dreg:$0x1] =	wrdreg $0xFFFFFFFF  }
0xc1: {  	_ =	task.clear_ibuf [dreg:s7], $0x2FFFF;
	_ =	strace $0x9FFFFFFF  }
0xc2: {  	(tm) =	ssettm $0x7FFFFFFF  }
0xc3: {  	_ =	shalt  }
tec
execute0_lowered:
.L_overlay_start_1:
0x0: {  	(tag) =	ssettag $0x1  }
0x1: {  	s3 =	rddreg [dreg:$0x0]  }
0x2: {  	s6 =	rddreg [dreg:$0x1]  }
0x3: {  	s0 =	rddreg [dreg:$0x2];
	s1 =	stileid.u32  }
0x4: {  	s2 =	simm.s32 $0x0;
	s5 =	srdreg.scid;
	s4 =	smul.u32 $0x12C00, s1  }
0x5: {  	[smem:$0x7FF] =	sst s2;
	s5 =	sand.u32 $0x1, s5;
	s7 =	smul.u32 $0x2580, s1  }
0x6: {  	_ =	strace $0x8000004A;
	s8 =	ssub.s32 $0x2, s5;
	s9 =	smul.u32 $0x12C0, s5  }
0x7: {  	s5 =	smul.u32 $0x9600, s5;
	s10 =	sadd.s32 s4, s3;
	s31 =	sshrl.u32 s8, $0x1  }
0x8: {  	s3 =	sadd.s32 $0x18D000, s3;
	s4 =	ssub.s32 s8, s31;
	s7 =	sadd.s32 s9, s7  }
0x9: {  	s5 =	sadd.s32 s5, s10;
	s8 =	simm.s32 $0x78;
	s9 =	simm.s32 $0x1  }
0xa: {  	s10 =	simm.s32 $0x0;
	s4 =	smax.u32 s4, $0x1;
	s7 =	sshrl.u32 s7, $0x3  }
0xb: {  	s5 =	sadd.s32 $0x6600, s5;
	s6 =	sadd.s32 s7, s6;
	s7 =	simm.s32 $0x2  }
.LBB2_1:
0xc: {  	s11 =	sadd.s32 $0x0, s6  }
0xd: {  	[tilespmem:s2], [sflag:$0x2] =	stream.linear.gather [hbm4b:s11+s2], $0x78, $0x38;
	[tilespmem:$0x1E78] =	vst v63  }
0xe: {  	_ =	swait.ge [sflag:s7], $0x78  }
0xf: {  	[sflag:s7] =	ssyncset.done $0x0  }
0x10: {  	[sflag:s7] =	ssyncadd.s32 $0xFFFFFF88  }
0x11: {  	[tilespmem:s8], [sflag:$0x1] =	stream.indirect.gather [hbm4b:s3+s8], $0x40, s2, s8, $0xb8;
	[tilespmem:$0x1E78] =	vst v63  }
0x12: {  	_ =	swait.ge [sflag:s9], $0x1E00  }
0x13: {  	[sflag:s9] =	ssyncset.done $0x0  }
0x14: {  	[sflag:s9] =	ssyncadd.s32 $0xFFFFE200  }
0x15: {  	[hbm4b:s5+s2] =	stream.linear.scatter [tilespmem:s8], [sflag:$0x2], $0x1E00, $0x38;
	[tilespmem:$0x1E78] =	vst v63  }
0x16: {  	s12 =	simm.s32 $0xF;
	_ =	swait.ge [sflag:s7], $0x1E00  }
0x17: {  	s13 =	simm.s32 $0x1E;
	s11 =	sadd.s32 $0x3C0, s5;
	[sflag:s7] =	ssyncset.done $0x0  }
.LBB2_2:
0x18: {  	s14 =	sadd.s32 s12, s6  }
0x19: {  	[sflag:s7] =	ssyncadd.s32 $0xFFFFE200;
	s12 =	smov.u32 s13;
	s15 =	sadd.s32 $0xF, s13  }
0x1a: {  	[tilespmem:s2], [sflag:$0x2] =	stream.linear.gather [hbm4b:s14+s2], $0x78, $0x38;
	[tilespmem:$0x1E78] =	vst v63  }
0x1b: {  	p0 =	sne.s32 s13, $0x249;
	_ =	swait.ge [sflag:s7], $0x78  }
0x1c: {  	[sflag:s7] =	ssyncset.done $0x0  }
0x1d: {  	[sflag:s7] =	ssyncadd.s32 $0xFFFFFF88  }
0x1e: {  	[tilespmem:s8], [sflag:$0x1] =	stream.indirect.gather [hbm4b:s3+s8], $0x40, s2, s8, $0xb8;
	[tilespmem:$0x1E78] =	vst v63  }
0x1f: {  	_ =	swait.ge [sflag:s9], $0x1E00  }
.Ltmp0:
0x20: {  	[sflag:s9] =	ssyncset.done $0x0;
	(pc) =	sbr.rel @p0 .LBB2_2-.Ltmp0, $4  }
0x21: {  	[sflag:s9] =	ssyncadd.s32 $0xFFFFE200  }
0x22: {  	[hbm4b:s11+s2] =	stream.linear.scatter [tilespmem:s8], [sflag:$0x2], $0x1E00, $0x38;
	[tilespmem:$0x1E78] =	vst v63  }
0x23: {  	_ =	swait.ge [sflag:s7], $0x1E00  }
0x24: {  	s13 =	smov.u32 s15;
	s11 =	sadd.s32 $0x3C0, s11;
	[sflag:s7] =	ssyncset.done $0x0  }
0x25: {  	s12 =	sadd.s32 s12, s6;
	[sflag:s7] =	ssyncadd.s32 $0xFFFFE200  }
0x26: {  	[tilespmem:s2], [sflag:$0x2] =	stream.linear.gather [hbm4b:s12+s2], $0x78, $0x38;
	[tilespmem:$0x1E78] =	vst v63  }
0x27: {  	_ =	swait.ge [sflag:s7], $0x78  }
0x28: {  	[sflag:s7] =	ssyncset.done $0x0  }
0x29: {  	[sflag:s7] =	ssyncadd.s32 $0xFFFFFF88  }
0x2a: {  	[tilespmem:s8], [sflag:$0x1] =	stream.indirect.gather [hbm4b:s3+s8], $0x40, s2, s8, $0xb8;
	[tilespmem:$0x1E78] =	vst v63  }
0x2b: {  	s10 =	sadd.s32 $0x1, s10;
	_ =	swait.ge [sflag:s9], $0x1E00  }
0x2c: {  	p0 =	sne.s32 s10, s4;
	[sflag:s9] =	ssyncset.done $0x0  }
.Ltmp1:
0x2d: {  	[sflag:s9] =	ssyncadd.s32 $0xFFFFE200;
	(pc) =	sbr.rel @p0 .LBB2_1-.Ltmp1, $4  }
0x2e: {  	[hbm4b:s11+s2] =	stream.linear.scatter [tilespmem:s8], [sflag:$0x2], $0x1E00, $0x38;
	[tilespmem:$0x1E78] =	vst v63  }
0x2f: {  	_ =	swait.ge [sflag:s7], $0x1E00  }
0x30: {  	[sflag:s7] =	ssyncset.done $0x0  }
0x31: {  	[sflag:s7] =	ssyncadd.s32 $0xFFFFE200  }
0x32: {  	_ =	sfence.sel $0x180000  }
0x33: {  	[bflag:$0x0] =	sbarrier.arrive $0xFFFF  }
0x34: {  	p0 =	sne.s32 s1, $0x0;
	_ =	strace $0x9000004A  }
0x35: {  	s0 =	sadd.s32 @!p0 $0x100000, s0;
	[bflag:$0x2] =	sbarrier.arrive $0xFFFF  }
0x36: {  	[sflag:s0] =	ssyncadd.tile.s32 @!p0 $0x1;
	_ =	shalt  }
.Lfunc_end2:
_tile_overlayer_lowered:
.L_overlay_start_2:
0x37: {  	(tag) =	ssettag $0x2  }
0x38: {  	s0 =	rddreg [dreg:$0x0];
	s2 =	stileid.u32  }
0x39: {  	s1 =	rddreg [dreg:$0x1];
	p0 =	sne.s32 s2, $0x0  }
0x3a: {  	s3 =	rddreg [dreg:$0x2];
	[bflag:$0x3] =	sbarrier.arrive $0xFFFF;
	s2 =	simm.s32 @!p0 $0x1C02  }
0x3b: {  	[timem:s3], [sflag:s2] =	dma.local @!p0 [hbm:s0], s1  }
0x3c: {  	s0 =	simm.s32 @!p0 $0x2  }
0x3d: {  	_ =	swait.ge @!p0 [sflag:s0], s1  }
0x3e: {  	s1 =	ssub.s32 @!p0 $0x0, s1;
	[sflag:s0] =	ssyncset.done @!p0 $0x0  }
0x3f: {  	[sflag:s0] =	ssyncadd.s32 @!p0 s1  }
0x40: {  	[bflag:$0x3] =	sbarrier.arrive $0xFFFF  }
0x41: {  	_ =	shalt  }

</sc_bundles>
